<compile_context>
chip_gen: v7x
topology: tpu7x:2x2x1
jax: 0.10.2.dev20260603
libtpu: 0.0.44.dev20260713+nightly
codegen_flags: <defaults>
</compile_context>

<pallas_src>
import functools

import jax
import jax.numpy as jnp
from jax import lax
from jax.experimental import pallas as pl
from jax.experimental.pallas import tpu as pltpu
from jax.experimental.pallas import tpu_sc as plsc

N = 16384
V = 1000000
D = 64
E = 4

NC = 2
NS = 16
L = 16
NW = NC * NS
BPW = N // NW
GPB = 8
BLK = GPB * L
NBLK = BPW // BLK
WAVE = 64
NWAVE = BPW // WAVE


def _sc_body(nodes_hbm, emb_hbm, wb_hbm, ew_hbm, out_hbm,
             idx_v, rows_v, wb_v, ew_v, sco_v, res_v, sem):
    wid = lax.axis_index("s") * NC + lax.axis_index("c")
    base = wid * BPW

    pltpu.sync_copy(nodes_hbm.at[pl.ds(base, BPW)], idx_v)
    pltpu.sync_copy(wb_hbm, wb_v)
    pltpu.sync_copy(ew_hbm, ew_v)

    def issue_wave(w):
        def issue(j, _):
            i0 = w * WAVE + j * L
            vec = idx_v[pl.ds(i0, L)]
            for k in range(L):
                pltpu.async_copy(emb_hbm.at[pl.ds(vec[k], 1), :],
                                 rows_v.at[pl.ds(i0 + k, 1), :], sem)
            return 0
        lax.fori_loop(0, WAVE // L, issue, 0)

    def drain_wave(w):
        def drain(j, _):
            i = w * WAVE + j
            pltpu.make_async_copy(emb_hbm.at[pl.ds(0, 1), :],
                                  rows_v.at[pl.ds(i, 1), :], sem).wait()
            return 0
        lax.fori_loop(0, WAVE, drain, 0)

    def prime(w, _):
        issue_wave(w)
        return 0

    lax.fori_loop(0, 4, prime, 0)

    lanes = lax.iota(jnp.int32, L)
    zero = jnp.zeros((L,), jnp.float32)

    def block_body(b, carry):
        drain_wave(2 * b)
        drain_wave(2 * b + 1)

        @pl.when(2 * b + 4 < NWAVE)
        def _():
            issue_wave(2 * b + 4)
            issue_wave(2 * b + 5)

        tok0 = b * BLK
        toks = [tok0 + g * L + lanes for g in range(GPB)]

        def d_body(d, accs):
            w = [wb_v[pl.ds((e * D) * L + d * L, L)] for e in range(E)]
            dvec = jnp.full((L,), 0, jnp.int32) + d
            new = []
            for g in range(GPB):
                col = plsc.load_gather(rows_v, [toks[g], dvec])
                prev = accs[g]
                new.append(tuple(prev[e] + col * w[e] for e in range(E)))
            return tuple(new)

        init = tuple(tuple(zero for _ in range(E)) for _ in range(GPB))
        accs = lax.fori_loop(0, D, d_body, init)

        for g in range(GPB):
            s0, s1, s2, s3 = accs[g]
            m = jnp.maximum(jnp.maximum(s0, s1), jnp.maximum(s2, s3))
            e0 = jnp.exp(s0 - m)
            e1 = jnp.exp(s1 - m)
            e2 = jnp.exp(s2 - m)
            e3 = jnp.exp(s3 - m)
            r = 1.0 / (e0 + e1 + e2 + e3)
            p0, p1, p2, p3 = e0 * r, e1 * r, e2 * r, e3 * r
            c0 = (s0 >= s1) & (s0 >= s2) & (s0 >= s3)
            c1 = (s1 >= s2) & (s1 >= s3)
            c2 = s2 >= s3
            two = jnp.full((L,), 2, jnp.int32)
            three = jnp.full((L,), 3, jnp.int32)
            one = jnp.full((L,), 1, jnp.int32)
            zi = jnp.full((L,), 0, jnp.int32)
            choice = jnp.where(c0, zi, jnp.where(c1, one, jnp.where(c2, two, three)))
            c4 = choice * 4
            ps = (p0, p1, p2, p3)
            res = zero
            for j in range(E):
                wj = plsc.load_gather(ew_v, [c4 + jnp.full((L,), j, jnp.int32)])
                res = res + wj * ps[j]
            off = tok0 + g * L
            sco_v[pl.ds(0 * BPW + off, L)] = p0
            sco_v[pl.ds(1 * BPW + off, L)] = p1
            sco_v[pl.ds(2 * BPW + off, L)] = p2
            sco_v[pl.ds(3 * BPW + off, L)] = p3
            res_v[pl.ds(off, L)] = res
        return carry

    lax.fori_loop(0, NBLK, block_body, 0)

    for e in range(E):
        pltpu.sync_copy(sco_v.at[pl.ds(e * BPW, BPW)],
                        out_hbm.at[pl.ds(e * N + base, BPW)])
    pltpu.sync_copy(res_v, out_hbm.at[pl.ds(E * N + base, BPW)])


@jax.jit
def kernel(nodes, emb_table, W, expert_w):
    wb = jnp.broadcast_to(W[:, :, None], (E, D, L)).reshape(-1).astype(jnp.float32)
    ewf = expert_w.reshape(-1).astype(jnp.float32)
    nodes32 = nodes.astype(jnp.int32)
    mesh = plsc.VectorSubcoreMesh(core_axis_name="c", subcore_axis_name="s")
    f = pl.kernel(
        _sc_body,
        out_type=jax.ShapeDtypeStruct((E * N + N,), jnp.float32),
        mesh=mesh,
        compiler_params=pltpu.CompilerParams(needs_layout_passes=False),
        scratch_types=[
            pltpu.VMEM((BPW,), jnp.int32),
            pltpu.VMEM((BPW, D), jnp.float32),
            pltpu.VMEM((E * D * L,), jnp.float32),
            pltpu.VMEM((E * E,), jnp.float32),
            pltpu.VMEM((E * BPW,), jnp.float32),
            pltpu.VMEM((BPW,), jnp.float32),
            pltpu.SemaphoreType.DMA,
        ],
    )
    return f(nodes32, emb_table, wb, ewf)

# --- scband reference (transcript-rebuilt; emitter-appended) ---
"""Pipeline reference for scband-model-59261958750925 (READ-ONLY COPY).

The authoritative reference and input builder live on the scoring server;
editing this copy changes nothing except your own understanding.
"""

import jax, jax.numpy as jnp
import numpy as np

N = 16384
V = 1000000
D = 64
E = 4

def setup_inputs(seed: int = 0) -> dict:
    key = jax.random.key(seed)
    k1, k2, k3, k4 = jax.random.split(key, 4)
    nodes = jax.random.randint(k1, (N,), 0, V)
    emb_table = jax.random.normal(k2, (V, D), dtype=jnp.float32) * 0.02
    limit = float(np.sqrt(6.0 / (E + D)))
    W = jax.random.uniform(k3, (E, D), minval=-limit, maxval=limit, dtype=jnp.float32)
    expert_w = jax.random.normal(k4, (E, E), dtype=jnp.float32) * 0.1
    return {"nodes": nodes, "emb_table": emb_table, "W": W, "expert_w": expert_w}

def reference(nodes, emb_table, W, expert_w):
    # enc(nodes): embedding gather, returns [embed_dim, N] as in original (weight.mm(embeds))
    embeds = jnp.take(emb_table, nodes, axis=0).T          # [D, N]
    scores = W @ embeds                                     # [E, N]
    scores = jax.nn.softmax(scores, axis=0)                 # softmax over experts (dim=0)
    # per-token hard routing by argmax over experts (intended semantics of the buggy loop)
    choice = jnp.argmax(scores, axis=0)                     # [N] in [0, E)
    all_out = expert_w @ scores                             # [E, N]: every expert applied to every token's score vec
    result = jnp.take_along_axis(all_out, choice[None, :], axis=0)[0]  # [N] routed expert output
    # torch.cat(scores, result) analogue: flatten scores and concat routed results
    return jnp.concatenate([scores.reshape(-1), result])

if __name__ == "__main__":
    import jax
    _d = setup_inputs()
    print(jax.jit(kernel)(*tuple(_d.values())))

</pallas_src>

<mosaic_0001>
#map = affine_map<(d0, d1) -> (0)>
#map1 = affine_map<(d0, d1) -> (0, 0)>
module attributes {stable_mosaic.version = 14 : i64} {
  func.func @_sc_body(%arg0: i32, %arg1: i32, %arg2: memref<16384xi32, #tpu.memory_space<hbm>>, %arg3: memref<1000000x64xf32, #tpu.memory_space<hbm>>, %arg4: memref<4096xf32, #tpu.memory_space<hbm>>, %arg5: memref<16xf32, #tpu.memory_space<hbm>>, %arg6: memref<81920xf32, #tpu.memory_space<hbm>>, %arg7: memref<512xi32, #tpu.memory_space<vmem>>, %arg8: memref<512x64xf32, #tpu.memory_space<vmem>>, %arg9: memref<4096xf32, #tpu.memory_space<vmem>>, %arg10: memref<16xf32, #tpu.memory_space<vmem>>, %arg11: memref<2048xf32, #tpu.memory_space<vmem>>, %arg12: memref<512xf32, #tpu.memory_space<vmem>>, %arg13: memref<!tpu.dma_semaphore, #tpu.memory_space<semaphore_mem>>) attributes {dimension_semantics = [#tpu.dimension_semantics<core_parallel>, #tpu.dimension_semantics<subcore_parallel>], iteration_bounds = array<i64: 2, 16>, scalar_prefetch = 0 : i64, scratch_operands = 7 : i64, tpu.core_type = #tpu.core_type<sc_vector_subcore>, window_params = [{transform_indices = #map}, {transform_indices = #map1}, {transform_indices = #map}, {transform_indices = #map}, {transform_indices = #map}]} {
    %mul3A = arith.constant 2 : i32
    %mul3A_0 = arith.muli %arg1, %mul3A : i32
    %add3A = arith.addi %mul3A_0, %arg0 : i32
    %mul3A_1 = arith.constant 512 : i32
    %mul3A_2 = arith.muli %add3A, %mul3A_1 : i32
    "tpu.region"() ({
      %run_scoped3A = tpu.sem_alloc : memref<!tpu.dma_semaphore, #tpu.memory_space<semaphore_mem>>
      %dma_start3A = tpu.memref_slice %arg2[%mul3A_2] : memref<16384xi32, #tpu.memory_space<hbm>> -> memref<512xi32, #tpu.memory_space<hbm>>
      %dma_start3A_26 = tpu.memref_slice %arg2[%mul3A_2] : memref<16384xi32, #tpu.memory_space<hbm>> -> memref<512xi32, #tpu.memory_space<hbm>>
      tpu.enqueue_dma source(%dma_start3A_26 : memref<512xi32, #tpu.memory_space<hbm>>) target(%arg7 : memref<512xi32, #tpu.memory_space<vmem>>) target_semaphore(%run_scoped3A : memref<!tpu.dma_semaphore, #tpu.memory_space<semaphore_mem>>)
      %dma_wait3A = tpu.memref_slice %arg2[%mul3A_2] : memref<16384xi32, #tpu.memory_space<hbm>> -> memref<512xi32, #tpu.memory_space<hbm>>
      %dma_wait3A_27 = tpu.memref_slice %arg2[%mul3A_2] : memref<16384xi32, #tpu.memory_space<hbm>> -> memref<512xi32, #tpu.memory_space<hbm>>
      tpu.wait_dma2 semaphore(%run_scoped3A : memref<!tpu.dma_semaphore, #tpu.memory_space<semaphore_mem>>) src(%dma_wait3A_27 : memref<512xi32, #tpu.memory_space<hbm>>) dst(%arg7 : memref<512xi32, #tpu.memory_space<vmem>>)
      tpu.yield
    }) : () -> ()
    "tpu.region"() ({
      %run_scoped3A = tpu.sem_alloc : memref<!tpu.dma_semaphore, #tpu.memory_space<semaphore_mem>>
      tpu.enqueue_dma source(%arg4 : memref<4096xf32, #tpu.memory_space<hbm>>) target(%arg9 : memref<4096xf32, #tpu.memory_space<vmem>>) target_semaphore(%run_scoped3A : memref<!tpu.dma_semaphore, #tpu.memory_space<semaphore_mem>>)
      tpu.wait_dma2 semaphore(%run_scoped3A : memref<!tpu.dma_semaphore, #tpu.memory_space<semaphore_mem>>) src(%arg4 : memref<4096xf32, #tpu.memory_space<hbm>>) dst(%arg9 : memref<4096xf32, #tpu.memory_space<vmem>>)
      tpu.yield
    }) : () -> ()
    "tpu.region"() ({
      %run_scoped3A = tpu.sem_alloc : memref<!tpu.dma_semaphore, #tpu.memory_space<semaphore_mem>>
      tpu.enqueue_dma source(%arg5 : memref<16xf32, #tpu.memory_space<hbm>>) target(%arg10 : memref<16xf32, #tpu.memory_space<vmem>>) target_semaphore(%run_scoped3A : memref<!tpu.dma_semaphore, #tpu.memory_space<semaphore_mem>>)
      tpu.wait_dma2 semaphore(%run_scoped3A : memref<!tpu.dma_semaphore, #tpu.memory_space<semaphore_mem>>) src(%arg5 : memref<16xf32, #tpu.memory_space<hbm>>) dst(%arg10 : memref<16xf32, #tpu.memory_space<vmem>>)
      tpu.yield
    }) : () -> ()
    %scan3A = arith.constant 0 : i32
    %scan3A_3 = arith.constant 0 : i32
    %scan3A_4 = arith.constant 4 : i32
    %scan3A_5 = arith.addi %scan3A_3, %scan3A_4 : i32
    %scan3A_6 = arith.constant 1 : i32
    %scan3A_7 = scf.for %scan3A_26 = %scan3A_3 to %scan3A_5 step %scan3A_6 iter_args(%scan3A_27 = %scan3A) -> (i32)  : i32 {
      %scan3A_28 = arith.constant 0 : i32
      %scan3A_29 = arith.constant 0 : i32
      %scan3A_30 = arith.constant 4 : i32
      %scan3A_31 = arith.addi %scan3A_29, %scan3A_30 : i32
      %scan3A_32 = arith.constant 1 : i32
      %scan3A_33 = scf.for %scan3A_36 = %scan3A_29 to %scan3A_31 step %scan3A_32 iter_args(%scan3A_37 = %scan3A_28) -> (i32)  : i32 {
        %mul3A_38 = arith.constant 64 : i32
        %mul3A_39 = arith.muli %scan3A_26, %mul3A_38 : i32
        %mul3A_40 = arith.constant 16 : i32
        %mul3A_41 = arith.muli %scan3A_36, %mul3A_40 : i32
        %add3A_42 = arith.addi %mul3A_39, %mul3A_41 : i32
        %get3A = arith.index_cast %add3A_42 : i32 to index
        %get3A_43 = tpu.vector_load %arg7[%get3A] {strides = array<i32>} : memref<512xi32, #tpu.memory_space<vmem>>, vector<16xi32>,
        %slice3A = vector.extract_strided_slice %get3A_43 {offsets = [0], sizes = [1], strides = [1]} : vector<16xi32> to vector<1xi32>
        %squeeze3A = vector.extract %slice3A[0] : i32 from vector<1xi32>
        %add3A_44 = arith.constant 0 : i32
        %add3A_45 = arith.addi %add3A_42, %add3A_44 : i32
        %dma_start3A = arith.constant 0 : i32
        %dma_start3A_46 = tpu.memref_slice %arg8[%add3A_45, %dma_start3A] : memref<512x64xf32, #tpu.memory_space<vmem>> -> memref<1x64xf32, #tpu.memory_space<vmem>>
        %dma_start3A_47 = arith.constant 0 : i32
        %dma_start3A_48 = tpu.memref_slice %arg3[%squeeze3A, %dma_start3A_47] : memref<1000000x64xf32, #tpu.memory_space<hbm>> -> memref<1x64xf32, #tpu.memory_space<hbm>>
        %dma_start3A_49 = arith.constant 0 : i32
        %dma_start3A_50 = tpu.memref_slice %arg8[%add3A_45, %dma_start3A_49] : memref<512x64xf32, #tpu.memory_space<vmem>> -> memref<1x64xf32, #tpu.memory_space<vmem>>
        %dma_start3A_51 = arith.constant 0 : i32
        %dma_start3A_52 = tpu.memref_slice %arg3[%squeeze3A, %dma_start3A_51] : memref<1000000x64xf32, #tpu.memory_space<hbm>> -> memref<1x64xf32, #tpu.memory_space<hbm>>
        tpu.enqueue_dma source(%dma_start3A_52 : memref<1x64xf32, #tpu.memory_space<hbm>>) target(%dma_start3A_50 : memref<1x64xf32, #tpu.memory_space<vmem>>) target_semaphore(%arg13 : memref<!tpu.dma_semaphore, #tpu.memory_space<semaphore_mem>>)
        %slice3A_53 = vector.extract_strided_slice %get3A_43 {offsets = [1], sizes = [1], strides = [1]} : vector<16xi32> to vector<1xi32>
        %squeeze3A_54 = vector.extract %slice3A_53[0] : i32 from vector<1xi32>
        %add3A_55 = arith.constant 1 : i32
        %add3A_56 = arith.addi %add3A_42, %add3A_55 : i32
        %dma_start3A_57 = arith.constant 0 : i32
        %dma_start3A_58 = tpu.memref_slice %arg8[%add3A_56, %dma_start3A_57] : memref<512x64xf32, #tpu.memory_space<vmem>> -> memref<1x64xf32, #tpu.memory_space<vmem>>
        %dma_start3A_59 = arith.constant 0 : i32
        %dma_start3A_60 = tpu.memref_slice %arg3[%squeeze3A_54, %dma_start3A_59] : memref<1000000x64xf32, #tpu.memory_space<hbm>> -> memref<1x64xf32, #tpu.memory_space<hbm>>
        %dma_start3A_61 = arith.constant 0 : i32
        %dma_start3A_62 = tpu.memref_slice %arg8[%add3A_56, %dma_start3A_61] : memref<512x64xf32, #tpu.memory_space<vmem>> -> memref<1x64xf32, #tpu.memory_space<vmem>>
        %dma_start3A_63 = arith.constant 0 : i32
        %dma_start3A_64 = tpu.memref_slice %arg3[%squeeze3A_54, %dma_start3A_63] : memref<1000000x64xf32, #tpu.memory_space<hbm>> -> memref<1x64xf32, #tpu.memory_space<hbm>>
        tpu.enqueue_dma source(%dma_start3A_64 : memref<1x64xf32, #tpu.memory_space<hbm>>) target(%dma_start3A_62 : memref<1x64xf32, #tpu.memory_space<vmem>>) target_semaphore(%arg13 : memref<!tpu.dma_semaphore, #tpu.memory_space<semaphore_mem>>)
        %slice3A_65 = vector.extract_strided_slice %get3A_43 {offsets = [2], sizes = [1], strides = [1]} : vector<16xi32> to vector<1xi32>
        %squeeze3A_66 = vector.extract %slice3A_65[0] : i32 from vector<1xi32>
        %add3A_67 = arith.constant 2 : i32
        %add3A_68 = arith.addi %add3A_42, %add3A_67 : i32
        %dma_start3A_69 = arith.constant 0 : i32
        %dma_start3A_70 = tpu.memref_slice %arg8[%add3A_68, %dma_start3A_69] : memref<512x64xf32, #tpu.memory_space<vmem>> -> memref<1x64xf32, #tpu.memory_space<vmem>>
        %dma_start3A_71 = arith.constant 0 : i32
        %dma_start3A_72 = tpu.memref_slice %arg3[%squeeze3A_66, %dma_start3A_71] : memref<1000000x64xf32, #tpu.memory_space<hbm>> -> memref<1x64xf32, #tpu.memory_space<hbm>>
        %dma_start3A_73 = arith.constant 0 : i32
        %dma_start3A_74 = tpu.memref_slice %arg8[%add3A_68, %dma_start3A_73] : memref<512x64xf32, #tpu.memory_space<vmem>> -> memref<1x64xf32, #tpu.memory_space<vmem>>
        %dma_start3A_75 = arith.constant 0 : i32
        %dma_start3A_76 = tpu.memref_slice %arg3[%squeeze3A_66, %dma_start3A_75] : memref<1000000x64xf32, #tpu.memory_space<hbm>> -> memref<1x64xf32, #tpu.memory_space<hbm>>
        tpu.enqueue_dma source(%dma_start3A_76 : memref<1x64xf32, #tpu.memory_space<hbm>>) target(%dma_start3A_74 : memref<1x64xf32, #tpu.memory_space<vmem>>) target_semaphore(%arg13 : memref<!tpu.dma_semaphore, #tpu.memory_space<semaphore_mem>>)
        %slice3A_77 = vector.extract_strided_slice %get3A_43 {offsets = [3], sizes = [1], strides = [1]} : vector<16xi32> to vector<1xi32>
        %squeeze3A_78 = vector.extract %slice3A_77[0] : i32 from vector<1xi32>
        %add3A_79 = arith.constant 3 : i32
        %add3A_80 = arith.addi %add3A_42, %add3A_79 : i32
        %dma_start3A_81 = arith.constant 0 : i32
        %dma_start3A_82 = tpu.memref_slice %arg8[%add3A_80, %dma_start3A_81] : memref<512x64xf32, #tpu.memory_space<vmem>> -> memref<1x64xf32, #tpu.memory_space<vmem>>
        %dma_start3A_83 = arith.constant 0 : i32
        %dma_start3A_84 = tpu.memref_slice %arg3[%squeeze3A_78, %dma_start3A_83] : memref<1000000x64xf32, #tpu.memory_space<hbm>> -> memref<1x64xf32, #tpu.memory_space<hbm>>
        %dma_start3A_85 = arith.constant 0 : i32
        %dma_start3A_86 = tpu.memref_slice %arg8[%add3A_80, %dma_start3A_85] : memref<512x64xf32, #tpu.memory_space<vmem>> -> memref<1x64xf32, #tpu.memory_space<vmem>>
        %dma_start3A_87 = arith.constant 0 : i32
        %dma_start3A_88 = tpu.memref_slice %arg3[%squeeze3A_78, %dma_start3A_87] : memref<1000000x64xf32, #tpu.memory_space<hbm>> -> memref<1x64xf32, #tpu.memory_space<hbm>>
        tpu.enqueue_dma source(%dma_start3A_88 : memref<1x64xf32, #tpu.memory_space<hbm>>) target(%dma_start3A_86 : memref<1x64xf32, #tpu.memory_space<vmem>>) target_semaphore(%arg13 : memref<!tpu.dma_semaphore, #tpu.memory_space<semaphore_mem>>)
        %slice3A_89 = vector.extract_strided_slice %get3A_43 {offsets = [4], sizes = [1], strides = [1]} : vector<16xi32> to vector<1xi32>
        %squeeze3A_90 = vector.extract %slice3A_89[0] : i32 from vector<1xi32>
        %add3A_91 = arith.constant 4 : i32
        %add3A_92 = arith.addi %add3A_42, %add3A_91 : i32
        %dma_start3A_93 = arith.constant 0 : i32
        %dma_start3A_94 = tpu.memref_slice %arg8[%add3A_92, %dma_start3A_93] : memref<512x64xf32, #tpu.memory_space<vmem>> -> memref<1x64xf32, #tpu.memory_space<vmem>>
        %dma_start3A_95 = arith.constant 0 : i32
        %dma_start3A_96 = tpu.memref_slice %arg3[%squeeze3A_90, %dma_start3A_95] : memref<1000000x64xf32, #tpu.memory_space<hbm>> -> memref<1x64xf32, #tpu.memory_space<hbm>>
        %dma_start3A_97 = arith.constant 0 : i32
        %dma_start3A_98 = tpu.memref_slice %arg8[%add3A_92, %dma_start3A_97] : memref<512x64xf32, #tpu.memory_space<vmem>> -> memref<1x64xf32, #tpu.memory_space<vmem>>
        %dma_start3A_99 = arith.constant 0 : i32
        %dma_start3A_100 = tpu.memref_slice %arg3[%squeeze3A_90, %dma_start3A_99] : memref<1000000x64xf32, #tpu.memory_space<hbm>> -> memref<1x64xf32, #tpu.memory_space<hbm>>
        tpu.enqueue_dma source(%dma_start3A_100 : memref<1x64xf32, #tpu.memory_space<hbm>>) target(%dma_start3A_98 : memref<1x64xf32, #tpu.memory_space<vmem>>) target_semaphore(%arg13 : memref<!tpu.dma_semaphore, #tpu.memory_space<semaphore_mem>>)
        %slice3A_101 = vector.extract_strided_slice %get3A_43 {offsets = [5], sizes = [1], strides = [1]} : vector<16xi32> to vector<1xi32>
        %squeeze3A_102 = vector.extract %slice3A_101[0] : i32 from vector<1xi32>
        %add3A_103 = arith.constant 5 : i32
        %add3A_104 = arith.addi %add3A_42, %add3A_103 : i32
        %dma_start3A_105 = arith.constant 0 : i32
        %dma_start3A_106 = tpu.memref_slice %arg8[%add3A_104, %dma_start3A_105] : memref<512x64xf32, #tpu.memory_space<vmem>> -> memref<1x64xf32, #tpu.memory_space<vmem>>
        %dma_start3A_107 = arith.constant 0 : i32
        %dma_start3A_108 = tpu.memref_slice %arg3[%squeeze3A_102, %dma_start3A_107] : memref<1000000x64xf32, #tpu.memory_space<hbm>> -> memref<1x64xf32, #tpu.memory_space<hbm>>
        %dma_start3A_109 = arith.constant 0 : i32
        %dma_start3A_110 = tpu.memref_slice %arg8[%add3A_104, %dma_start3A_109] : memref<512x64xf32, #tpu.memory_space<vmem>> -> memref<1x64xf32, #tpu.memory_space<vmem>>
        %dma_start3A_111 = arith.constant 0 : i32
        %dma_start3A_112 = tpu.memref_slice %arg3[%squeeze3A_102, %dma_start3A_111] : memref<1000000x64xf32, #tpu.memory_space<hbm>> -> memref<1x64xf32, #tpu.memory_space<hbm>>
        tpu.enqueue_dma source(%dma_start3A_112 : memref<1x64xf32, #tpu.memory_space<hbm>>) target(%dma_start3A_110 : memref<1x64xf32, #tpu.memory_space<vmem>>) target_semaphore(%arg13 : memref<!tpu.dma_semaphore, #tpu.memory_space<semaphore_mem>>)
        %slice3A_113 = vector.extract_strided_slice %get3A_43 {offsets = [6], sizes = [1], strides = [1]} : vector<16xi32> to vector<1xi32>
        %squeeze3A_114 = vector.extract %slice3A_113[0] : i32 from vector<1xi32>
        %add3A_115 = arith.constant 6 : i32
        %add3A_116 = arith.addi %add3A_42, %add3A_115 : i32
        %dma_start3A_117 = arith.constant 0 : i32
        %dma_start3A_118 = tpu.memref_slice %arg8[%add3A_116, %dma_start3A_117] : memref<512x64xf32, #tpu.memory_space<vmem>> -> memref<1x64xf32, #tpu.memory_space<vmem>>
        %dma_start3A_119 = arith.constant 0 : i32
        %dma_start3A_120 = tpu.memref_slice %arg3[%squeeze3A_114, %dma_start3A_119] : memref<1000000x64xf32, #tpu.memory_space<hbm>> -> memref<1x64xf32, #tpu.memory_space<hbm>>
        %dma_start3A_121 = arith.constant 0 : i32
        %dma_start3A_122 = tpu.memref_slice %arg8[%add3A_116, %dma_start3A_121] : memref<512x64xf32, #tpu.memory_space<vmem>> -> memref<1x64xf32, #tpu.memory_space<vmem>>
        %dma_start3A_123 = arith.constant 0 : i32
        %dma_start3A_124 = tpu.memref_slice %arg3[%squeeze3A_114, %dma_start3A_123] : memref<1000000x64xf32, #tpu.memory_space<hbm>> -> memref<1x64xf32, #tpu.memory_space<hbm>>
        tpu.enqueue_dma source(%dma_start3A_124 : memref<1x64xf32, #tpu.memory_space<hbm>>) target(%dma_start3A_122 : memref<1x64xf32, #tpu.memory_space<vmem>>) target_semaphore(%arg13 : memref<!tpu.dma_semaphore, #tpu.memory_space<semaphore_mem>>)
        %slice3A_125 = vector.extract_strided_slice %get3A_43 {offsets = [7], sizes = [1], strides = [1]} : vector<16xi32> to vector<1xi32>
        %squeeze3A_126 = vector.extract %slice3A_125[0] : i32 from vector<1xi32>
        %add3A_127 = arith.constant 7 : i32
        %add3A_128 = arith.addi %add3A_42, %add3A_127 : i32
        %dma_start3A_129 = arith.constant 0 : i32
        %dma_start3A_130 = tpu.memref_slice %arg8[%add3A_128, %dma_start3A_129] : memref<512x64xf32, #tpu.memory_space<vmem>> -> memref<1x64xf32, #tpu.memory_space<vmem>>
        %dma_start3A_131 = arith.constant 0 : i32
        %dma_start3A_132 = tpu.memref_slice %arg3[%squeeze3A_126, %dma_start3A_131] : memref<1000000x64xf32, #tpu.memory_space<hbm>> -> memref<1x64xf32, #tpu.memory_space<hbm>>
        %dma_start3A_133 = arith.constant 0 : i32
        %dma_start3A_134 = tpu.memref_slice %arg8[%add3A_128, %dma_start3A_133] : memref<512x64xf32, #tpu.memory_space<vmem>> -> memref<1x64xf32, #tpu.memory_space<vmem>>
        %dma_start3A_135 = arith.constant 0 : i32
        %dma_start3A_136 = tpu.memref_slice %arg3[%squeeze3A_126, %dma_start3A_135] : memref<1000000x64xf32, #tpu.memory_space<hbm>> -> memref<1x64xf32, #tpu.memory_space<hbm>>
        tpu.enqueue_dma source(%dma_start3A_136 : memref<1x64xf32, #tpu.memory_space<hbm>>) target(%dma_start3A_134 : memref<1x64xf32, #tpu.memory_space<vmem>>) target_semaphore(%arg13 : memref<!tpu.dma_semaphore, #tpu.memory_space<semaphore_mem>>)
        %slice3A_137 = vector.extract_strided_slice %get3A_43 {offsets = [8], sizes = [1], strides = [1]} : vector<16xi32> to vector<1xi32>
        %squeeze3A_138 = vector.extract %slice3A_137[0] : i32 from vector<1xi32>
        %add3A_139 = arith.constant 8 : i32
        %add3A_140 = arith.addi %add3A_42, %add3A_139 : i32
        %dma_start3A_141 = arith.constant 0 : i32
        %dma_start3A_142 = tpu.memref_slice %arg8[%add3A_140, %dma_start3A_141] : memref<512x64xf32, #tpu.memory_space<vmem>> -> memref<1x64xf32, #tpu.memory_space<vmem>>
        %dma_start3A_143 = arith.constant 0 : i32
        %dma_start3A_144 = tpu.memref_slice %arg3[%squeeze3A_138, %dma_start3A_143] : memref<1000000x64xf32, #tpu.memory_space<hbm>> -> memref<1x64xf32, #tpu.memory_space<hbm>>
        %dma_start3A_145 = arith.constant 0 : i32
        %dma_start3A_146 = tpu.memref_slice %arg8[%add3A_140, %dma_start3A_145] : memref<512x64xf32, #tpu.memory_space<vmem>> -> memref<1x64xf32, #tpu.memory_space<vmem>>
        %dma_start3A_147 = arith.constant 0 : i32
        %dma_start3A_148 = tpu.memref_slice %arg3[%squeeze3A_138, %dma_start3A_147] : memref<1000000x64xf32, #tpu.memory_space<hbm>> -> memref<1x64xf32, #tpu.memory_space<hbm>>
        tpu.enqueue_dma source(%dma_start3A_148 : memref<1x64xf32, #tpu.memory_space<hbm>>) target(%dma_start3A_146 : memref<1x64xf32, #tpu.memory_space<vmem>>) target_semaphore(%arg13 : memref<!tpu.dma_semaphore, #tpu.memory_space<semaphore_mem>>)
        %slice3A_149 = vector.extract_strided_slice %get3A_43 {offsets = [9], sizes = [1], strides = [1]} : vector<16xi32> to vector<1xi32>
        %squeeze3A_150 = vector.extract %slice3A_149[0] : i32 from vector<1xi32>
        %add3A_151 = arith.constant 9 : i32
        %add3A_152 = arith.addi %add3A_42, %add3A_151 : i32
        %dma_start3A_153 = arith.constant 0 : i32
        %dma_start3A_154 = tpu.memref_slice %arg8[%add3A_152, %dma_start3A_153] : memref<512x64xf32, #tpu.memory_space<vmem>> -> memref<1x64xf32, #tpu.memory_space<vmem>>
        %dma_start3A_155 = arith.constant 0 : i32
        %dma_start3A_156 = tpu.memref_slice %arg3[%squeeze3A_150, %dma_start3A_155] : memref<1000000x64xf32, #tpu.memory_space<hbm>> -> memref<1x64xf32, #tpu.memory_space<hbm>>
        %dma_start3A_157 = arith.constant 0 : i32
        %dma_start3A_158 = tpu.memref_slice %arg8[%add3A_152, %dma_start3A_157] : memref<512x64xf32, #tpu.memory_space<vmem>> -> memref<1x64xf32, #tpu.memory_space<vmem>>
        %dma_start3A_159 = arith.constant 0 : i32
        %dma_start3A_160 = tpu.memref_slice %arg3[%squeeze3A_150, %dma_start3A_159] : memref<1000000x64xf32, #tpu.memory_space<hbm>> -> memref<1x64xf32, #tpu.memory_space<hbm>>
        tpu.enqueue_dma source(%dma_start3A_160 : memref<1x64xf32, #tpu.memory_space<hbm>>) target(%dma_start3A_158 : memref<1x64xf32, #tpu.memory_space<vmem>>) target_semaphore(%arg13 : memref<!tpu.dma_semaphore, #tpu.memory_space<semaphore_mem>>)
        %slice3A_161 = vector.extract_strided_slice %get3A_43 {offsets = [10], sizes = [1], strides = [1]} : vector<16xi32> to vector<1xi32>
        %squeeze3A_162 = vector.extract %slice3A_161[0] : i32 from vector<1xi32>
        %add3A_163 = arith.constant 10 : i32
        %add3A_164 = arith.addi %add3A_42, %add3A_163 : i32
        %dma_start3A_165 = arith.constant 0 : i32
        %dma_start3A_166 = tpu.memref_slice %arg8[%add3A_164, %dma_start3A_165] : memref<512x64xf32, #tpu.memory_space<vmem>> -> memref<1x64xf32, #tpu.memory_space<vmem>>
        %dma_start3A_167 = arith.constant 0 : i32
        %dma_start3A_168 = tpu.memref_slice %arg3[%squeeze3A_162, %dma_start3A_167] : memref<1000000x64xf32, #tpu.memory_space<hbm>> -> memref<1x64xf32, #tpu.memory_space<hbm>>
        %dma_start3A_169 = arith.constant 0 : i32
        %dma_start3A_170 = tpu.memref_slice %arg8[%add3A_164, %dma_start3A_169] : memref<512x64xf32, #tpu.memory_space<vmem>> -> memref<1x64xf32, #tpu.memory_space<vmem>>
        %dma_start3A_171 = arith.constant 0 : i32
        %dma_start3A_172 = tpu.memref_slice %arg3[%squeeze3A_162, %dma_start3A_171] : memref<1000000x64xf32, #tpu.memory_space<hbm>> -> memref<1x64xf32, #tpu.memory_space<hbm>>
        tpu.enqueue_dma source(%dma_start3A_172 : memref<1x64xf32, #tpu.memory_space<hbm>>) target(%dma_start3A_170 : memref<1x64xf32, #tpu.memory_space<vmem>>) target_semaphore(%arg13 : memref<!tpu.dma_semaphore, #tpu.memory_space<semaphore_mem>>)
        %slice3A_173 = vector.extract_strided_slice %get3A_43 {offsets = [11], sizes = [1], strides = [1]} : vector<16xi32> to vector<1xi32>
        %squeeze3A_174 = vector.extract %slice3A_173[0] : i32 from vector<1xi32>
        %add3A_175 = arith.constant 11 : i32
        %add3A_176 = arith.addi %add3A_42, %add3A_175 : i32
        %dma_start3A_177 = arith.constant 0 : i32
        %dma_start3A_178 = tpu.memref_slice %arg8[%add3A_176, %dma_start3A_177] : memref<512x64xf32, #tpu.memory_space<vmem>> -> memref<1x64xf32, #tpu.memory_space<vmem>>
        %dma_start3A_179 = arith.constant 0 : i32
        %dma_start3A_180 = tpu.memref_slice %arg3[%squeeze3A_174, %dma_start3A_179] : memref<1000000x64xf32, #tpu.memory_space<hbm>> -> memref<1x64xf32, #tpu.memory_space<hbm>>
        %dma_start3A_181 = arith.constant 0 : i32
        %dma_start3A_182 = tpu.memref_slice %arg8[%add3A_176, %dma_start3A_181] : memref<512x64xf32, #tpu.memory_space<vmem>> -> memref<1x64xf32, #tpu.memory_space<vmem>>
        %dma_start3A_183 = arith.constant 0 : i32
        %dma_start3A_184 = tpu.memref_slice %arg3[%squeeze3A_174, %dma_start3A_183] : memref<1000000x64xf32, #tpu.memory_space<hbm>> -> memref<1x64xf32, #tpu.memory_space<hbm>>
        tpu.enqueue_dma source(%dma_start3A_184 : memref<1x64xf32, #tpu.memory_space<hbm>>) target(%dma_start3A_182 : memref<1x64xf32, #tpu.memory_space<vmem>>) target_semaphore(%arg13 : memref<!tpu.dma_semaphore, #tpu.memory_space<semaphore_mem>>)
        %slice3A_185 = vector.extract_strided_slice %get3A_43 {offsets = [12], sizes = [1], strides = [1]} : vector<16xi32> to vector<1xi32>
        %squeeze3A_186 = vector.extract %slice3A_185[0] : i32 from vector<1xi32>
        %add3A_187 = arith.constant 12 : i32
        %add3A_188 = arith.addi %add3A_42, %add3A_187 : i32
        %dma_start3A_189 = arith.constant 0 : i32
        %dma_start3A_190 = tpu.memref_slice %arg8[%add3A_188, %dma_start3A_189] : memref<512x64xf32, #tpu.memory_space<vmem>> -> memref<1x64xf32, #tpu.memory_space<vmem>>
        %dma_start3A_191 = arith.constant 0 : i32
        %dma_start3A_192 = tpu.memref_slice %arg3[%squeeze3A_186, %dma_start3A_191] : memref<1000000x64xf32, #tpu.memory_space<hbm>> -> memref<1x64xf32, #tpu.memory_space<hbm>>
        %dma_start3A_193 = arith.constant 0 : i32
        %dma_start3A_194 = tpu.memref_slice %arg8[%add3A_188, %dma_start3A_193] : memref<512x64xf32, #tpu.memory_space<vmem>> -> memref<1x64xf32, #tpu.memory_space<vmem>>
        %dma_start3A_195 = arith.constant 0 : i32
        %dma_start3A_196 = tpu.memref_slice %arg3[%squeeze3A_186, %dma_start3A_195] : memref<1000000x64xf32, #tpu.memory_space<hbm>> -> memref<1x64xf32, #tpu.memory_space<hbm>>
        tpu.enqueue_dma source(%dma_start3A_196 : memref<1x64xf32, #tpu.memory_space<hbm>>) target(%dma_start3A_194 : memref<1x64xf32, #tpu.memory_space<vmem>>) target_semaphore(%arg13 : memref<!tpu.dma_semaphore, #tpu.memory_space<semaphore_mem>>)
        %slice3A_197 = vector.extract_strided_slice %get3A_43 {offsets = [13], sizes = [1], strides = [1]} : vector<16xi32> to vector<1xi32>
        %squeeze3A_198 = vector.extract %slice3A_197[0] : i32 from vector<1xi32>
        %add3A_199 = arith.constant 13 : i32
        %add3A_200 = arith.addi %add3A_42, %add3A_199 : i32
        %dma_start3A_201 = arith.constant 0 : i32
        %dma_start3A_202 = tpu.memref_slice %arg8[%add3A_200, %dma_start3A_201] : memref<512x64xf32, #tpu.memory_space<vmem>> -> memref<1x64xf32, #tpu.memory_space<vmem>>
        %dma_start3A_203 = arith.constant 0 : i32
        %dma_start3A_204 = tpu.memref_slice %arg3[%squeeze3A_198, %dma_start3A_203] : memref<1000000x64xf32, #tpu.memory_space<hbm>> -> memref<1x64xf32, #tpu.memory_space<hbm>>
        %dma_start3A_205 = arith.constant 0 : i32
        %dma_start3A_206 = tpu.memref_slice %arg8[%add3A_200, %dma_start3A_205] : memref<512x64xf32, #tpu.memory_space<vmem>> -> memref<1x64xf32, #tpu.memory_space<vmem>>
        %dma_start3A_207 = arith.constant 0 : i32
        %dma_start3A_208 = tpu.memref_slice %arg3[%squeeze3A_198, %dma_start3A_207] : memref<1000000x64xf32, #tpu.memory_space<hbm>> -> memref<1x64xf32, #tpu.memory_space<hbm>>
        tpu.enqueue_dma source(%dma_start3A_208 : memref<1x64xf32, #tpu.memory_space<hbm>>) target(%dma_start3A_206 : memref<1x64xf32, #tpu.memory_space<vmem>>) target_semaphore(%arg13 : memref<!tpu.dma_semaphore, #tpu.memory_space<semaphore_mem>>)
        %slice3A_209 = vector.extract_strided_slice %get3A_43 {offsets = [14], sizes = [1], strides = [1]} : vector<16xi32> to vector<1xi32>
        %squeeze3A_210 = vector.extract %slice3A_209[0] : i32 from vector<1xi32>
        %add3A_211 = arith.constant 14 : i32
        %add3A_212 = arith.addi %add3A_42, %add3A_211 : i32
        %dma_start3A_213 = arith.constant 0 : i32
        %dma_start3A_214 = tpu.memref_slice %arg8[%add3A_212, %dma_start3A_213] : memref<512x64xf32, #tpu.memory_space<vmem>> -> memref<1x64xf32, #tpu.memory_space<vmem>>
        %dma_start3A_215 = arith.constant 0 : i32
        %dma_start3A_216 = tpu.memref_slice %arg3[%squeeze3A_210, %dma_start3A_215] : memref<1000000x64xf32, #tpu.memory_space<hbm>> -> memref<1x64xf32, #tpu.memory_space<hbm>>
        %dma_start3A_217 = arith.constant 0 : i32
        %dma_start3A_218 = tpu.memref_slice %arg8[%add3A_212, %dma_start3A_217] : memref<512x64xf32, #tpu.memory_space<vmem>> -> memref<1x64xf32, #tpu.memory_space<vmem>>
        %dma_start3A_219 = arith.constant 0 : i32
        %dma_start3A_220 = tpu.memref_slice %arg3[%squeeze3A_210, %dma_start3A_219] : memref<1000000x64xf32, #tpu.memory_space<hbm>> -> memref<1x64xf32, #tpu.memory_space<hbm>>
        tpu.enqueue_dma source(%dma_start3A_220 : memref<1x64xf32, #tpu.memory_space<hbm>>) target(%dma_start3A_218 : memref<1x64xf32, #tpu.memory_space<vmem>>) target_semaphore(%arg13 : memref<!tpu.dma_semaphore, #tpu.memory_space<semaphore_mem>>)
        %slice3A_221 = vector.extract_strided_slice %get3A_43 {offsets = [15], sizes = [1], strides = [1]} : vector<16xi32> to vector<1xi32>
        %squeeze3A_222 = vector.extract %slice3A_221[0] : i32 from vector<1xi32>
        %add3A_223 = arith.constant 15 : i32
        %add3A_224 = arith.addi %add3A_42, %add3A_223 : i32
        %dma_start3A_225 = arith.constant 0 : i32
        %dma_start3A_226 = tpu.memref_slice %arg8[%add3A_224, %dma_start3A_225] : memref<512x64xf32, #tpu.memory_space<vmem>> -> memref<1x64xf32, #tpu.memory_space<vmem>>
        %dma_start3A_227 = arith.constant 0 : i32
        %dma_start3A_228 = tpu.memref_slice %arg3[%squeeze3A_222, %dma_start3A_227] : memref<1000000x64xf32, #tpu.memory_space<hbm>> -> memref<1x64xf32, #tpu.memory_space<hbm>>
        %dma_start3A_229 = arith.constant 0 : i32
        %dma_start3A_230 = tpu.memref_slice %arg8[%add3A_224, %dma_start3A_229] : memref<512x64xf32, #tpu.memory_space<vmem>> -> memref<1x64xf32, #tpu.memory_space<vmem>>
        %dma_start3A_231 = arith.constant 0 : i32
        %dma_start3A_232 = tpu.memref_slice %arg3[%squeeze3A_222, %dma_start3A_231] : memref<1000000x64xf32, #tpu.memory_space<hbm>> -> memref<1x64xf32, #tpu.memory_space<hbm>>
        tpu.enqueue_dma source(%dma_start3A_232 : memref<1x64xf32, #tpu.memory_space<hbm>>) target(%dma_start3A_230 : memref<1x64xf32, #tpu.memory_space<vmem>>) target_semaphore(%arg13 : memref<!tpu.dma_semaphore, #tpu.memory_space<semaphore_mem>>)
        %scan3A_233 = arith.constant 0 : i32
        scf.yield %scan3A_233 : i32
      }
      %scan3A_34 = arith.constant 4 : i32
      %scan3A_35 = arith.constant 0 : i32
      scf.yield %scan3A_35 : i32
    }
    %scan3A_8 = arith.constant 4 : i32
    %iota3A = tpu.iota {dimensions = array<i32: 0>} : vector<16xi32>
    %broadcast_in_dim3A = arith.constant 0.000000e+00 : f32
    %broadcast_in_dim3A_9 = vector.broadcast %broadcast_in_dim3A : f32 to vector<16xf32>
    %scan3A_10 = arith.constant 0 : i32
    %scan3A_11 = arith.constant 0 : i32
    %scan3A_12 = arith.constant 4 : i32
    %scan3A_13 = arith.addi %scan3A_11, %scan3A_12 : i32
    %scan3A_14 = arith.constant 1 : i32
    scf.for %scan3A_26 = %scan3A_11 to %scan3A_13 step %scan3A_14  : i32 {
      %mul3A_27 = arith.constant 2 : i32
      %mul3A_28 = arith.muli %mul3A_27, %scan3A_26 : i32
      %scan3A_29 = arith.constant 0 : i32
      %scan3A_30 = arith.constant 0 : i32
      %scan3A_31 = arith.constant 64 : i32
      %scan3A_32 = arith.addi %scan3A_30, %scan3A_31 : i32
      %scan3A_33 = arith.constant 1 : i32
      %scan3A_34 = scf.for %scan3A_788 = %scan3A_30 to %scan3A_32 step %scan3A_33 iter_args(%scan3A_789 = %scan3A_29) -> (i32)  : i32 {
        %mul3A_790 = arith.constant 64 : i32
        %mul3A_791 = arith.muli %mul3A_28, %mul3A_790 : i32
        %add3A_792 = arith.addi %mul3A_791, %scan3A_788 : i32
        %dma_wait3A = arith.constant 0 : i32
        %dma_wait3A_793 = tpu.memref_slice %arg8[%add3A_792, %dma_wait3A] : memref<512x64xf32, #tpu.memory_space<vmem>> -> memref<1x64xf32, #tpu.memory_space<vmem>>
        %dma_wait3A_794 = arith.constant 0 : i32
        %dma_wait3A_795 = arith.constant 0 : i32
        %dma_wait3A_796 = tpu.memref_slice %arg3[%dma_wait3A_794, %dma_wait3A_795] : memref<1000000x64xf32, #tpu.memory_space<hbm>> -> memref<1x64xf32, #tpu.memory_space<hbm>>
        %dma_wait3A_797 = arith.constant 0 : i32
        %dma_wait3A_798 = tpu.memref_slice %arg8[%add3A_792, %dma_wait3A_797] : memref<512x64xf32, #tpu.memory_space<vmem>> -> memref<1x64xf32, #tpu.memory_space<vmem>>
        %dma_wait3A_799 = arith.constant 0 : i32
        %dma_wait3A_800 = arith.constant 0 : i32
        %dma_wait3A_801 = tpu.memref_slice %arg3[%dma_wait3A_799, %dma_wait3A_800] : memref<1000000x64xf32, #tpu.memory_space<hbm>> -> memref<1x64xf32, #tpu.memory_space<hbm>>
        tpu.wait_dma2 semaphore(%arg13 : memref<!tpu.dma_semaphore, #tpu.memory_space<semaphore_mem>>) src(%dma_wait3A_801 : memref<1x64xf32, #tpu.memory_space<hbm>>) dst(%dma_wait3A_798 : memref<1x64xf32, #tpu.memory_space<vmem>>)
        %scan3A_802 = arith.constant 0 : i32
        scf.yield %scan3A_802 : i32
      }
      %scan3A_35 = arith.constant 64 : i32
      %mul3A_36 = arith.constant 2 : i32
      %mul3A_37 = arith.muli %mul3A_36, %scan3A_26 : i32
      %add3A_38 = arith.constant 1 : i32
      %add3A_39 = arith.addi %mul3A_37, %add3A_38 : i32
      %scan3A_40 = arith.constant 0 : i32
      %scan3A_41 = arith.constant 0 : i32
      %scan3A_42 = arith.constant 64 : i32
      %scan3A_43 = arith.addi %scan3A_41, %scan3A_42 : i32
      %scan3A_44 = arith.constant 1 : i32
      %scan3A_45 = scf.for %scan3A_788 = %scan3A_41 to %scan3A_43 step %scan3A_44 iter_args(%scan3A_789 = %scan3A_40) -> (i32)  : i32 {
        %mul3A_790 = arith.constant 64 : i32
        %mul3A_791 = arith.muli %add3A_39, %mul3A_790 : i32
        %add3A_792 = arith.addi %mul3A_791, %scan3A_788 : i32
        %dma_wait3A = arith.constant 0 : i32
        %dma_wait3A_793 = tpu.memref_slice %arg8[%add3A_792, %dma_wait3A] : memref<512x64xf32, #tpu.memory_space<vmem>> -> memref<1x64xf32, #tpu.memory_space<vmem>>
        %dma_wait3A_794 = arith.constant 0 : i32
        %dma_wait3A_795 = arith.constant 0 : i32
        %dma_wait3A_796 = tpu.memref_slice %arg3[%dma_wait3A_794, %dma_wait3A_795] : memref<1000000x64xf32, #tpu.memory_space<hbm>> -> memref<1x64xf32, #tpu.memory_space<hbm>>
        %dma_wait3A_797 = arith.constant 0 : i32
        %dma_wait3A_798 = tpu.memref_slice %arg8[%add3A_792, %dma_wait3A_797] : memref<512x64xf32, #tpu.memory_space<vmem>> -> memref<1x64xf32, #tpu.memory_space<vmem>>
        %dma_wait3A_799 = arith.constant 0 : i32
        %dma_wait3A_800 = arith.constant 0 : i32
        %dma_wait3A_801 = tpu.memref_slice %arg3[%dma_wait3A_799, %dma_wait3A_800] : memref<1000000x64xf32, #tpu.memory_space<hbm>> -> memref<1x64xf32, #tpu.memory_space<hbm>>
        tpu.wait_dma2 semaphore(%arg13 : memref<!tpu.dma_semaphore, #tpu.memory_space<semaphore_mem>>) src(%dma_wait3A_801 : memref<1x64xf32, #tpu.memory_space<hbm>>) dst(%dma_wait3A_798 : memref<1x64xf32, #tpu.memory_space<vmem>>)
        %scan3A_802 = arith.constant 0 : i32
        scf.yield %scan3A_802 : i32
      }
      %scan3A_46 = arith.constant 64 : i32
      %mul3A_47 = arith.constant 2 : i32
      %mul3A_48 = arith.muli %mul3A_47, %scan3A_26 : i32
      %add3A_49 = arith.constant 4 : i32
      %add3A_50 = arith.addi %mul3A_48, %add3A_49 : i32
      %lt3A = arith.constant 8 : i32
      %lt3A_51 = arith.cmpi slt, %add3A_50, %lt3A : i32
      %convert_element_type3A = arith.extui %lt3A_51 : i1 to i32
      %cond3A = arith.constant 0 : i32
      %cond3A_52 = arith.cmpi ne, %convert_element_type3A, %cond3A : i32
      scf.if %cond3A_52 {
        %mul3A_788 = arith.constant 2 : i32
        %mul3A_789 = arith.muli %mul3A_788, %scan3A_26 : i32
        %add3A_790 = arith.constant 4 : i32
        %add3A_791 = arith.addi %mul3A_789, %add3A_790 : i32
        %scan3A_792 = arith.constant 0 : i32
        %scan3A_793 = arith.constant 0 : i32
        %scan3A_794 = arith.constant 4 : i32
        %scan3A_795 = arith.addi %scan3A_793, %scan3A_794 : i32
        %scan3A_796 = arith.constant 1 : i32
        %scan3A_797 = scf.for %scan3A_810 = %scan3A_793 to %scan3A_795 step %scan3A_796 iter_args(%scan3A_811 = %scan3A_792) -> (i32)  : i32 {
          %mul3A_812 = arith.constant 64 : i32
          %mul3A_813 = arith.muli %add3A_791, %mul3A_812 : i32
          %mul3A_814 = arith.constant 16 : i32
          %mul3A_815 = arith.muli %scan3A_810, %mul3A_814 : i32
          %add3A_816 = arith.addi %mul3A_813, %mul3A_815 : i32
          %get3A = arith.index_cast %add3A_816 : i32 to index
          %get3A_817 = tpu.vector_load %arg7[%get3A] {strides = array<i32>} : memref<512xi32, #tpu.memory_space<vmem>>, vector<16xi32>,
          %slice3A = vector.extract_strided_slice %get3A_817 {offsets = [0], sizes = [1], strides = [1]} : vector<16xi32> to vector<1xi32>
          %squeeze3A = vector.extract %slice3A[0] : i32 from vector<1xi32>
          %add3A_818 = arith.constant 0 : i32
          %add3A_819 = arith.addi %add3A_816, %add3A_818 : i32
          %dma_start3A = arith.constant 0 : i32
          %dma_start3A_820 = tpu.memref_slice %arg8[%add3A_819, %dma_start3A] : memref<512x64xf32, #tpu.memory_space<vmem>> -> memref<1x64xf32, #tpu.memory_space<vmem>>
          %dma_start3A_821 = arith.constant 0 : i32
          %dma_start3A_822 = tpu.memref_slice %arg3[%squeeze3A, %dma_start3A_821] : memref<1000000x64xf32, #tpu.memory_space<hbm>> -> memref<1x64xf32, #tpu.memory_space<hbm>>
          %dma_start3A_823 = arith.constant 0 : i32
          %dma_start3A_824 = tpu.memref_slice %arg8[%add3A_819, %dma_start3A_823] : memref<512x64xf32, #tpu.memory_space<vmem>> -> memref<1x64xf32, #tpu.memory_space<vmem>>
          %dma_start3A_825 = arith.constant 0 : i32
          %dma_start3A_826 = tpu.memref_slice %arg3[%squeeze3A, %dma_start3A_825] : memref<1000000x64xf32, #tpu.memory_space<hbm>> -> memref<1x64xf32, #tpu.memory_space<hbm>>
          tpu.enqueue_dma source(%dma_start3A_826 : memref<1x64xf32, #tpu.memory_space<hbm>>) target(%dma_start3A_824 : memref<1x64xf32, #tpu.memory_space<vmem>>) target_semaphore(%arg13 : memref<!tpu.dma_semaphore, #tpu.memory_space<semaphore_mem>>)
          %slice3A_827 = vector.extract_strided_slice %get3A_817 {offsets = [1], sizes = [1], strides = [1]} : vector<16xi32> to vector<1xi32>
          %squeeze3A_828 = vector.extract %slice3A_827[0] : i32 from vector<1xi32>
          %add3A_829 = arith.constant 1 : i32
          %add3A_830 = arith.addi %add3A_816, %add3A_829 : i32
          %dma_start3A_831 = arith.constant 0 : i32
          %dma_start3A_832 = tpu.memref_slice %arg8[%add3A_830, %dma_start3A_831] : memref<512x64xf32, #tpu.memory_space<vmem>> -> memref<1x64xf32, #tpu.memory_space<vmem>>
          %dma_start3A_833 = arith.constant 0 : i32
          %dma_start3A_834 = tpu.memref_slice %arg3[%squeeze3A_828, %dma_start3A_833] : memref<1000000x64xf32, #tpu.memory_space<hbm>> -> memref<1x64xf32, #tpu.memory_space<hbm>>
          %dma_start3A_835 = arith.constant 0 : i32
          %dma_start3A_836 = tpu.memref_slice %arg8[%add3A_830, %dma_start3A_835] : memref<512x64xf32, #tpu.memory_space<vmem>> -> memref<1x64xf32, #tpu.memory_space<vmem>>
          %dma_start3A_837 = arith.constant 0 : i32
          %dma_start3A_838 = tpu.memref_slice %arg3[%squeeze3A_828, %dma_start3A_837] : memref<1000000x64xf32, #tpu.memory_space<hbm>> -> memref<1x64xf32, #tpu.memory_space<hbm>>
          tpu.enqueue_dma source(%dma_start3A_838 : memref<1x64xf32, #tpu.memory_space<hbm>>) target(%dma_start3A_836 : memref<1x64xf32, #tpu.memory_space<vmem>>) target_semaphore(%arg13 : memref<!tpu.dma_semaphore, #tpu.memory_space<semaphore_mem>>)
          %slice3A_839 = vector.extract_strided_slice %get3A_817 {offsets = [2], sizes = [1], strides = [1]} : vector<16xi32> to vector<1xi32>
          %squeeze3A_840 = vector.extract %slice3A_839[0] : i32 from vector<1xi32>
          %add3A_841 = arith.constant 2 : i32
          %add3A_842 = arith.addi %add3A_816, %add3A_841 : i32
          %dma_start3A_843 = arith.constant 0 : i32
          %dma_start3A_844 = tpu.memref_slice %arg8[%add3A_842, %dma_start3A_843] : memref<512x64xf32, #tpu.memory_space<vmem>> -> memref<1x64xf32, #tpu.memory_space<vmem>>
          %dma_start3A_845 = arith.constant 0 : i32
          %dma_start3A_846 = tpu.memref_slice %arg3[%squeeze3A_840, %dma_start3A_845] : memref<1000000x64xf32, #tpu.memory_space<hbm>> -> memref<1x64xf32, #tpu.memory_space<hbm>>
          %dma_start3A_847 = arith.constant 0 : i32
          %dma_start3A_848 = tpu.memref_slice %arg8[%add3A_842, %dma_start3A_847] : memref<512x64xf32, #tpu.memory_space<vmem>> -> memref<1x64xf32, #tpu.memory_space<vmem>>
          %dma_start3A_849 = arith.constant 0 : i32
          %dma_start3A_850 = tpu.memref_slice %arg3[%squeeze3A_840, %dma_start3A_849] : memref<1000000x64xf32, #tpu.memory_space<hbm>> -> memref<1x64xf32, #tpu.memory_space<hbm>>
          tpu.enqueue_dma source(%dma_start3A_850 : memref<1x64xf32, #tpu.memory_space<hbm>>) target(%dma_start3A_848 : memref<1x64xf32, #tpu.memory_space<vmem>>) target_semaphore(%arg13 : memref<!tpu.dma_semaphore, #tpu.memory_space<semaphore_mem>>)
          %slice3A_851 = vector.extract_strided_slice %get3A_817 {offsets = [3], sizes = [1], strides = [1]} : vector<16xi32> to vector<1xi32>
          %squeeze3A_852 = vector.extract %slice3A_851[0] : i32 from vector<1xi32>
          %add3A_853 = arith.constant 3 : i32
          %add3A_854 = arith.addi %add3A_816, %add3A_853 : i32
          %dma_start3A_855 = arith.constant 0 : i32
          %dma_start3A_856 = tpu.memref_slice %arg8[%add3A_854, %dma_start3A_855] : memref<512x64xf32, #tpu.memory_space<vmem>> -> memref<1x64xf32, #tpu.memory_space<vmem>>
          %dma_start3A_857 = arith.constant 0 : i32
          %dma_start3A_858 = tpu.memref_slice %arg3[%squeeze3A_852, %dma_start3A_857] : memref<1000000x64xf32, #tpu.memory_space<hbm>> -> memref<1x64xf32, #tpu.memory_space<hbm>>
          %dma_start3A_859 = arith.constant 0 : i32
          %dma_start3A_860 = tpu.memref_slice %arg8[%add3A_854, %dma_start3A_859] : memref<512x64xf32, #tpu.memory_space<vmem>> -> memref<1x64xf32, #tpu.memory_space<vmem>>
          %dma_start3A_861 = arith.constant 0 : i32
          %dma_start3A_862 = tpu.memref_slice %arg3[%squeeze3A_852, %dma_start3A_861] : memref<1000000x64xf32, #tpu.memory_space<hbm>> -> memref<1x64xf32, #tpu.memory_space<hbm>>
          tpu.enqueue_dma source(%dma_start3A_862 : memref<1x64xf32, #tpu.memory_space<hbm>>) target(%dma_start3A_860 : memref<1x64xf32, #tpu.memory_space<vmem>>) target_semaphore(%arg13 : memref<!tpu.dma_semaphore, #tpu.memory_space<semaphore_mem>>)
          %slice3A_863 = vector.extract_strided_slice %get3A_817 {offsets = [4], sizes = [1], strides = [1]} : vector<16xi32> to vector<1xi32>
          %squeeze3A_864 = vector.extract %slice3A_863[0] : i32 from vector<1xi32>
          %add3A_865 = arith.constant 4 : i32
          %add3A_866 = arith.addi %add3A_816, %add3A_865 : i32
          %dma_start3A_867 = arith.constant 0 : i32
          %dma_start3A_868 = tpu.memref_slice %arg8[%add3A_866, %dma_start3A_867] : memref<512x64xf32, #tpu.memory_space<vmem>> -> memref<1x64xf32, #tpu.memory_space<vmem>>
          %dma_start3A_869 = arith.constant 0 : i32
          %dma_start3A_870 = tpu.memref_slice %arg3[%squeeze3A_864, %dma_start3A_869] : memref<1000000x64xf32, #tpu.memory_space<hbm>> -> memref<1x64xf32, #tpu.memory_space<hbm>>
          %dma_start3A_871 = arith.constant 0 : i32
          %dma_start3A_872 = tpu.memref_slice %arg8[%add3A_866, %dma_start3A_871] : memref<512x64xf32, #tpu.memory_space<vmem>> -> memref<1x64xf32, #tpu.memory_space<vmem>>
          %dma_start3A_873 = arith.constant 0 : i32
          %dma_start3A_874 = tpu.memref_slice %arg3[%squeeze3A_864, %dma_start3A_873] : memref<1000000x64xf32, #tpu.memory_space<hbm>> -> memref<1x64xf32, #tpu.memory_space<hbm>>
          tpu.enqueue_dma source(%dma_start3A_874 : memref<1x64xf32, #tpu.memory_space<hbm>>) target(%dma_start3A_872 : memref<1x64xf32, #tpu.memory_space<vmem>>) target_semaphore(%arg13 : memref<!tpu.dma_semaphore, #tpu.memory_space<semaphore_mem>>)
          %slice3A_875 = vector.extract_strided_slice %get3A_817 {offsets = [5], sizes = [1], strides = [1]} : vector<16xi32> to vector<1xi32>
          %squeeze3A_876 = vector.extract %slice3A_875[0] : i32 from vector<1xi32>
          %add3A_877 = arith.constant 5 : i32
          %add3A_878 = arith.addi %add3A_816, %add3A_877 : i32
          %dma_start3A_879 = arith.constant 0 : i32
          %dma_start3A_880 = tpu.memref_slice %arg8[%add3A_878, %dma_start3A_879] : memref<512x64xf32, #tpu.memory_space<vmem>> -> memref<1x64xf32, #tpu.memory_space<vmem>>
          %dma_start3A_881 = arith.constant 0 : i32
          %dma_start3A_882 = tpu.memref_slice %arg3[%squeeze3A_876, %dma_start3A_881] : memref<1000000x64xf32, #tpu.memory_space<hbm>> -> memref<1x64xf32, #tpu.memory_space<hbm>>
          %dma_start3A_883 = arith.constant 0 : i32
          %dma_start3A_884 = tpu.memref_slice %arg8[%add3A_878, %dma_start3A_883] : memref<512x64xf32, #tpu.memory_space<vmem>> -> memref<1x64xf32, #tpu.memory_space<vmem>>
          %dma_start3A_885 = arith.constant 0 : i32
          %dma_start3A_886 = tpu.memref_slice %arg3[%squeeze3A_876, %dma_start3A_885] : memref<1000000x64xf32, #tpu.memory_space<hbm>> -> memref<1x64xf32, #tpu.memory_space<hbm>>
          tpu.enqueue_dma source(%dma_start3A_886 : memref<1x64xf32, #tpu.memory_space<hbm>>) target(%dma_start3A_884 : memref<1x64xf32, #tpu.memory_space<vmem>>) target_semaphore(%arg13 : memref<!tpu.dma_semaphore, #tpu.memory_space<semaphore_mem>>)
          %slice3A_887 = vector.extract_strided_slice %get3A_817 {offsets = [6], sizes = [1], strides = [1]} : vector<16xi32> to vector<1xi32>
          %squeeze3A_888 = vector.extract %slice3A_887[0] : i32 from vector<1xi32>
          %add3A_889 = arith.constant 6 : i32
          %add3A_890 = arith.addi %add3A_816, %add3A_889 : i32
          %dma_start3A_891 = arith.constant 0 : i32
          %dma_start3A_892 = tpu.memref_slice %arg8[%add3A_890, %dma_start3A_891] : memref<512x64xf32, #tpu.memory_space<vmem>> -> memref<1x64xf32, #tpu.memory_space<vmem>>
          %dma_start3A_893 = arith.constant 0 : i32
          %dma_start3A_894 = tpu.memref_slice %arg3[%squeeze3A_888, %dma_start3A_893] : memref<1000000x64xf32, #tpu.memory_space<hbm>> -> memref<1x64xf32, #tpu.memory_space<hbm>>
          %dma_start3A_895 = arith.constant 0 : i32
          %dma_start3A_896 = tpu.memref_slice %arg8[%add3A_890, %dma_start3A_895] : memref<512x64xf32, #tpu.memory_space<vmem>> -> memref<1x64xf32, #tpu.memory_space<vmem>>
          %dma_start3A_897 = arith.constant 0 : i32
          %dma_start3A_898 = tpu.memref_slice %arg3[%squeeze3A_888, %dma_start3A_897] : memref<1000000x64xf32, #tpu.memory_space<hbm>> -> memref<1x64xf32, #tpu.memory_space<hbm>>
          tpu.enqueue_dma source(%dma_start3A_898 : memref<1x64xf32, #tpu.memory_space<hbm>>) target(%dma_start3A_896 : memref<1x64xf32, #tpu.memory_space<vmem>>) target_semaphore(%arg13 : memref<!tpu.dma_semaphore, #tpu.memory_space<semaphore_mem>>)
          %slice3A_899 = vector.extract_strided_slice %get3A_817 {offsets = [7], sizes = [1], strides = [1]} : vector<16xi32> to vector<1xi32>
          %squeeze3A_900 = vector.extract %slice3A_899[0] : i32 from vector<1xi32>
          %add3A_901 = arith.constant 7 : i32
          %add3A_902 = arith.addi %add3A_816, %add3A_901 : i32
          %dma_start3A_903 = arith.constant 0 : i32
          %dma_start3A_904 = tpu.memref_slice %arg8[%add3A_902, %dma_start3A_903] : memref<512x64xf32, #tpu.memory_space<vmem>> -> memref<1x64xf32, #tpu.memory_space<vmem>>
          %dma_start3A_905 = arith.constant 0 : i32
          %dma_start3A_906 = tpu.memref_slice %arg3[%squeeze3A_900, %dma_start3A_905] : memref<1000000x64xf32, #tpu.memory_space<hbm>> -> memref<1x64xf32, #tpu.memory_space<hbm>>
          %dma_start3A_907 = arith.constant 0 : i32
          %dma_start3A_908 = tpu.memref_slice %arg8[%add3A_902, %dma_start3A_907] : memref<512x64xf32, #tpu.memory_space<vmem>> -> memref<1x64xf32, #tpu.memory_space<vmem>>
          %dma_start3A_909 = arith.constant 0 : i32
          %dma_start3A_910 = tpu.memref_slice %arg3[%squeeze3A_900, %dma_start3A_909] : memref<1000000x64xf32, #tpu.memory_space<hbm>> -> memref<1x64xf32, #tpu.memory_space<hbm>>
          tpu.enqueue_dma source(%dma_start3A_910 : memref<1x64xf32, #tpu.memory_space<hbm>>) target(%dma_start3A_908 : memref<1x64xf32, #tpu.memory_space<vmem>>) target_semaphore(%arg13 : memref<!tpu.dma_semaphore, #tpu.memory_space<semaphore_mem>>)
          %slice3A_911 = vector.extract_strided_slice %get3A_817 {offsets = [8], sizes = [1], strides = [1]} : vector<16xi32> to vector<1xi32>
          %squeeze3A_912 = vector.extract %slice3A_911[0] : i32 from vector<1xi32>
          %add3A_913 = arith.constant 8 : i32
          %add3A_914 = arith.addi %add3A_816, %add3A_913 : i32
          %dma_start3A_915 = arith.constant 0 : i32
          %dma_start3A_916 = tpu.memref_slice %arg8[%add3A_914, %dma_start3A_915] : memref<512x64xf32, #tpu.memory_space<vmem>> -> memref<1x64xf32, #tpu.memory_space<vmem>>
          %dma_start3A_917 = arith.constant 0 : i32
          %dma_start3A_918 = tpu.memref_slice %arg3[%squeeze3A_912, %dma_start3A_917] : memref<1000000x64xf32, #tpu.memory_space<hbm>> -> memref<1x64xf32, #tpu.memory_space<hbm>>
          %dma_start3A_919 = arith.constant 0 : i32
          %dma_start3A_920 = tpu.memref_slice %arg8[%add3A_914, %dma_start3A_919] : memref<512x64xf32, #tpu.memory_space<vmem>> -> memref<1x64xf32, #tpu.memory_space<vmem>>
          %dma_start3A_921 = arith.constant 0 : i32
          %dma_start3A_922 = tpu.memref_slice %arg3[%squeeze3A_912, %dma_start3A_921] : memref<1000000x64xf32, #tpu.memory_space<hbm>> -> memref<1x64xf32, #tpu.memory_space<hbm>>
          tpu.enqueue_dma source(%dma_start3A_922 : memref<1x64xf32, #tpu.memory_space<hbm>>) target(%dma_start3A_920 : memref<1x64xf32, #tpu.memory_space<vmem>>) target_semaphore(%arg13 : memref<!tpu.dma_semaphore, #tpu.memory_space<semaphore_mem>>)
          %slice3A_923 = vector.extract_strided_slice %get3A_817 {offsets = [9], sizes = [1], strides = [1]} : vector<16xi32> to vector<1xi32>
          %squeeze3A_924 = vector.extract %slice3A_923[0] : i32 from vector<1xi32>
          %add3A_925 = arith.constant 9 : i32
          %add3A_926 = arith.addi %add3A_816, %add3A_925 : i32
          %dma_start3A_927 = arith.constant 0 : i32
          %dma_start3A_928 = tpu.memref_slice %arg8[%add3A_926, %dma_start3A_927] : memref<512x64xf32, #tpu.memory_space<vmem>> -> memref<1x64xf32, #tpu.memory_space<vmem>>
          %dma_start3A_929 = arith.constant 0 : i32
          %dma_start3A_930 = tpu.memref_slice %arg3[%squeeze3A_924, %dma_start3A_929] : memref<1000000x64xf32, #tpu.memory_space<hbm>> -> memref<1x64xf32, #tpu.memory_space<hbm>>
          %dma_start3A_931 = arith.constant 0 : i32
          %dma_start3A_932 = tpu.memref_slice %arg8[%add3A_926, %dma_start3A_931] : memref<512x64xf32, #tpu.memory_space<vmem>> -> memref<1x64xf32, #tpu.memory_space<vmem>>
          %dma_start3A_933 = arith.constant 0 : i32
          %dma_start3A_934 = tpu.memref_slice %arg3[%squeeze3A_924, %dma_start3A_933] : memref<1000000x64xf32, #tpu.memory_space<hbm>> -> memref<1x64xf32, #tpu.memory_space<hbm>>
          tpu.enqueue_dma source(%dma_start3A_934 : memref<1x64xf32, #tpu.memory_space<hbm>>) target(%dma_start3A_932 : memref<1x64xf32, #tpu.memory_space<vmem>>) target_semaphore(%arg13 : memref<!tpu.dma_semaphore, #tpu.memory_space<semaphore_mem>>)
          %slice3A_935 = vector.extract_strided_slice %get3A_817 {offsets = [10], sizes = [1], strides = [1]} : vector<16xi32> to vector<1xi32>
          %squeeze3A_936 = vector.extract %slice3A_935[0] : i32 from vector<1xi32>
          %add3A_937 = arith.constant 10 : i32
          %add3A_938 = arith.addi %add3A_816, %add3A_937 : i32
          %dma_start3A_939 = arith.constant 0 : i32
          %dma_start3A_940 = tpu.memref_slice %arg8[%add3A_938, %dma_start3A_939] : memref<512x64xf32, #tpu.memory_space<vmem>> -> memref<1x64xf32, #tpu.memory_space<vmem>>
          %dma_start3A_941 = arith.constant 0 : i32
          %dma_start3A_942 = tpu.memref_slice %arg3[%squeeze3A_936, %dma_start3A_941] : memref<1000000x64xf32, #tpu.memory_space<hbm>> -> memref<1x64xf32, #tpu.memory_space<hbm>>
          %dma_start3A_943 = arith.constant 0 : i32
          %dma_start3A_944 = tpu.memref_slice %arg8[%add3A_938, %dma_start3A_943] : memref<512x64xf32, #tpu.memory_space<vmem>> -> memref<1x64xf32, #tpu.memory_space<vmem>>
          %dma_start3A_945 = arith.constant 0 : i32
          %dma_start3A_946 = tpu.memref_slice %arg3[%squeeze3A_936, %dma_start3A_945] : memref<1000000x64xf32, #tpu.memory_space<hbm>> -> memref<1x64xf32, #tpu.memory_space<hbm>>
          tpu.enqueue_dma source(%dma_start3A_946 : memref<1x64xf32, #tpu.memory_space<hbm>>) target(%dma_start3A_944 : memref<1x64xf32, #tpu.memory_space<vmem>>) target_semaphore(%arg13 : memref<!tpu.dma_semaphore, #tpu.memory_space<semaphore_mem>>)
          %slice3A_947 = vector.extract_strided_slice %get3A_817 {offsets = [11], sizes = [1], strides = [1]} : vector<16xi32> to vector<1xi32>
          %squeeze3A_948 = vector.extract %slice3A_947[0] : i32 from vector<1xi32>
          %add3A_949 = arith.constant 11 : i32
          %add3A_950 = arith.addi %add3A_816, %add3A_949 : i32
          %dma_start3A_951 = arith.constant 0 : i32
          %dma_start3A_952 = tpu.memref_slice %arg8[%add3A_950, %dma_start3A_951] : memref<512x64xf32, #tpu.memory_space<vmem>> -> memref<1x64xf32, #tpu.memory_space<vmem>>
          %dma_start3A_953 = arith.constant 0 : i32
          %dma_start3A_954 = tpu.memref_slice %arg3[%squeeze3A_948, %dma_start3A_953] : memref<1000000x64xf32, #tpu.memory_space<hbm>> -> memref<1x64xf32, #tpu.memory_space<hbm>>
          %dma_start3A_955 = arith.constant 0 : i32
          %dma_start3A_956 = tpu.memref_slice %arg8[%add3A_950, %dma_start3A_955] : memref<512x64xf32, #tpu.memory_space<vmem>> -> memref<1x64xf32, #tpu.memory_space<vmem>>
          %dma_start3A_957 = arith.constant 0 : i32
          %dma_start3A_958 = tpu.memref_slice %arg3[%squeeze3A_948, %dma_start3A_957] : memref<1000000x64xf32, #tpu.memory_space<hbm>> -> memref<1x64xf32, #tpu.memory_space<hbm>>
          tpu.enqueue_dma source(%dma_start3A_958 : memref<1x64xf32, #tpu.memory_space<hbm>>) target(%dma_start3A_956 : memref<1x64xf32, #tpu.memory_space<vmem>>) target_semaphore(%arg13 : memref<!tpu.dma_semaphore, #tpu.memory_space<semaphore_mem>>)
          %slice3A_959 = vector.extract_strided_slice %get3A_817 {offsets = [12], sizes = [1], strides = [1]} : vector<16xi32> to vector<1xi32>
          %squeeze3A_960 = vector.extract %slice3A_959[0] : i32 from vector<1xi32>
          %add3A_961 = arith.constant 12 : i32
          %add3A_962 = arith.addi %add3A_816, %add3A_961 : i32
          %dma_start3A_963 = arith.constant 0 : i32
          %dma_start3A_964 = tpu.memref_slice %arg8[%add3A_962, %dma_start3A_963] : memref<512x64xf32, #tpu.memory_space<vmem>> -> memref<1x64xf32, #tpu.memory_space<vmem>>
          %dma_start3A_965 = arith.constant 0 : i32
          %dma_start3A_966 = tpu.memref_slice %arg3[%squeeze3A_960, %dma_start3A_965] : memref<1000000x64xf32, #tpu.memory_space<hbm>> -> memref<1x64xf32, #tpu.memory_space<hbm>>
          %dma_start3A_967 = arith.constant 0 : i32
          %dma_start3A_968 = tpu.memref_slice %arg8[%add3A_962, %dma_start3A_967] : memref<512x64xf32, #tpu.memory_space<vmem>> -> memref<1x64xf32, #tpu.memory_space<vmem>>
          %dma_start3A_969 = arith.constant 0 : i32
          %dma_start3A_970 = tpu.memref_slice %arg3[%squeeze3A_960, %dma_start3A_969] : memref<1000000x64xf32, #tpu.memory_space<hbm>> -> memref<1x64xf32, #tpu.memory_space<hbm>>
          tpu.enqueue_dma source(%dma_start3A_970 : memref<1x64xf32, #tpu.memory_space<hbm>>) target(%dma_start3A_968 : memref<1x64xf32, #tpu.memory_space<vmem>>) target_semaphore(%arg13 : memref<!tpu.dma_semaphore, #tpu.memory_space<semaphore_mem>>)
          %slice3A_971 = vector.extract_strided_slice %get3A_817 {offsets = [13], sizes = [1], strides = [1]} : vector<16xi32> to vector<1xi32>
          %squeeze3A_972 = vector.extract %slice3A_971[0] : i32 from vector<1xi32>
          %add3A_973 = arith.constant 13 : i32
          %add3A_974 = arith.addi %add3A_816, %add3A_973 : i32
          %dma_start3A_975 = arith.constant 0 : i32
          %dma_start3A_976 = tpu.memref_slice %arg8[%add3A_974, %dma_start3A_975] : memref<512x64xf32, #tpu.memory_space<vmem>> -> memref<1x64xf32, #tpu.memory_space<vmem>>
          %dma_start3A_977 = arith.constant 0 : i32
          %dma_start3A_978 = tpu.memref_slice %arg3[%squeeze3A_972, %dma_start3A_977] : memref<1000000x64xf32, #tpu.memory_space<hbm>> -> memref<1x64xf32, #tpu.memory_space<hbm>>
          %dma_start3A_979 = arith.constant 0 : i32
          %dma_start3A_980 = tpu.memref_slice %arg8[%add3A_974, %dma_start3A_979] : memref<512x64xf32, #tpu.memory_space<vmem>> -> memref<1x64xf32, #tpu.memory_space<vmem>>
          %dma_start3A_981 = arith.constant 0 : i32
          %dma_start3A_982 = tpu.memref_slice %arg3[%squeeze3A_972, %dma_start3A_981] : memref<1000000x64xf32, #tpu.memory_space<hbm>> -> memref<1x64xf32, #tpu.memory_space<hbm>>
          tpu.enqueue_dma source(%dma_start3A_982 : memref<1x64xf32, #tpu.memory_space<hbm>>) target(%dma_start3A_980 : memref<1x64xf32, #tpu.memory_space<vmem>>) target_semaphore(%arg13 : memref<!tpu.dma_semaphore, #tpu.memory_space<semaphore_mem>>)
          %slice3A_983 = vector.extract_strided_slice %get3A_817 {offsets = [14], sizes = [1], strides = [1]} : vector<16xi32> to vector<1xi32>
          %squeeze3A_984 = vector.extract %slice3A_983[0] : i32 from vector<1xi32>
          %add3A_985 = arith.constant 14 : i32
          %add3A_986 = arith.addi %add3A_816, %add3A_985 : i32
          %dma_start3A_987 = arith.constant 0 : i32
          %dma_start3A_988 = tpu.memref_slice %arg8[%add3A_986, %dma_start3A_987] : memref<512x64xf32, #tpu.memory_space<vmem>> -> memref<1x64xf32, #tpu.memory_space<vmem>>
          %dma_start3A_989 = arith.constant 0 : i32
          %dma_start3A_990 = tpu.memref_slice %arg3[%squeeze3A_984, %dma_start3A_989] : memref<1000000x64xf32, #tpu.memory_space<hbm>> -> memref<1x64xf32, #tpu.memory_space<hbm>>
          %dma_start3A_991 = arith.constant 0 : i32
          %dma_start3A_992 = tpu.memref_slice %arg8[%add3A_986, %dma_start3A_991] : memref<512x64xf32, #tpu.memory_space<vmem>> -> memref<1x64xf32, #tpu.memory_space<vmem>>
          %dma_start3A_993 = arith.constant 0 : i32
          %dma_start3A_994 = tpu.memref_slice %arg3[%squeeze3A_984, %dma_start3A_993] : memref<1000000x64xf32, #tpu.memory_space<hbm>> -> memref<1x64xf32, #tpu.memory_space<hbm>>
          tpu.enqueue_dma source(%dma_start3A_994 : memref<1x64xf32, #tpu.memory_space<hbm>>) target(%dma_start3A_992 : memref<1x64xf32, #tpu.memory_space<vmem>>) target_semaphore(%arg13 : memref<!tpu.dma_semaphore, #tpu.memory_space<semaphore_mem>>)
          %slice3A_995 = vector.extract_strided_slice %get3A_817 {offsets = [15], sizes = [1], strides = [1]} : vector<16xi32> to vector<1xi32>
          %squeeze3A_996 = vector.extract %slice3A_995[0] : i32 from vector<1xi32>
          %add3A_997 = arith.constant 15 : i32
          %add3A_998 = arith.addi %add3A_816, %add3A_997 : i32
          %dma_start3A_999 = arith.constant 0 : i32
          %dma_start3A_1000 = tpu.memref_slice %arg8[%add3A_998, %dma_start3A_999] : memref<512x64xf32, #tpu.memory_space<vmem>> -> memref<1x64xf32, #tpu.memory_space<vmem>>
          %dma_start3A_1001 = arith.constant 0 : i32
          %dma_start3A_1002 = tpu.memref_slice %arg3[%squeeze3A_996, %dma_start3A_1001] : memref<1000000x64xf32, #tpu.memory_space<hbm>> -> memref<1x64xf32, #tpu.memory_space<hbm>>
          %dma_start3A_1003 = arith.constant 0 : i32
          %dma_start3A_1004 = tpu.memref_slice %arg8[%add3A_998, %dma_start3A_1003] : memref<512x64xf32, #tpu.memory_space<vmem>> -> memref<1x64xf32, #tpu.memory_space<vmem>>
          %dma_start3A_1005 = arith.constant 0 : i32
          %dma_start3A_1006 = tpu.memref_slice %arg3[%squeeze3A_996, %dma_start3A_1005] : memref<1000000x64xf32, #tpu.memory_space<hbm>> -> memref<1x64xf32, #tpu.memory_space<hbm>>
          tpu.enqueue_dma source(%dma_start3A_1006 : memref<1x64xf32, #tpu.memory_space<hbm>>) target(%dma_start3A_1004 : memref<1x64xf32, #tpu.memory_space<vmem>>) target_semaphore(%arg13 : memref<!tpu.dma_semaphore, #tpu.memory_space<semaphore_mem>>)
          %scan3A_1007 = arith.constant 0 : i32
          scf.yield %scan3A_1007 : i32
        }
        %scan3A_798 = arith.constant 4 : i32
        %mul3A_799 = arith.constant 2 : i32
        %mul3A_800 = arith.muli %mul3A_799, %scan3A_26 : i32
        %add3A_801 = arith.constant 5 : i32
        %add3A_802 = arith.addi %mul3A_800, %add3A_801 : i32
        %scan3A_803 = arith.constant 0 : i32
        %scan3A_804 = arith.constant 0 : i32
        %scan3A_805 = arith.constant 4 : i32
        %scan3A_806 = arith.addi %scan3A_804, %scan3A_805 : i32
        %scan3A_807 = arith.constant 1 : i32
        %scan3A_808 = scf.for %scan3A_810 = %scan3A_804 to %scan3A_806 step %scan3A_807 iter_args(%scan3A_811 = %scan3A_803) -> (i32)  : i32 {
          %mul3A_812 = arith.constant 64 : i32
          %mul3A_813 = arith.muli %add3A_802, %mul3A_812 : i32
          %mul3A_814 = arith.constant 16 : i32
          %mul3A_815 = arith.muli %scan3A_810, %mul3A_814 : i32
          %add3A_816 = arith.addi %mul3A_813, %mul3A_815 : i32
          %get3A = arith.index_cast %add3A_816 : i32 to index
          %get3A_817 = tpu.vector_load %arg7[%get3A] {strides = array<i32>} : memref<512xi32, #tpu.memory_space<vmem>>, vector<16xi32>,
          %slice3A = vector.extract_strided_slice %get3A_817 {offsets = [0], sizes = [1], strides = [1]} : vector<16xi32> to vector<1xi32>
          %squeeze3A = vector.extract %slice3A[0] : i32 from vector<1xi32>
          %add3A_818 = arith.constant 0 : i32
          %add3A_819 = arith.addi %add3A_816, %add3A_818 : i32
          %dma_start3A = arith.constant 0 : i32
          %dma_start3A_820 = tpu.memref_slice %arg8[%add3A_819, %dma_start3A] : memref<512x64xf32, #tpu.memory_space<vmem>> -> memref<1x64xf32, #tpu.memory_space<vmem>>
          %dma_start3A_821 = arith.constant 0 : i32
          %dma_start3A_822 = tpu.memref_slice %arg3[%squeeze3A, %dma_start3A_821] : memref<1000000x64xf32, #tpu.memory_space<hbm>> -> memref<1x64xf32, #tpu.memory_space<hbm>>
          %dma_start3A_823 = arith.constant 0 : i32
          %dma_start3A_824 = tpu.memref_slice %arg8[%add3A_819, %dma_start3A_823] : memref<512x64xf32, #tpu.memory_space<vmem>> -> memref<1x64xf32, #tpu.memory_space<vmem>>
          %dma_start3A_825 = arith.constant 0 : i32
          %dma_start3A_826 = tpu.memref_slice %arg3[%squeeze3A, %dma_start3A_825] : memref<1000000x64xf32, #tpu.memory_space<hbm>> -> memref<1x64xf32, #tpu.memory_space<hbm>>
          tpu.enqueue_dma source(%dma_start3A_826 : memref<1x64xf32, #tpu.memory_space<hbm>>) target(%dma_start3A_824 : memref<1x64xf32, #tpu.memory_space<vmem>>) target_semaphore(%arg13 : memref<!tpu.dma_semaphore, #tpu.memory_space<semaphore_mem>>)
          %slice3A_827 = vector.extract_strided_slice %get3A_817 {offsets = [1], sizes = [1], strides = [1]} : vector<16xi32> to vector<1xi32>
          %squeeze3A_828 = vector.extract %slice3A_827[0] : i32 from vector<1xi32>
          %add3A_829 = arith.constant 1 : i32
          %add3A_830 = arith.addi %add3A_816, %add3A_829 : i32
          %dma_start3A_831 = arith.constant 0 : i32
          %dma_start3A_832 = tpu.memref_slice %arg8[%add3A_830, %dma_start3A_831] : memref<512x64xf32, #tpu.memory_space<vmem>> -> memref<1x64xf32, #tpu.memory_space<vmem>>
          %dma_start3A_833 = arith.constant 0 : i32
          %dma_start3A_834 = tpu.memref_slice %arg3[%squeeze3A_828, %dma_start3A_833] : memref<1000000x64xf32, #tpu.memory_space<hbm>> -> memref<1x64xf32, #tpu.memory_space<hbm>>
          %dma_start3A_835 = arith.constant 0 : i32
          %dma_start3A_836 = tpu.memref_slice %arg8[%add3A_830, %dma_start3A_835] : memref<512x64xf32, #tpu.memory_space<vmem>> -> memref<1x64xf32, #tpu.memory_space<vmem>>
          %dma_start3A_837 = arith.constant 0 : i32
          %dma_start3A_838 = tpu.memref_slice %arg3[%squeeze3A_828, %dma_start3A_837] : memref<1000000x64xf32, #tpu.memory_space<hbm>> -> memref<1x64xf32, #tpu.memory_space<hbm>>
          tpu.enqueue_dma source(%dma_start3A_838 : memref<1x64xf32, #tpu.memory_space<hbm>>) target(%dma_start3A_836 : memref<1x64xf32, #tpu.memory_space<vmem>>) target_semaphore(%arg13 : memref<!tpu.dma_semaphore, #tpu.memory_space<semaphore_mem>>)
          %slice3A_839 = vector.extract_strided_slice %get3A_817 {offsets = [2], sizes = [1], strides = [1]} : vector<16xi32> to vector<1xi32>
          %squeeze3A_840 = vector.extract %slice3A_839[0] : i32 from vector<1xi32>
          %add3A_841 = arith.constant 2 : i32
          %add3A_842 = arith.addi %add3A_816, %add3A_841 : i32
          %dma_start3A_843 = arith.constant 0 : i32
          %dma_start3A_844 = tpu.memref_slice %arg8[%add3A_842, %dma_start3A_843] : memref<512x64xf32, #tpu.memory_space<vmem>> -> memref<1x64xf32, #tpu.memory_space<vmem>>
          %dma_start3A_845 = arith.constant 0 : i32
          %dma_start3A_846 = tpu.memref_slice %arg3[%squeeze3A_840, %dma_start3A_845] : memref<1000000x64xf32, #tpu.memory_space<hbm>> -> memref<1x64xf32, #tpu.memory_space<hbm>>
          %dma_start3A_847 = arith.constant 0 : i32
          %dma_start3A_848 = tpu.memref_slice %arg8[%add3A_842, %dma_start3A_847] : memref<512x64xf32, #tpu.memory_space<vmem>> -> memref<1x64xf32, #tpu.memory_space<vmem>>
          %dma_start3A_849 = arith.constant 0 : i32
          %dma_start3A_850 = tpu.memref_slice %arg3[%squeeze3A_840, %dma_start3A_849] : memref<1000000x64xf32, #tpu.memory_space<hbm>> -> memref<1x64xf32, #tpu.memory_space<hbm>>
          tpu.enqueue_dma source(%dma_start3A_850 : memref<1x64xf32, #tpu.memory_space<hbm>>) target(%dma_start3A_848 : memref<1x64xf32, #tpu.memory_space<vmem>>) target_semaphore(%arg13 : memref<!tpu.dma_semaphore, #tpu.memory_space<semaphore_mem>>)
          %slice3A_851 = vector.extract_strided_slice %get3A_817 {offsets = [3], sizes = [1], strides = [1]} : vector<16xi32> to vector<1xi32>
          %squeeze3A_852 = vector.extract %slice3A_851[0] : i32 from vector<1xi32>
          %add3A_853 = arith.constant 3 : i32
          %add3A_854 = arith.addi %add3A_816, %add3A_853 : i32
          %dma_start3A_855 = arith.constant 0 : i32
          %dma_start3A_856 = tpu.memref_slice %arg8[%add3A_854, %dma_start3A_855] : memref<512x64xf32, #tpu.memory_space<vmem>> -> memref<1x64xf32, #tpu.memory_space<vmem>>
          %dma_start3A_857 = arith.constant 0 : i32
          %dma_start3A_858 = tpu.memref_slice %arg3[%squeeze3A_852, %dma_start3A_857] : memref<1000000x64xf32, #tpu.memory_space<hbm>> -> memref<1x64xf32, #tpu.memory_space<hbm>>
          %dma_start3A_859 = arith.constant 0 : i32
          %dma_start3A_860 = tpu.memref_slice %arg8[%add3A_854, %dma_start3A_859] : memref<512x64xf32, #tpu.memory_space<vmem>> -> memref<1x64xf32, #tpu.memory_space<vmem>>
          %dma_start3A_861 = arith.constant 0 : i32
          %dma_start3A_862 = tpu.memref_slice %arg3[%squeeze3A_852, %dma_start3A_861] : memref<1000000x64xf32, #tpu.memory_space<hbm>> -> memref<1x64xf32, #tpu.memory_space<hbm>>
          tpu.enqueue_dma source(%dma_start3A_862 : memref<1x64xf32, #tpu.memory_space<hbm>>) target(%dma_start3A_860 : memref<1x64xf32, #tpu.memory_space<vmem>>) target_semaphore(%arg13 : memref<!tpu.dma_semaphore, #tpu.memory_space<semaphore_mem>>)
          %slice3A_863 = vector.extract_strided_slice %get3A_817 {offsets = [4], sizes = [1], strides = [1]} : vector<16xi32> to vector<1xi32>
          %squeeze3A_864 = vector.extract %slice3A_863[0] : i32 from vector<1xi32>
          %add3A_865 = arith.constant 4 : i32
          %add3A_866 = arith.addi %add3A_816, %add3A_865 : i32
          %dma_start3A_867 = arith.constant 0 : i32
          %dma_start3A_868 = tpu.memref_slice %arg8[%add3A_866, %dma_start3A_867] : memref<512x64xf32, #tpu.memory_space<vmem>> -> memref<1x64xf32, #tpu.memory_space<vmem>>
          %dma_start3A_869 = arith.constant 0 : i32
          %dma_start3A_870 = tpu.memref_slice %arg3[%squeeze3A_864, %dma_start3A_869] : memref<1000000x64xf32, #tpu.memory_space<hbm>> -> memref<1x64xf32, #tpu.memory_space<hbm>>
          %dma_start3A_871 = arith.constant 0 : i32
          %dma_start3A_872 = tpu.memref_slice %arg8[%add3A_866, %dma_start3A_871] : memref<512x64xf32, #tpu.memory_space<vmem>> -> memref<1x64xf32, #tpu.memory_space<vmem>>
          %dma_start3A_873 = arith.constant 0 : i32
          %dma_start3A_874 = tpu.memref_slice %arg3[%squeeze3A_864, %dma_start3A_873] : memref<1000000x64xf32, #tpu.memory_space<hbm>> -> memref<1x64xf32, #tpu.memory_space<hbm>>
          tpu.enqueue_dma source(%dma_start3A_874 : memref<1x64xf32, #tpu.memory_space<hbm>>) target(%dma_start3A_872 : memref<1x64xf32, #tpu.memory_space<vmem>>) target_semaphore(%arg13 : memref<!tpu.dma_semaphore, #tpu.memory_space<semaphore_mem>>)
          %slice3A_875 = vector.extract_strided_slice %get3A_817 {offsets = [5], sizes = [1], strides = [1]} : vector<16xi32> to vector<1xi32>
          %squeeze3A_876 = vector.extract %slice3A_875[0] : i32 from vector<1xi32>
          %add3A_877 = arith.constant 5 : i32
          %add3A_878 = arith.addi %add3A_816, %add3A_877 : i32
          %dma_start3A_879 = arith.constant 0 : i32
          %dma_start3A_880 = tpu.memref_slice %arg8[%add3A_878, %dma_start3A_879] : memref<512x64xf32, #tpu.memory_space<vmem>> -> memref<1x64xf32, #tpu.memory_space<vmem>>
          %dma_start3A_881 = arith.constant 0 : i32
          %dma_start3A_882 = tpu.memref_slice %arg3[%squeeze3A_876, %dma_start3A_881] : memref<1000000x64xf32, #tpu.memory_space<hbm>> -> memref<1x64xf32, #tpu.memory_space<hbm>>
          %dma_start3A_883 = arith.constant 0 : i32
          %dma_start3A_884 = tpu.memref_slice %arg8[%add3A_878, %dma_start3A_883] : memref<512x64xf32, #tpu.memory_space<vmem>> -> memref<1x64xf32, #tpu.memory_space<vmem>>
          %dma_start3A_885 = arith.constant 0 : i32
          %dma_start3A_886 = tpu.memref_slice %arg3[%squeeze3A_876, %dma_start3A_885] : memref<1000000x64xf32, #tpu.memory_space<hbm>> -> memref<1x64xf32, #tpu.memory_space<hbm>>
          tpu.enqueue_dma source(%dma_start3A_886 : memref<1x64xf32, #tpu.memory_space<hbm>>) target(%dma_start3A_884 : memref<1x64xf32, #tpu.memory_space<vmem>>) target_semaphore(%arg13 : memref<!tpu.dma_semaphore, #tpu.memory_space<semaphore_mem>>)
          %slice3A_887 = vector.extract_strided_slice %get3A_817 {offsets = [6], sizes = [1], strides = [1]} : vector<16xi32> to vector<1xi32>
          %squeeze3A_888 = vector.extract %slice3A_887[0] : i32 from vector<1xi32>
          %add3A_889 = arith.constant 6 : i32
          %add3A_890 = arith.addi %add3A_816, %add3A_889 : i32
          %dma_start3A_891 = arith.constant 0 : i32
          %dma_start3A_892 = tpu.memref_slice %arg8[%add3A_890, %dma_start3A_891] : memref<512x64xf32, #tpu.memory_space<vmem>> -> memref<1x64xf32, #tpu.memory_space<vmem>>
          %dma_start3A_893 = arith.constant 0 : i32
          %dma_start3A_894 = tpu.memref_slice %arg3[%squeeze3A_888, %dma_start3A_893] : memref<1000000x64xf32, #tpu.memory_space<hbm>> -> memref<1x64xf32, #tpu.memory_space<hbm>>
          %dma_start3A_895 = arith.constant 0 : i32
          %dma_start3A_896 = tpu.memref_slice %arg8[%add3A_890, %dma_start3A_895] : memref<512x64xf32, #tpu.memory_space<vmem>> -> memref<1x64xf32, #tpu.memory_space<vmem>>
          %dma_start3A_897 = arith.constant 0 : i32
          %dma_start3A_898 = tpu.memref_slice %arg3[%squeeze3A_888, %dma_start3A_897] : memref<1000000x64xf32, #tpu.memory_space<hbm>> -> memref<1x64xf32, #tpu.memory_space<hbm>>
          tpu.enqueue_dma source(%dma_start3A_898 : memref<1x64xf32, #tpu.memory_space<hbm>>) target(%dma_start3A_896 : memref<1x64xf32, #tpu.memory_space<vmem>>) target_semaphore(%arg13 : memref<!tpu.dma_semaphore, #tpu.memory_space<semaphore_mem>>)
          %slice3A_899 = vector.extract_strided_slice %get3A_817 {offsets = [7], sizes = [1], strides = [1]} : vector<16xi32> to vector<1xi32>
          %squeeze3A_900 = vector.extract %slice3A_899[0] : i32 from vector<1xi32>
          %add3A_901 = arith.constant 7 : i32
          %add3A_902 = arith.addi %add3A_816, %add3A_901 : i32
          %dma_start3A_903 = arith.constant 0 : i32
          %dma_start3A_904 = tpu.memref_slice %arg8[%add3A_902, %dma_start3A_903] : memref<512x64xf32, #tpu.memory_space<vmem>> -> memref<1x64xf32, #tpu.memory_space<vmem>>
          %dma_start3A_905 = arith.constant 0 : i32
          %dma_start3A_906 = tpu.memref_slice %arg3[%squeeze3A_900, %dma_start3A_905] : memref<1000000x64xf32, #tpu.memory_space<hbm>> -> memref<1x64xf32, #tpu.memory_space<hbm>>
          %dma_start3A_907 = arith.constant 0 : i32
          %dma_start3A_908 = tpu.memref_slice %arg8[%add3A_902, %dma_start3A_907] : memref<512x64xf32, #tpu.memory_space<vmem>> -> memref<1x64xf32, #tpu.memory_space<vmem>>
          %dma_start3A_909 = arith.constant 0 : i32
          %dma_start3A_910 = tpu.memref_slice %arg3[%squeeze3A_900, %dma_start3A_909] : memref<1000000x64xf32, #tpu.memory_space<hbm>> -> memref<1x64xf32, #tpu.memory_space<hbm>>
          tpu.enqueue_dma source(%dma_start3A_910 : memref<1x64xf32, #tpu.memory_space<hbm>>) target(%dma_start3A_908 : memref<1x64xf32, #tpu.memory_space<vmem>>) target_semaphore(%arg13 : memref<!tpu.dma_semaphore, #tpu.memory_space<semaphore_mem>>)
          %slice3A_911 = vector.extract_strided_slice %get3A_817 {offsets = [8], sizes = [1], strides = [1]} : vector<16xi32> to vector<1xi32>
          %squeeze3A_912 = vector.extract %slice3A_911[0] : i32 from vector<1xi32>
          %add3A_913 = arith.constant 8 : i32
          %add3A_914 = arith.addi %add3A_816, %add3A_913 : i32
          %dma_start3A_915 = arith.constant 0 : i32
          %dma_start3A_916 = tpu.memref_slice %arg8[%add3A_914, %dma_start3A_915] : memref<512x64xf32, #tpu.memory_space<vmem>> -> memref<1x64xf32, #tpu.memory_space<vmem>>
          %dma_start3A_917 = arith.constant 0 : i32
          %dma_start3A_918 = tpu.memref_slice %arg3[%squeeze3A_912, %dma_start3A_917] : memref<1000000x64xf32, #tpu.memory_space<hbm>> -> memref<1x64xf32, #tpu.memory_space<hbm>>
          %dma_start3A_919 = arith.constant 0 : i32
          %dma_start3A_920 = tpu.memref_slice %arg8[%add3A_914, %dma_start3A_919] : memref<512x64xf32, #tpu.memory_space<vmem>> -> memref<1x64xf32, #tpu.memory_space<vmem>>
          %dma_start3A_921 = arith.constant 0 : i32
          %dma_start3A_922 = tpu.memref_slice %arg3[%squeeze3A_912, %dma_start3A_921] : memref<1000000x64xf32, #tpu.memory_space<hbm>> -> memref<1x64xf32, #tpu.memory_space<hbm>>
          tpu.enqueue_dma source(%dma_start3A_922 : memref<1x64xf32, #tpu.memory_space<hbm>>) target(%dma_start3A_920 : memref<1x64xf32, #tpu.memory_space<vmem>>) target_semaphore(%arg13 : memref<!tpu.dma_semaphore, #tpu.memory_space<semaphore_mem>>)
          %slice3A_923 = vector.extract_strided_slice %get3A_817 {offsets = [9], sizes = [1], strides = [1]} : vector<16xi32> to vector<1xi32>
          %squeeze3A_924 = vector.extract %slice3A_923[0] : i32 from vector<1xi32>
          %add3A_925 = arith.constant 9 : i32
          %add3A_926 = arith.addi %add3A_816, %add3A_925 : i32
          %dma_start3A_927 = arith.constant 0 : i32
          %dma_start3A_928 = tpu.memref_slice %arg8[%add3A_926, %dma_start3A_927] : memref<512x64xf32, #tpu.memory_space<vmem>> -> memref<1x64xf32, #tpu.memory_space<vmem>>
          %dma_start3A_929 = arith.constant 0 : i32
          %dma_start3A_930 = tpu.memref_slice %arg3[%squeeze3A_924, %dma_start3A_929] : memref<1000000x64xf32, #tpu.memory_space<hbm>> -> memref<1x64xf32, #tpu.memory_space<hbm>>
          %dma_start3A_931 = arith.constant 0 : i32
          %dma_start3A_932 = tpu.memref_slice %arg8[%add3A_926, %dma_start3A_931] : memref<512x64xf32, #tpu.memory_space<vmem>> -> memref<1x64xf32, #tpu.memory_space<vmem>>
          %dma_start3A_933 = arith.constant 0 : i32
          %dma_start3A_934 = tpu.memref_slice %arg3[%squeeze3A_924, %dma_start3A_933] : memref<1000000x64xf32, #tpu.memory_space<hbm>> -> memref<1x64xf32, #tpu.memory_space<hbm>>
          tpu.enqueue_dma source(%dma_start3A_934 : memref<1x64xf32, #tpu.memory_space<hbm>>) target(%dma_start3A_932 : memref<1x64xf32, #tpu.memory_space<vmem>>) target_semaphore(%arg13 : memref<!tpu.dma_semaphore, #tpu.memory_space<semaphore_mem>>)
          %slice3A_935 = vector.extract_strided_slice %get3A_817 {offsets = [10], sizes = [1], strides = [1]} : vector<16xi32> to vector<1xi32>
          %squeeze3A_936 = vector.extract %slice3A_935[0] : i32 from vector<1xi32>
          %add3A_937 = arith.constant 10 : i32
          %add3A_938 = arith.addi %add3A_816, %add3A_937 : i32
          %dma_start3A_939 = arith.constant 0 : i32
          %dma_start3A_940 = tpu.memref_slice %arg8[%add3A_938, %dma_start3A_939] : memref<512x64xf32, #tpu.memory_space<vmem>> -> memref<1x64xf32, #tpu.memory_space<vmem>>
          %dma_start3A_941 = arith.constant 0 : i32
          %dma_start3A_942 = tpu.memref_slice %arg3[%squeeze3A_936, %dma_start3A_941] : memref<1000000x64xf32, #tpu.memory_space<hbm>> -> memref<1x64xf32, #tpu.memory_space<hbm>>
          %dma_start3A_943 = arith.constant 0 : i32
          %dma_start3A_944 = tpu.memref_slice %arg8[%add3A_938, %dma_start3A_943] : memref<512x64xf32, #tpu.memory_space<vmem>> -> memref<1x64xf32, #tpu.memory_space<vmem>>
          %dma_start3A_945 = arith.constant 0 : i32
          %dma_start3A_946 = tpu.memref_slice %arg3[%squeeze3A_936, %dma_start3A_945] : memref<1000000x64xf32, #tpu.memory_space<hbm>> -> memref<1x64xf32, #tpu.memory_space<hbm>>
          tpu.enqueue_dma source(%dma_start3A_946 : memref<1x64xf32, #tpu.memory_space<hbm>>) target(%dma_start3A_944 : memref<1x64xf32, #tpu.memory_space<vmem>>) target_semaphore(%arg13 : memref<!tpu.dma_semaphore, #tpu.memory_space<semaphore_mem>>)
          %slice3A_947 = vector.extract_strided_slice %get3A_817 {offsets = [11], sizes = [1], strides = [1]} : vector<16xi32> to vector<1xi32>
          %squeeze3A_948 = vector.extract %slice3A_947[0] : i32 from vector<1xi32>
          %add3A_949 = arith.constant 11 : i32
          %add3A_950 = arith.addi %add3A_816, %add3A_949 : i32
          %dma_start3A_951 = arith.constant 0 : i32
          %dma_start3A_952 = tpu.memref_slice %arg8[%add3A_950, %dma_start3A_951] : memref<512x64xf32, #tpu.memory_space<vmem>> -> memref<1x64xf32, #tpu.memory_space<vmem>>
          %dma_start3A_953 = arith.constant 0 : i32
          %dma_start3A_954 = tpu.memref_slice %arg3[%squeeze3A_948, %dma_start3A_953] : memref<1000000x64xf32, #tpu.memory_space<hbm>> -> memref<1x64xf32, #tpu.memory_space<hbm>>
          %dma_start3A_955 = arith.constant 0 : i32
          %dma_start3A_956 = tpu.memref_slice %arg8[%add3A_950, %dma_start3A_955] : memref<512x64xf32, #tpu.memory_space<vmem>> -> memref<1x64xf32, #tpu.memory_space<vmem>>
          %dma_start3A_957 = arith.constant 0 : i32
          %dma_start3A_958 = tpu.memref_slice %arg3[%squeeze3A_948, %dma_start3A_957] : memref<1000000x64xf32, #tpu.memory_space<hbm>> -> memref<1x64xf32, #tpu.memory_space<hbm>>
          tpu.enqueue_dma source(%dma_start3A_958 : memref<1x64xf32, #tpu.memory_space<hbm>>) target(%dma_start3A_956 : memref<1x64xf32, #tpu.memory_space<vmem>>) target_semaphore(%arg13 : memref<!tpu.dma_semaphore, #tpu.memory_space<semaphore_mem>>)
          %slice3A_959 = vector.extract_strided_slice %get3A_817 {offsets = [12], sizes = [1], strides = [1]} : vector<16xi32> to vector<1xi32>
          %squeeze3A_960 = vector.extract %slice3A_959[0] : i32 from vector<1xi32>
          %add3A_961 = arith.constant 12 : i32
          %add3A_962 = arith.addi %add3A_816, %add3A_961 : i32
          %dma_start3A_963 = arith.constant 0 : i32
          %dma_start3A_964 = tpu.memref_slice %arg8[%add3A_962, %dma_start3A_963] : memref<512x64xf32, #tpu.memory_space<vmem>> -> memref<1x64xf32, #tpu.memory_space<vmem>>
          %dma_start3A_965 = arith.constant 0 : i32
          %dma_start3A_966 = tpu.memref_slice %arg3[%squeeze3A_960, %dma_start3A_965] : memref<1000000x64xf32, #tpu.memory_space<hbm>> -> memref<1x64xf32, #tpu.memory_space<hbm>>
          %dma_start3A_967 = arith.constant 0 : i32
          %dma_start3A_968 = tpu.memref_slice %arg8[%add3A_962, %dma_start3A_967] : memref<512x64xf32, #tpu.memory_space<vmem>> -> memref<1x64xf32, #tpu.memory_space<vmem>>
          %dma_start3A_969 = arith.constant 0 : i32
          %dma_start3A_970 = tpu.memref_slice %arg3[%squeeze3A_960, %dma_start3A_969] : memref<1000000x64xf32, #tpu.memory_space<hbm>> -> memref<1x64xf32, #tpu.memory_space<hbm>>
          tpu.enqueue_dma source(%dma_start3A_970 : memref<1x64xf32, #tpu.memory_space<hbm>>) target(%dma_start3A_968 : memref<1x64xf32, #tpu.memory_space<vmem>>) target_semaphore(%arg13 : memref<!tpu.dma_semaphore, #tpu.memory_space<semaphore_mem>>)
          %slice3A_971 = vector.extract_strided_slice %get3A_817 {offsets = [13], sizes = [1], strides = [1]} : vector<16xi32> to vector<1xi32>
          %squeeze3A_972 = vector.extract %slice3A_971[0] : i32 from vector<1xi32>
          %add3A_973 = arith.constant 13 : i32
          %add3A_974 = arith.addi %add3A_816, %add3A_973 : i32
          %dma_start3A_975 = arith.constant 0 : i32
          %dma_start3A_976 = tpu.memref_slice %arg8[%add3A_974, %dma_start3A_975] : memref<512x64xf32, #tpu.memory_space<vmem>> -> memref<1x64xf32, #tpu.memory_space<vmem>>
          %dma_start3A_977 = arith.constant 0 : i32
          %dma_start3A_978 = tpu.memref_slice %arg3[%squeeze3A_972, %dma_start3A_977] : memref<1000000x64xf32, #tpu.memory_space<hbm>> -> memref<1x64xf32, #tpu.memory_space<hbm>>
          %dma_start3A_979 = arith.constant 0 : i32
          %dma_start3A_980 = tpu.memref_slice %arg8[%add3A_974, %dma_start3A_979] : memref<512x64xf32, #tpu.memory_space<vmem>> -> memref<1x64xf32, #tpu.memory_space<vmem>>
          %dma_start3A_981 = arith.constant 0 : i32
          %dma_start3A_982 = tpu.memref_slice %arg3[%squeeze3A_972, %dma_start3A_981] : memref<1000000x64xf32, #tpu.memory_space<hbm>> -> memref<1x64xf32, #tpu.memory_space<hbm>>
          tpu.enqueue_dma source(%dma_start3A_982 : memref<1x64xf32, #tpu.memory_space<hbm>>) target(%dma_start3A_980 : memref<1x64xf32, #tpu.memory_space<vmem>>) target_semaphore(%arg13 : memref<!tpu.dma_semaphore, #tpu.memory_space<semaphore_mem>>)
          %slice3A_983 = vector.extract_strided_slice %get3A_817 {offsets = [14], sizes = [1], strides = [1]} : vector<16xi32> to vector<1xi32>
          %squeeze3A_984 = vector.extract %slice3A_983[0] : i32 from vector<1xi32>
          %add3A_985 = arith.constant 14 : i32
          %add3A_986 = arith.addi %add3A_816, %add3A_985 : i32
          %dma_start3A_987 = arith.constant 0 : i32
          %dma_start3A_988 = tpu.memref_slice %arg8[%add3A_986, %dma_start3A_987] : memref<512x64xf32, #tpu.memory_space<vmem>> -> memref<1x64xf32, #tpu.memory_space<vmem>>
          %dma_start3A_989 = arith.constant 0 : i32
          %dma_start3A_990 = tpu.memref_slice %arg3[%squeeze3A_984, %dma_start3A_989] : memref<1000000x64xf32, #tpu.memory_space<hbm>> -> memref<1x64xf32, #tpu.memory_space<hbm>>
          %dma_start3A_991 = arith.constant 0 : i32
          %dma_start3A_992 = tpu.memref_slice %arg8[%add3A_986, %dma_start3A_991] : memref<512x64xf32, #tpu.memory_space<vmem>> -> memref<1x64xf32, #tpu.memory_space<vmem>>
          %dma_start3A_993 = arith.constant 0 : i32
          %dma_start3A_994 = tpu.memref_slice %arg3[%squeeze3A_984, %dma_start3A_993] : memref<1000000x64xf32, #tpu.memory_space<hbm>> -> memref<1x64xf32, #tpu.memory_space<hbm>>
          tpu.enqueue_dma source(%dma_start3A_994 : memref<1x64xf32, #tpu.memory_space<hbm>>) target(%dma_start3A_992 : memref<1x64xf32, #tpu.memory_space<vmem>>) target_semaphore(%arg13 : memref<!tpu.dma_semaphore, #tpu.memory_space<semaphore_mem>>)
          %slice3A_995 = vector.extract_strided_slice %get3A_817 {offsets = [15], sizes = [1], strides = [1]} : vector<16xi32> to vector<1xi32>
          %squeeze3A_996 = vector.extract %slice3A_995[0] : i32 from vector<1xi32>
          %add3A_997 = arith.constant 15 : i32
          %add3A_998 = arith.addi %add3A_816, %add3A_997 : i32
          %dma_start3A_999 = arith.constant 0 : i32
          %dma_start3A_1000 = tpu.memref_slice %arg8[%add3A_998, %dma_start3A_999] : memref<512x64xf32, #tpu.memory_space<vmem>> -> memref<1x64xf32, #tpu.memory_space<vmem>>
          %dma_start3A_1001 = arith.constant 0 : i32
          %dma_start3A_1002 = tpu.memref_slice %arg3[%squeeze3A_996, %dma_start3A_1001] : memref<1000000x64xf32, #tpu.memory_space<hbm>> -> memref<1x64xf32, #tpu.memory_space<hbm>>
          %dma_start3A_1003 = arith.constant 0 : i32
          %dma_start3A_1004 = tpu.memref_slice %arg8[%add3A_998, %dma_start3A_1003] : memref<512x64xf32, #tpu.memory_space<vmem>> -> memref<1x64xf32, #tpu.memory_space<vmem>>
          %dma_start3A_1005 = arith.constant 0 : i32
          %dma_start3A_1006 = tpu.memref_slice %arg3[%squeeze3A_996, %dma_start3A_1005] : memref<1000000x64xf32, #tpu.memory_space<hbm>> -> memref<1x64xf32, #tpu.memory_space<hbm>>
          tpu.enqueue_dma source(%dma_start3A_1006 : memref<1x64xf32, #tpu.memory_space<hbm>>) target(%dma_start3A_1004 : memref<1x64xf32, #tpu.memory_space<vmem>>) target_semaphore(%arg13 : memref<!tpu.dma_semaphore, #tpu.memory_space<semaphore_mem>>)
          %scan3A_1007 = arith.constant 0 : i32
          scf.yield %scan3A_1007 : i32
        }
        %scan3A_809 = arith.constant 4 : i32
      } else {
      }
      %mul3A_53 = arith.constant 128 : i32
      %mul3A_54 = arith.muli %scan3A_26, %mul3A_53 : i32
      %add3A_55 = arith.constant 0 : i32
      %add3A_56 = arith.addi %mul3A_54, %add3A_55 : i32
      %add3A_57 = vector.broadcast %add3A_56 : i32 to vector<16xi32>
      %add3A_58 = arith.addi %add3A_57, %iota3A : vector<16xi32>
      %add3A_59 = arith.constant 16 : i32
      %add3A_60 = arith.addi %mul3A_54, %add3A_59 : i32
      %add3A_61 = vector.broadcast %add3A_60 : i32 to vector<16xi32>
      %add3A_62 = arith.addi %add3A_61, %iota3A : vector<16xi32>
      %add3A_63 = arith.constant 32 : i32
      %add3A_64 = arith.addi %mul3A_54, %add3A_63 : i32
      %add3A_65 = vector.broadcast %add3A_64 : i32 to vector<16xi32>
      %add3A_66 = arith.addi %add3A_65, %iota3A : vector<16xi32>
      %add3A_67 = arith.constant 48 : i32
      %add3A_68 = arith.addi %mul3A_54, %add3A_67 : i32
      %add3A_69 = vector.broadcast %add3A_68 : i32 to vector<16xi32>
      %add3A_70 = arith.addi %add3A_69, %iota3A : vector<16xi32>
      %add3A_71 = arith.constant 64 : i32
      %add3A_72 = arith.addi %mul3A_54, %add3A_71 : i32
      %add3A_73 = vector.broadcast %add3A_72 : i32 to vector<16xi32>
      %add3A_74 = arith.addi %add3A_73, %iota3A : vector<16xi32>
      %add3A_75 = arith.constant 80 : i32
      %add3A_76 = arith.addi %mul3A_54, %add3A_75 : i32
      %add3A_77 = vector.broadcast %add3A_76 : i32 to vector<16xi32>
      %add3A_78 = arith.addi %add3A_77, %iota3A : vector<16xi32>
      %add3A_79 = arith.constant 96 : i32
      %add3A_80 = arith.addi %mul3A_54, %add3A_79 : i32
      %add3A_81 = vector.broadcast %add3A_80 : i32 to vector<16xi32>
      %add3A_82 = arith.addi %add3A_81, %iota3A : vector<16xi32>
      %add3A_83 = arith.constant 112 : i32
      %add3A_84 = arith.addi %mul3A_54, %add3A_83 : i32
      %add3A_85 = vector.broadcast %add3A_84 : i32 to vector<16xi32>
      %add3A_86 = arith.addi %add3A_85, %iota3A : vector<16xi32>
      %scan3A_87 = arith.constant 0 : i32
      %scan3A_88 = arith.constant 64 : i32
      %scan3A_89 = arith.addi %scan3A_87, %scan3A_88 : i32
      %scan3A_90 = arith.constant 1 : i32
      %scan3A_91:32 = scf.for %scan3A_788 = %scan3A_87 to %scan3A_89 step %scan3A_90 iter_args(%scan3A_789 = %broadcast_in_dim3A_9, %scan3A_790 = %broadcast_in_dim3A_9, %scan3A_791 = %broadcast_in_dim3A_9, %scan3A_792 = %broadcast_in_dim3A_9, %scan3A_793 = %broadcast_in_dim3A_9, %scan3A_794 = %broadcast_in_dim3A_9, %scan3A_795 = %broadcast_in_dim3A_9, %scan3A_796 = %broadcast_in_dim3A_9, %scan3A_797 = %broadcast_in_dim3A_9, %scan3A_798 = %broadcast_in_dim3A_9, %scan3A_799 = %broadcast_in_dim3A_9, %scan3A_800 = %broadcast_in_dim3A_9, %scan3A_801 = %broadcast_in_dim3A_9, %scan3A_802 = %broadcast_in_dim3A_9, %scan3A_803 = %broadcast_in_dim3A_9, %scan3A_804 = %broadcast_in_dim3A_9, %scan3A_805 = %broadcast_in_dim3A_9, %scan3A_806 = %broadcast_in_dim3A_9, %scan3A_807 = %broadcast_in_dim3A_9, %scan3A_808 = %broadcast_in_dim3A_9, %scan3A_809 = %broadcast_in_dim3A_9, %scan3A_810 = %broadcast_in_dim3A_9, %scan3A_811 = %broadcast_in_dim3A_9, %scan3A_812 = %broadcast_in_dim3A_9, %scan3A_813 = %broadcast_in_dim3A_9, %scan3A_814 = %broadcast_in_dim3A_9, %scan3A_815 = %broadcast_in_dim3A_9, %scan3A_816 = %broadcast_in_dim3A_9, %scan3A_817 = %broadcast_in_dim3A_9, %scan3A_818 = %broadcast_in_dim3A_9, %scan3A_819 = %broadcast_in_dim3A_9, %scan3A_820 = %broadcast_in_dim3A_9) -> (vector<16xf32>, vector<16xf32>, vector<16xf32>, vector<16xf32>, vector<16xf32>, vector<16xf32>, vector<16xf32>, vector<16xf32>, vector<16xf32>, vector<16xf32>, vector<16xf32>, vector<16xf32>, vector<16xf32>, vector<16xf32>, vector<16xf32>, vector<16xf32>, vector<16xf32>, vector<16xf32>, vector<16xf32>, vector<16xf32>, vector<16xf32>, vector<16xf32>, vector<16xf32>, vector<16xf32>, vector<16xf32>, vector<16xf32>, vector<16xf32>, vector<16xf32>, vector<16xf32>, vector<16xf32>, vector<16xf32>, vector<16xf32>)  : i32 {
        %mul3A_821 = arith.constant 16 : i32
        %mul3A_822 = arith.muli %scan3A_788, %mul3A_821 : i32
        %add3A_823 = arith.constant 0 : i32
        %add3A_824 = arith.addi %add3A_823, %mul3A_822 : i32
        %get3A = arith.index_cast %add3A_824 : i32 to index
        %get3A_825 = tpu.vector_load %arg9[%get3A] {strides = array<i32>} : memref<4096xf32, #tpu.memory_space<vmem>>, vector<16xf32>,
        %mul3A_826 = arith.constant 16 : i32
        %mul3A_827 = arith.muli %scan3A_788, %mul3A_826 : i32
        %add3A_828 = arith.constant 1024 : i32
        %add3A_829 = arith.addi %add3A_828, %mul3A_827 : i32
        %get3A_830 = arith.index_cast %add3A_829 : i32 to index
        %get3A_831 = tpu.vector_load %arg9[%get3A_830] {strides = array<i32>} : memref<4096xf32, #tpu.memory_space<vmem>>, vector<16xf32>,
        %mul3A_832 = arith.constant 16 : i32
        %mul3A_833 = arith.muli %scan3A_788, %mul3A_832 : i32
        %add3A_834 = arith.constant 2048 : i32
        %add3A_835 = arith.addi %add3A_834, %mul3A_833 : i32
        %get3A_836 = arith.index_cast %add3A_835 : i32 to index
        %get3A_837 = tpu.vector_load %arg9[%get3A_836] {strides = array<i32>} : memref<4096xf32, #tpu.memory_space<vmem>>, vector<16xf32>,
        %mul3A_838 = arith.constant 16 : i32
        %mul3A_839 = arith.muli %scan3A_788, %mul3A_838 : i32
        %add3A_840 = arith.constant 3072 : i32
        %add3A_841 = arith.addi %add3A_840, %mul3A_839 : i32
        %get3A_842 = arith.index_cast %add3A_841 : i32 to index
        %get3A_843 = tpu.vector_load %arg9[%get3A_842] {strides = array<i32>} : memref<4096xf32, #tpu.memory_space<vmem>>, vector<16xf32>,
        %broadcast_in_dim3A_844 = arith.constant 0 : i32
        %broadcast_in_dim3A_845 = vector.broadcast %broadcast_in_dim3A_844 : i32 to vector<16xi32>
        %add3A_846 = vector.broadcast %scan3A_788 : i32 to vector<16xi32>
        %add3A_847 = arith.addi %broadcast_in_dim3A_845, %add3A_846 : vector<16xi32>
        %gather3A_848 = tpu.vector_load_idx %arg8[%add3A_58, %add3A_847] : memref<512x64xf32, #tpu.memory_space<vmem>>[vector<16xi32>, vector<16xi32>], vector<16xf32>,
        %mul3A_849 = arith.mulf %gather3A_848, %get3A_825 : vector<16xf32>
        %add3A_850 = arith.addf %scan3A_789, %mul3A_849 : vector<16xf32>
        %mul3A_851 = arith.mulf %gather3A_848, %get3A_831 : vector<16xf32>
        %add3A_852 = arith.addf %scan3A_790, %mul3A_851 : vector<16xf32>
        %mul3A_853 = arith.mulf %gather3A_848, %get3A_837 : vector<16xf32>
        %add3A_854 = arith.addf %scan3A_791, %mul3A_853 : vector<16xf32>
        %mul3A_855 = arith.mulf %gather3A_848, %get3A_843 : vector<16xf32>
        %add3A_856 = arith.addf %scan3A_792, %mul3A_855 : vector<16xf32>
        %gather3A_857 = tpu.vector_load_idx %arg8[%add3A_62, %add3A_847] : memref<512x64xf32, #tpu.memory_space<vmem>>[vector<16xi32>, vector<16xi32>], vector<16xf32>,
        %mul3A_858 = arith.mulf %gather3A_857, %get3A_825 : vector<16xf32>
        %add3A_859 = arith.addf %scan3A_793, %mul3A_858 : vector<16xf32>
        %mul3A_860 = arith.mulf %gather3A_857, %get3A_831 : vector<16xf32>
        %add3A_861 = arith.addf %scan3A_794, %mul3A_860 : vector<16xf32>
        %mul3A_862 = arith.mulf %gather3A_857, %get3A_837 : vector<16xf32>
        %add3A_863 = arith.addf %scan3A_795, %mul3A_862 : vector<16xf32>
        %mul3A_864 = arith.mulf %gather3A_857, %get3A_843 : vector<16xf32>
        %add3A_865 = arith.addf %scan3A_796, %mul3A_864 : vector<16xf32>
        %gather3A_866 = tpu.vector_load_idx %arg8[%add3A_66, %add3A_847] : memref<512x64xf32, #tpu.memory_space<vmem>>[vector<16xi32>, vector<16xi32>], vector<16xf32>,
        %mul3A_867 = arith.mulf %gather3A_866, %get3A_825 : vector<16xf32>
        %add3A_868 = arith.addf %scan3A_797, %mul3A_867 : vector<16xf32>
        %mul3A_869 = arith.mulf %gather3A_866, %get3A_831 : vector<16xf32>
        %add3A_870 = arith.addf %scan3A_798, %mul3A_869 : vector<16xf32>
        %mul3A_871 = arith.mulf %gather3A_866, %get3A_837 : vector<16xf32>
        %add3A_872 = arith.addf %scan3A_799, %mul3A_871 : vector<16xf32>
        %mul3A_873 = arith.mulf %gather3A_866, %get3A_843 : vector<16xf32>
        %add3A_874 = arith.addf %scan3A_800, %mul3A_873 : vector<16xf32>
        %gather3A_875 = tpu.vector_load_idx %arg8[%add3A_70, %add3A_847] : memref<512x64xf32, #tpu.memory_space<vmem>>[vector<16xi32>, vector<16xi32>], vector<16xf32>,
        %mul3A_876 = arith.mulf %gather3A_875, %get3A_825 : vector<16xf32>
        %add3A_877 = arith.addf %scan3A_801, %mul3A_876 : vector<16xf32>
        %mul3A_878 = arith.mulf %gather3A_875, %get3A_831 : vector<16xf32>
        %add3A_879 = arith.addf %scan3A_802, %mul3A_878 : vector<16xf32>
        %mul3A_880 = arith.mulf %gather3A_875, %get3A_837 : vector<16xf32>
        %add3A_881 = arith.addf %scan3A_803, %mul3A_880 : vector<16xf32>
        %mul3A_882 = arith.mulf %gather3A_875, %get3A_843 : vector<16xf32>
        %add3A_883 = arith.addf %scan3A_804, %mul3A_882 : vector<16xf32>
        %gather3A_884 = tpu.vector_load_idx %arg8[%add3A_74, %add3A_847] : memref<512x64xf32, #tpu.memory_space<vmem>>[vector<16xi32>, vector<16xi32>], vector<16xf32>,
        %mul3A_885 = arith.mulf %gather3A_884, %get3A_825 : vector<16xf32>
        %add3A_886 = arith.addf %scan3A_805, %mul3A_885 : vector<16xf32>
        %mul3A_887 = arith.mulf %gather3A_884, %get3A_831 : vector<16xf32>
        %add3A_888 = arith.addf %scan3A_806, %mul3A_887 : vector<16xf32>
        %mul3A_889 = arith.mulf %gather3A_884, %get3A_837 : vector<16xf32>
        %add3A_890 = arith.addf %scan3A_807, %mul3A_889 : vector<16xf32>
        %mul3A_891 = arith.mulf %gather3A_884, %get3A_843 : vector<16xf32>
        %add3A_892 = arith.addf %scan3A_808, %mul3A_891 : vector<16xf32>
        %gather3A_893 = tpu.vector_load_idx %arg8[%add3A_78, %add3A_847] : memref<512x64xf32, #tpu.memory_space<vmem>>[vector<16xi32>, vector<16xi32>], vector<16xf32>,
        %mul3A_894 = arith.mulf %gather3A_893, %get3A_825 : vector<16xf32>
        %add3A_895 = arith.addf %scan3A_809, %mul3A_894 : vector<16xf32>
        %mul3A_896 = arith.mulf %gather3A_893, %get3A_831 : vector<16xf32>
        %add3A_897 = arith.addf %scan3A_810, %mul3A_896 : vector<16xf32>
        %mul3A_898 = arith.mulf %gather3A_893, %get3A_837 : vector<16xf32>
        %add3A_899 = arith.addf %scan3A_811, %mul3A_898 : vector<16xf32>
        %mul3A_900 = arith.mulf %gather3A_893, %get3A_843 : vector<16xf32>
        %add3A_901 = arith.addf %scan3A_812, %mul3A_900 : vector<16xf32>
        %gather3A_902 = tpu.vector_load_idx %arg8[%add3A_82, %add3A_847] : memref<512x64xf32, #tpu.memory_space<vmem>>[vector<16xi32>, vector<16xi32>], vector<16xf32>,
        %mul3A_903 = arith.mulf %gather3A_902, %get3A_825 : vector<16xf32>
        %add3A_904 = arith.addf %scan3A_813, %mul3A_903 : vector<16xf32>
        %mul3A_905 = arith.mulf %gather3A_902, %get3A_831 : vector<16xf32>
        %add3A_906 = arith.addf %scan3A_814, %mul3A_905 : vector<16xf32>
        %mul3A_907 = arith.mulf %gather3A_902, %get3A_837 : vector<16xf32>
        %add3A_908 = arith.addf %scan3A_815, %mul3A_907 : vector<16xf32>
        %mul3A_909 = arith.mulf %gather3A_902, %get3A_843 : vector<16xf32>
        %add3A_910 = arith.addf %scan3A_816, %mul3A_909 : vector<16xf32>
        %gather3A_911 = tpu.vector_load_idx %arg8[%add3A_86, %add3A_847] : memref<512x64xf32, #tpu.memory_space<vmem>>[vector<16xi32>, vector<16xi32>], vector<16xf32>,
        %mul3A_912 = arith.mulf %gather3A_911, %get3A_825 : vector<16xf32>
        %add3A_913 = arith.addf %scan3A_817, %mul3A_912 : vector<16xf32>
        %mul3A_914 = arith.mulf %gather3A_911, %get3A_831 : vector<16xf32>
        %add3A_915 = arith.addf %scan3A_818, %mul3A_914 : vector<16xf32>
        %mul3A_916 = arith.mulf %gather3A_911, %get3A_837 : vector<16xf32>
        %add3A_917 = arith.addf %scan3A_819, %mul3A_916 : vector<16xf32>
        %mul3A_918 = arith.mulf %gather3A_911, %get3A_843 : vector<16xf32>
        %add3A_919 = arith.addf %scan3A_820, %mul3A_918 : vector<16xf32>
        scf.yield %add3A_850, %add3A_852, %add3A_854, %add3A_856, %add3A_859, %add3A_861, %add3A_863, %add3A_865, %add3A_868, %add3A_870, %add3A_872, %add3A_874, %add3A_877, %add3A_879, %add3A_881, %add3A_883, %add3A_886, %add3A_888, %add3A_890, %add3A_892, %add3A_895, %add3A_897, %add3A_899, %add3A_901, %add3A_904, %add3A_906, %add3A_908, %add3A_910, %add3A_913, %add3A_915, %add3A_917, %add3A_919 : vector<16xf32>, vector<16xf32>, vector<16xf32>, vector<16xf32>, vector<16xf32>, vector<16xf32>, vector<16xf32>, vector<16xf32>, vector<16xf32>, vector<16xf32>, vector<16xf32>, vector<16xf32>, vector<16xf32>, vector<16xf32>, vector<16xf32>, vector<16xf32>, vector<16xf32>, vector<16xf32>, vector<16xf32>, vector<16xf32>, vector<16xf32>, vector<16xf32>, vector<16xf32>, vector<16xf32>, vector<16xf32>, vector<16xf32>, vector<16xf32>, vector<16xf32>, vector<16xf32>, vector<16xf32>, vector<16xf32>, vector<16xf32>
      }
      %scan3A_92 = arith.constant 64 : i32
      %max3A = arith.maximumf %scan3A_91#0, %scan3A_91#1 : vector<16xf32>
      %max3A_93 = arith.maximumf %scan3A_91#2, %scan3A_91#3 : vector<16xf32>
      %max3A_94 = arith.maximumf %max3A, %max3A_93 : vector<16xf32>
      %sub3A = arith.subf %scan3A_91#0, %max3A_94 : vector<16xf32>
      %exp3A = math.exp %sub3A : vector<16xf32>
      %sub3A_95 = arith.subf %scan3A_91#1, %max3A_94 : vector<16xf32>
      %exp3A_96 = math.exp %sub3A_95 : vector<16xf32>
      %sub3A_97 = arith.subf %scan3A_91#2, %max3A_94 : vector<16xf32>
      %exp3A_98 = math.exp %sub3A_97 : vector<16xf32>
      %sub3A_99 = arith.subf %scan3A_91#3, %max3A_94 : vector<16xf32>
      %exp3A_100 = math.exp %sub3A_99 : vector<16xf32>
      %add3A_101 = arith.addf %exp3A, %exp3A_96 : vector<16xf32>
      %add3A_102 = arith.addf %add3A_101, %exp3A_98 : vector<16xf32>
      %add3A_103 = arith.addf %add3A_102, %exp3A_100 : vector<16xf32>
      %div3A = arith.constant 1.000000e+00 : f32
      %div3A_104 = vector.broadcast %div3A : f32 to vector<16xf32>
      %div3A_105 = arith.divf %div3A_104, %add3A_103 : vector<16xf32>
      %mul3A_106 = arith.mulf %exp3A, %div3A_105 : vector<16xf32>
      %mul3A_107 = arith.mulf %exp3A_96, %div3A_105 : vector<16xf32>
      %mul3A_108 = arith.mulf %exp3A_98, %div3A_105 : vector<16xf32>
      %mul3A_109 = arith.mulf %exp3A_100, %div3A_105 : vector<16xf32>
      %ge3A = arith.cmpf oge, %scan3A_91#0, %scan3A_91#1 : vector<16xf32>
      %ge3A_110 = arith.cmpf oge, %scan3A_91#0, %scan3A_91#2 : vector<16xf32>
      %and3A = arith.andi %ge3A, %ge3A_110 : vector<16xi1>
      %ge3A_111 = arith.cmpf oge, %scan3A_91#0, %scan3A_91#3 : vector<16xf32>
      %and3A_112 = arith.andi %and3A, %ge3A_111 : vector<16xi1>
      %ge3A_113 = arith.cmpf oge, %scan3A_91#1, %scan3A_91#2 : vector<16xf32>
      %ge3A_114 = arith.cmpf oge, %scan3A_91#1, %scan3A_91#3 : vector<16xf32>
      %and3A_115 = arith.andi %ge3A_113, %ge3A_114 : vector<16xi1>
      %ge3A_116 = arith.cmpf oge, %scan3A_91#2, %scan3A_91#3 : vector<16xf32>
      %broadcast_in_dim3A_117 = arith.constant 2 : i32
      %broadcast_in_dim3A_118 = vector.broadcast %broadcast_in_dim3A_117 : i32 to vector<16xi32>
      %broadcast_in_dim3A_119 = arith.constant 3 : i32
      %broadcast_in_dim3A_120 = vector.broadcast %broadcast_in_dim3A_119 : i32 to vector<16xi32>
      %broadcast_in_dim3A_121 = arith.constant 1 : i32
      %broadcast_in_dim3A_122 = vector.broadcast %broadcast_in_dim3A_121 : i32 to vector<16xi32>
      %broadcast_in_dim3A_123 = arith.constant 0 : i32
      %broadcast_in_dim3A_124 = vector.broadcast %broadcast_in_dim3A_123 : i32 to vector<16xi32>
      %select_n3A = arith.select %ge3A_116, %broadcast_in_dim3A_118, %broadcast_in_dim3A_120 : vector<16xi1>, vector<16xi32>
      %select_n3A_125 = arith.select %and3A_115, %broadcast_in_dim3A_122, %select_n3A : vector<16xi1>, vector<16xi32>
      %select_n3A_126 = arith.select %and3A_112, %broadcast_in_dim3A_124, %select_n3A_125 : vector<16xi1>, vector<16xi32>
      %mul3A_127 = arith.constant 4 : i32
      %mul3A_128 = vector.broadcast %mul3A_127 : i32 to vector<16xi32>
      %mul3A_129 = arith.muli %select_n3A_126, %mul3A_128 : vector<16xi32>
      %broadcast_in_dim3A_130 = arith.constant 0 : i32
      %broadcast_in_dim3A_131 = vector.broadcast %broadcast_in_dim3A_130 : i32 to vector<16xi32>
      %add3A_132 = arith.addi %mul3A_129, %broadcast_in_dim3A_131 : vector<16xi32>
      %gather3A = tpu.vector_load_idx %arg10[%add3A_132] : memref<16xf32, #tpu.memory_space<vmem>>[vector<16xi32>], vector<16xf32>,
      %mul3A_133 = arith.mulf %gather3A, %mul3A_106 : vector<16xf32>
      %add3A_134 = arith.addf %broadcast_in_dim3A_9, %mul3A_133 : vector<16xf32>
      %broadcast_in_dim3A_135 = arith.constant 1 : i32
      %broadcast_in_dim3A_136 = vector.broadcast %broadcast_in_dim3A_135 : i32 to vector<16xi32>
      %add3A_137 = arith.addi %mul3A_129, %broadcast_in_dim3A_136 : vector<16xi32>
      %gather3A_138 = tpu.vector_load_idx %arg10[%add3A_137] : memref<16xf32, #tpu.memory_space<vmem>>[vector<16xi32>], vector<16xf32>,
      %mul3A_139 = arith.mulf %gather3A_138, %mul3A_107 : vector<16xf32>
      %add3A_140 = arith.addf %add3A_134, %mul3A_139 : vector<16xf32>
      %broadcast_in_dim3A_141 = arith.constant 2 : i32
      %broadcast_in_dim3A_142 = vector.broadcast %broadcast_in_dim3A_141 : i32 to vector<16xi32>
      %add3A_143 = arith.addi %mul3A_129, %broadcast_in_dim3A_142 : vector<16xi32>
      %gather3A_144 = tpu.vector_load_idx %arg10[%add3A_143] : memref<16xf32, #tpu.memory_space<vmem>>[vector<16xi32>], vector<16xf32>,
      %mul3A_145 = arith.mulf %gather3A_144, %mul3A_108 : vector<16xf32>
      %add3A_146 = arith.addf %add3A_140, %mul3A_145 : vector<16xf32>
      %broadcast_in_dim3A_147 = arith.constant 3 : i32
      %broadcast_in_dim3A_148 = vector.broadcast %broadcast_in_dim3A_147 : i32 to vector<16xi32>
      %add3A_149 = arith.addi %mul3A_129, %broadcast_in_dim3A_148 : vector<16xi32>
      %gather3A_150 = tpu.vector_load_idx %arg10[%add3A_149] : memref<16xf32, #tpu.memory_space<vmem>>[vector<16xi32>], vector<16xf32>,
      %mul3A_151 = arith.mulf %gather3A_150, %mul3A_109 : vector<16xf32>
      %add3A_152 = arith.addf %add3A_146, %mul3A_151 : vector<16xf32>
      %add3A_153 = arith.constant 0 : i32
      %add3A_154 = arith.addi %mul3A_54, %add3A_153 : i32
      %add3A_155 = arith.constant 0 : i32
      %add3A_156 = arith.addi %add3A_155, %add3A_154 : i32
      %swap3A = arith.index_cast %add3A_156 : i32 to index
      %swap3A_157 = tpu.vector_load %arg11[%swap3A] {strides = array<i32>} : memref<2048xf32, #tpu.memory_space<vmem>>, vector<16xf32>,
      tpu.vector_store %arg11[%swap3A], %mul3A_106 {strides = array<i32>} : memref<2048xf32, #tpu.memory_space<vmem>>, vector<16xf32>,
      %add3A_158 = arith.constant 512 : i32
      %add3A_159 = arith.addi %add3A_158, %add3A_154 : i32
      %swap3A_160 = arith.index_cast %add3A_159 : i32 to index
      %swap3A_161 = tpu.vector_load %arg11[%swap3A_160] {strides = array<i32>} : memref<2048xf32, #tpu.memory_space<vmem>>, vector<16xf32>,
      tpu.vector_store %arg11[%swap3A_160], %mul3A_107 {strides = array<i32>} : memref<2048xf32, #tpu.memory_space<vmem>>, vector<16xf32>,
      %add3A_162 = arith.constant 1024 : i32
      %add3A_163 = arith.addi %add3A_162, %add3A_154 : i32
      %swap3A_164 = arith.index_cast %add3A_163 : i32 to index
      %swap3A_165 = tpu.vector_load %arg11[%swap3A_164] {strides = array<i32>} : memref<2048xf32, #tpu.memory_space<vmem>>, vector<16xf32>,
      tpu.vector_store %arg11[%swap3A_164], %mul3A_108 {strides = array<i32>} : memref<2048xf32, #tpu.memory_space<vmem>>, vector<16xf32>,
      %add3A_166 = arith.constant 1536 : i32
      %add3A_167 = arith.addi %add3A_166, %add3A_154 : i32
      %swap3A_168 = arith.index_cast %add3A_167 : i32 to index
      %swap3A_169 = tpu.vector_load %arg11[%swap3A_168] {strides = array<i32>} : memref<2048xf32, #tpu.memory_space<vmem>>, vector<16xf32>,
      tpu.vector_store %arg11[%swap3A_168], %mul3A_109 {strides = array<i32>} : memref<2048xf32, #tpu.memory_space<vmem>>, vector<16xf32>,
      %swap3A_170 = arith.index_cast %add3A_154 : i32 to index
      %swap3A_171 = tpu.vector_load %arg12[%swap3A_170] {strides = array<i32>} : memref<512xf32, #tpu.memory_space<vmem>>, vector<16xf32>,
      tpu.vector_store %arg12[%swap3A_170], %add3A_152 {strides = array<i32>} : memref<512xf32, #tpu.memory_space<vmem>>, vector<16xf32>,
      %max3A_172 = arith.maximumf %scan3A_91#4, %scan3A_91#5 : vector<16xf32>
      %max3A_173 = arith.maximumf %scan3A_91#6, %scan3A_91#7 : vector<16xf32>
      %max3A_174 = arith.maximumf %max3A_172, %max3A_173 : vector<16xf32>
      %sub3A_175 = arith.subf %scan3A_91#4, %max3A_174 : vector<16xf32>
      %exp3A_176 = math.exp %sub3A_175 : vector<16xf32>
      %sub3A_177 = arith.subf %scan3A_91#5, %max3A_174 : vector<16xf32>
      %exp3A_178 = math.exp %sub3A_177 : vector<16xf32>
      %sub3A_179 = arith.subf %scan3A_91#6, %max3A_174 : vector<16xf32>
      %exp3A_180 = math.exp %sub3A_179 : vector<16xf32>
      %sub3A_181 = arith.subf %scan3A_91#7, %max3A_174 : vector<16xf32>
      %exp3A_182 = math.exp %sub3A_181 : vector<16xf32>
      %add3A_183 = arith.addf %exp3A_176, %exp3A_178 : vector<16xf32>
      %add3A_184 = arith.addf %add3A_183, %exp3A_180 : vector<16xf32>
      %add3A_185 = arith.addf %add3A_184, %exp3A_182 : vector<16xf32>
      %div3A_186 = arith.constant 1.000000e+00 : f32
      %div3A_187 = vector.broadcast %div3A_186 : f32 to vector<16xf32>
      %div3A_188 = arith.divf %div3A_187, %add3A_185 : vector<16xf32>
      %mul3A_189 = arith.mulf %exp3A_176, %div3A_188 : vector<16xf32>
      %mul3A_190 = arith.mulf %exp3A_178, %div3A_188 : vector<16xf32>
      %mul3A_191 = arith.mulf %exp3A_180, %div3A_188 : vector<16xf32>
      %mul3A_192 = arith.mulf %exp3A_182, %div3A_188 : vector<16xf32>
      %ge3A_193 = arith.cmpf oge, %scan3A_91#4, %scan3A_91#5 : vector<16xf32>
      %ge3A_194 = arith.cmpf oge, %scan3A_91#4, %scan3A_91#6 : vector<16xf32>
      %and3A_195 = arith.andi %ge3A_193, %ge3A_194 : vector<16xi1>
      %ge3A_196 = arith.cmpf oge, %scan3A_91#4, %scan3A_91#7 : vector<16xf32>
      %and3A_197 = arith.andi %and3A_195, %ge3A_196 : vector<16xi1>
      %ge3A_198 = arith.cmpf oge, %scan3A_91#5, %scan3A_91#6 : vector<16xf32>
      %ge3A_199 = arith.cmpf oge, %scan3A_91#5, %scan3A_91#7 : vector<16xf32>
      %and3A_200 = arith.andi %ge3A_198, %ge3A_199 : vector<16xi1>
      %ge3A_201 = arith.cmpf oge, %scan3A_91#6, %scan3A_91#7 : vector<16xf32>
      %broadcast_in_dim3A_202 = arith.constant 2 : i32
      %broadcast_in_dim3A_203 = vector.broadcast %broadcast_in_dim3A_202 : i32 to vector<16xi32>
      %broadcast_in_dim3A_204 = arith.constant 3 : i32
      %broadcast_in_dim3A_205 = vector.broadcast %broadcast_in_dim3A_204 : i32 to vector<16xi32>
      %broadcast_in_dim3A_206 = arith.constant 1 : i32
      %broadcast_in_dim3A_207 = vector.broadcast %broadcast_in_dim3A_206 : i32 to vector<16xi32>
      %broadcast_in_dim3A_208 = arith.constant 0 : i32
      %broadcast_in_dim3A_209 = vector.broadcast %broadcast_in_dim3A_208 : i32 to vector<16xi32>
      %select_n3A_210 = arith.select %ge3A_201, %broadcast_in_dim3A_203, %broadcast_in_dim3A_205 : vector<16xi1>, vector<16xi32>
      %select_n3A_211 = arith.select %and3A_200, %broadcast_in_dim3A_207, %select_n3A_210 : vector<16xi1>, vector<16xi32>
      %select_n3A_212 = arith.select %and3A_197, %broadcast_in_dim3A_209, %select_n3A_211 : vector<16xi1>, vector<16xi32>
      %mul3A_213 = arith.constant 4 : i32
      %mul3A_214 = vector.broadcast %mul3A_213 : i32 to vector<16xi32>
      %mul3A_215 = arith.muli %select_n3A_212, %mul3A_214 : vector<16xi32>
      %broadcast_in_dim3A_216 = arith.constant 0 : i32
      %broadcast_in_dim3A_217 = vector.broadcast %broadcast_in_dim3A_216 : i32 to vector<16xi32>
      %add3A_218 = arith.addi %mul3A_215, %broadcast_in_dim3A_217 : vector<16xi32>
      %gather3A_219 = tpu.vector_load_idx %arg10[%add3A_218] : memref<16xf32, #tpu.memory_space<vmem>>[vector<16xi32>], vector<16xf32>,
      %mul3A_220 = arith.mulf %gather3A_219, %mul3A_189 : vector<16xf32>
      %add3A_221 = arith.addf %broadcast_in_dim3A_9, %mul3A_220 : vector<16xf32>
      %broadcast_in_dim3A_222 = arith.constant 1 : i32
      %broadcast_in_dim3A_223 = vector.broadcast %broadcast_in_dim3A_222 : i32 to vector<16xi32>
      %add3A_224 = arith.addi %mul3A_215, %broadcast_in_dim3A_223 : vector<16xi32>
      %gather3A_225 = tpu.vector_load_idx %arg10[%add3A_224] : memref<16xf32, #tpu.memory_space<vmem>>[vector<16xi32>], vector<16xf32>,
      %mul3A_226 = arith.mulf %gather3A_225, %mul3A_190 : vector<16xf32>
      %add3A_227 = arith.addf %add3A_221, %mul3A_226 : vector<16xf32>
      %broadcast_in_dim3A_228 = arith.constant 2 : i32
      %broadcast_in_dim3A_229 = vector.broadcast %broadcast_in_dim3A_228 : i32 to vector<16xi32>
      %add3A_230 = arith.addi %mul3A_215, %broadcast_in_dim3A_229 : vector<16xi32>
      %gather3A_231 = tpu.vector_load_idx %arg10[%add3A_230] : memref<16xf32, #tpu.memory_space<vmem>>[vector<16xi32>], vector<16xf32>,
      %mul3A_232 = arith.mulf %gather3A_231, %mul3A_191 : vector<16xf32>
      %add3A_233 = arith.addf %add3A_227, %mul3A_232 : vector<16xf32>
      %broadcast_in_dim3A_234 = arith.constant 3 : i32
      %broadcast_in_dim3A_235 = vector.broadcast %broadcast_in_dim3A_234 : i32 to vector<16xi32>
      %add3A_236 = arith.addi %mul3A_215, %broadcast_in_dim3A_235 : vector<16xi32>
      %gather3A_237 = tpu.vector_load_idx %arg10[%add3A_236] : memref<16xf32, #tpu.memory_space<vmem>>[vector<16xi32>], vector<16xf32>,
      %mul3A_238 = arith.mulf %gather3A_237, %mul3A_192 : vector<16xf32>
      %add3A_239 = arith.addf %add3A_233, %mul3A_238 : vector<16xf32>
      %add3A_240 = arith.constant 16 : i32
      %add3A_241 = arith.addi %mul3A_54, %add3A_240 : i32
      %add3A_242 = arith.constant 0 : i32
      %add3A_243 = arith.addi %add3A_242, %add3A_241 : i32
      %swap3A_244 = arith.index_cast %add3A_243 : i32 to index
      %swap3A_245 = tpu.vector_load %arg11[%swap3A_244] {strides = array<i32>} : memref<2048xf32, #tpu.memory_space<vmem>>, vector<16xf32>,
      tpu.vector_store %arg11[%swap3A_244], %mul3A_189 {strides = array<i32>} : memref<2048xf32, #tpu.memory_space<vmem>>, vector<16xf32>,
      %add3A_246 = arith.constant 512 : i32
      %add3A_247 = arith.addi %add3A_246, %add3A_241 : i32
      %swap3A_248 = arith.index_cast %add3A_247 : i32 to index
      %swap3A_249 = tpu.vector_load %arg11[%swap3A_248] {strides = array<i32>} : memref<2048xf32, #tpu.memory_space<vmem>>, vector<16xf32>,
      tpu.vector_store %arg11[%swap3A_248], %mul3A_190 {strides = array<i32>} : memref<2048xf32, #tpu.memory_space<vmem>>, vector<16xf32>,
      %add3A_250 = arith.constant 1024 : i32
      %add3A_251 = arith.addi %add3A_250, %add3A_241 : i32
      %swap3A_252 = arith.index_cast %add3A_251 : i32 to index
      %swap3A_253 = tpu.vector_load %arg11[%swap3A_252] {strides = array<i32>} : memref<2048xf32, #tpu.memory_space<vmem>>, vector<16xf32>,
      tpu.vector_store %arg11[%swap3A_252], %mul3A_191 {strides = array<i32>} : memref<2048xf32, #tpu.memory_space<vmem>>, vector<16xf32>,
      %add3A_254 = arith.constant 1536 : i32
      %add3A_255 = arith.addi %add3A_254, %add3A_241 : i32
      %swap3A_256 = arith.index_cast %add3A_255 : i32 to index
      %swap3A_257 = tpu.vector_load %arg11[%swap3A_256] {strides = array<i32>} : memref<2048xf32, #tpu.memory_space<vmem>>, vector<16xf32>,
      tpu.vector_store %arg11[%swap3A_256], %mul3A_192 {strides = array<i32>} : memref<2048xf32, #tpu.memory_space<vmem>>, vector<16xf32>,
      %swap3A_258 = arith.index_cast %add3A_241 : i32 to index
      %swap3A_259 = tpu.vector_load %arg12[%swap3A_258] {strides = array<i32>} : memref<512xf32, #tpu.memory_space<vmem>>, vector<16xf32>,
      tpu.vector_store %arg12[%swap3A_258], %add3A_239 {strides = array<i32>} : memref<512xf32, #tpu.memory_space<vmem>>, vector<16xf32>,
      %max3A_260 = arith.maximumf %scan3A_91#8, %scan3A_91#9 : vector<16xf32>
      %max3A_261 = arith.maximumf %scan3A_91#10, %scan3A_91#11 : vector<16xf32>
      %max3A_262 = arith.maximumf %max3A_260, %max3A_261 : vector<16xf32>
      %sub3A_263 = arith.subf %scan3A_91#8, %max3A_262 : vector<16xf32>
      %exp3A_264 = math.exp %sub3A_263 : vector<16xf32>
      %sub3A_265 = arith.subf %scan3A_91#9, %max3A_262 : vector<16xf32>
      %exp3A_266 = math.exp %sub3A_265 : vector<16xf32>
      %sub3A_267 = arith.subf %scan3A_91#10, %max3A_262 : vector<16xf32>
      %exp3A_268 = math.exp %sub3A_267 : vector<16xf32>
      %sub3A_269 = arith.subf %scan3A_91#11, %max3A_262 : vector<16xf32>
      %exp3A_270 = math.exp %sub3A_269 : vector<16xf32>
      %add3A_271 = arith.addf %exp3A_264, %exp3A_266 : vector<16xf32>
      %add3A_272 = arith.addf %add3A_271, %exp3A_268 : vector<16xf32>
      %add3A_273 = arith.addf %add3A_272, %exp3A_270 : vector<16xf32>
      %div3A_274 = arith.constant 1.000000e+00 : f32
      %div3A_275 = vector.broadcast %div3A_274 : f32 to vector<16xf32>
      %div3A_276 = arith.divf %div3A_275, %add3A_273 : vector<16xf32>
      %mul3A_277 = arith.mulf %exp3A_264, %div3A_276 : vector<16xf32>
      %mul3A_278 = arith.mulf %exp3A_266, %div3A_276 : vector<16xf32>
      %mul3A_279 = arith.mulf %exp3A_268, %div3A_276 : vector<16xf32>
      %mul3A_280 = arith.mulf %exp3A_270, %div3A_276 : vector<16xf32>
      %ge3A_281 = arith.cmpf oge, %scan3A_91#8, %scan3A_91#9 : vector<16xf32>
      %ge3A_282 = arith.cmpf oge, %scan3A_91#8, %scan3A_91#10 : vector<16xf32>
      %and3A_283 = arith.andi %ge3A_281, %ge3A_282 : vector<16xi1>
      %ge3A_284 = arith.cmpf oge, %scan3A_91#8, %scan3A_91#11 : vector<16xf32>
      %and3A_285 = arith.andi %and3A_283, %ge3A_284 : vector<16xi1>
      %ge3A_286 = arith.cmpf oge, %scan3A_91#9, %scan3A_91#10 : vector<16xf32>
      %ge3A_287 = arith.cmpf oge, %scan3A_91#9, %scan3A_91#11 : vector<16xf32>
      %and3A_288 = arith.andi %ge3A_286, %ge3A_287 : vector<16xi1>
      %ge3A_289 = arith.cmpf oge, %scan3A_91#10, %scan3A_91#11 : vector<16xf32>
      %broadcast_in_dim3A_290 = arith.constant 2 : i32
      %broadcast_in_dim3A_291 = vector.broadcast %broadcast_in_dim3A_290 : i32 to vector<16xi32>
      %broadcast_in_dim3A_292 = arith.constant 3 : i32
      %broadcast_in_dim3A_293 = vector.broadcast %broadcast_in_dim3A_292 : i32 to vector<16xi32>
      %broadcast_in_dim3A_294 = arith.constant 1 : i32
      %broadcast_in_dim3A_295 = vector.broadcast %broadcast_in_dim3A_294 : i32 to vector<16xi32>
      %broadcast_in_dim3A_296 = arith.constant 0 : i32
      %broadcast_in_dim3A_297 = vector.broadcast %broadcast_in_dim3A_296 : i32 to vector<16xi32>
      %select_n3A_298 = arith.select %ge3A_289, %broadcast_in_dim3A_291, %broadcast_in_dim3A_293 : vector<16xi1>, vector<16xi32>
      %select_n3A_299 = arith.select %and3A_288, %broadcast_in_dim3A_295, %select_n3A_298 : vector<16xi1>, vector<16xi32>
      %select_n3A_300 = arith.select %and3A_285, %broadcast_in_dim3A_297, %select_n3A_299 : vector<16xi1>, vector<16xi32>
      %mul3A_301 = arith.constant 4 : i32
      %mul3A_302 = vector.broadcast %mul3A_301 : i32 to vector<16xi32>
      %mul3A_303 = arith.muli %select_n3A_300, %mul3A_302 : vector<16xi32>
      %broadcast_in_dim3A_304 = arith.constant 0 : i32
      %broadcast_in_dim3A_305 = vector.broadcast %broadcast_in_dim3A_304 : i32 to vector<16xi32>
      %add3A_306 = arith.addi %mul3A_303, %broadcast_in_dim3A_305 : vector<16xi32>
      %gather3A_307 = tpu.vector_load_idx %arg10[%add3A_306] : memref<16xf32, #tpu.memory_space<vmem>>[vector<16xi32>], vector<16xf32>,
      %mul3A_308 = arith.mulf %gather3A_307, %mul3A_277 : vector<16xf32>
      %add3A_309 = arith.addf %broadcast_in_dim3A_9, %mul3A_308 : vector<16xf32>
      %broadcast_in_dim3A_310 = arith.constant 1 : i32
      %broadcast_in_dim3A_311 = vector.broadcast %broadcast_in_dim3A_310 : i32 to vector<16xi32>
      %add3A_312 = arith.addi %mul3A_303, %broadcast_in_dim3A_311 : vector<16xi32>
      %gather3A_313 = tpu.vector_load_idx %arg10[%add3A_312] : memref<16xf32, #tpu.memory_space<vmem>>[vector<16xi32>], vector<16xf32>,
      %mul3A_314 = arith.mulf %gather3A_313, %mul3A_278 : vector<16xf32>
      %add3A_315 = arith.addf %add3A_309, %mul3A_314 : vector<16xf32>
      %broadcast_in_dim3A_316 = arith.constant 2 : i32
      %broadcast_in_dim3A_317 = vector.broadcast %broadcast_in_dim3A_316 : i32 to vector<16xi32>
      %add3A_318 = arith.addi %mul3A_303, %broadcast_in_dim3A_317 : vector<16xi32>
      %gather3A_319 = tpu.vector_load_idx %arg10[%add3A_318] : memref<16xf32, #tpu.memory_space<vmem>>[vector<16xi32>], vector<16xf32>,
      %mul3A_320 = arith.mulf %gather3A_319, %mul3A_279 : vector<16xf32>
      %add3A_321 = arith.addf %add3A_315, %mul3A_320 : vector<16xf32>
      %broadcast_in_dim3A_322 = arith.constant 3 : i32
      %broadcast_in_dim3A_323 = vector.broadcast %broadcast_in_dim3A_322 : i32 to vector<16xi32>
      %add3A_324 = arith.addi %mul3A_303, %broadcast_in_dim3A_323 : vector<16xi32>
      %gather3A_325 = tpu.vector_load_idx %arg10[%add3A_324] : memref<16xf32, #tpu.memory_space<vmem>>[vector<16xi32>], vector<16xf32>,
      %mul3A_326 = arith.mulf %gather3A_325, %mul3A_280 : vector<16xf32>
      %add3A_327 = arith.addf %add3A_321, %mul3A_326 : vector<16xf32>
      %add3A_328 = arith.constant 32 : i32
      %add3A_329 = arith.addi %mul3A_54, %add3A_328 : i32
      %add3A_330 = arith.constant 0 : i32
      %add3A_331 = arith.addi %add3A_330, %add3A_329 : i32
      %swap3A_332 = arith.index_cast %add3A_331 : i32 to index
      %swap3A_333 = tpu.vector_load %arg11[%swap3A_332] {strides = array<i32>} : memref<2048xf32, #tpu.memory_space<vmem>>, vector<16xf32>,
      tpu.vector_store %arg11[%swap3A_332], %mul3A_277 {strides = array<i32>} : memref<2048xf32, #tpu.memory_space<vmem>>, vector<16xf32>,
      %add3A_334 = arith.constant 512 : i32
      %add3A_335 = arith.addi %add3A_334, %add3A_329 : i32
      %swap3A_336 = arith.index_cast %add3A_335 : i32 to index
      %swap3A_337 = tpu.vector_load %arg11[%swap3A_336] {strides = array<i32>} : memref<2048xf32, #tpu.memory_space<vmem>>, vector<16xf32>,
      tpu.vector_store %arg11[%swap3A_336], %mul3A_278 {strides = array<i32>} : memref<2048xf32, #tpu.memory_space<vmem>>, vector<16xf32>,
      %add3A_338 = arith.constant 1024 : i32
      %add3A_339 = arith.addi %add3A_338, %add3A_329 : i32
      %swap3A_340 = arith.index_cast %add3A_339 : i32 to index
      %swap3A_341 = tpu.vector_load %arg11[%swap3A_340] {strides = array<i32>} : memref<2048xf32, #tpu.memory_space<vmem>>, vector<16xf32>,
      tpu.vector_store %arg11[%swap3A_340], %mul3A_279 {strides = array<i32>} : memref<2048xf32, #tpu.memory_space<vmem>>, vector<16xf32>,
      %add3A_342 = arith.constant 1536 : i32
      %add3A_343 = arith.addi %add3A_342, %add3A_329 : i32
      %swap3A_344 = arith.index_cast %add3A_343 : i32 to index
      %swap3A_345 = tpu.vector_load %arg11[%swap3A_344] {strides = array<i32>} : memref<2048xf32, #tpu.memory_space<vmem>>, vector<16xf32>,
      tpu.vector_store %arg11[%swap3A_344], %mul3A_280 {strides = array<i32>} : memref<2048xf32, #tpu.memory_space<vmem>>, vector<16xf32>,
      %swap3A_346 = arith.index_cast %add3A_329 : i32 to index
      %swap3A_347 = tpu.vector_load %arg12[%swap3A_346] {strides = array<i32>} : memref<512xf32, #tpu.memory_space<vmem>>, vector<16xf32>,
      tpu.vector_store %arg12[%swap3A_346], %add3A_327 {strides = array<i32>} : memref<512xf32, #tpu.memory_space<vmem>>, vector<16xf32>,
      %max3A_348 = arith.maximumf %scan3A_91#12, %scan3A_91#13 : vector<16xf32>
      %max3A_349 = arith.maximumf %scan3A_91#14, %scan3A_91#15 : vector<16xf32>
      %max3A_350 = arith.maximumf %max3A_348, %max3A_349 : vector<16xf32>
      %sub3A_351 = arith.subf %scan3A_91#12, %max3A_350 : vector<16xf32>
      %exp3A_352 = math.exp %sub3A_351 : vector<16xf32>
      %sub3A_353 = arith.subf %scan3A_91#13, %max3A_350 : vector<16xf32>
      %exp3A_354 = math.exp %sub3A_353 : vector<16xf32>
      %sub3A_355 = arith.subf %scan3A_91#14, %max3A_350 : vector<16xf32>
      %exp3A_356 = math.exp %sub3A_355 : vector<16xf32>
      %sub3A_357 = arith.subf %scan3A_91#15, %max3A_350 : vector<16xf32>
      %exp3A_358 = math.exp %sub3A_357 : vector<16xf32>
      %add3A_359 = arith.addf %exp3A_352, %exp3A_354 : vector<16xf32>
      %add3A_360 = arith.addf %add3A_359, %exp3A_356 : vector<16xf32>
      %add3A_361 = arith.addf %add3A_360, %exp3A_358 : vector<16xf32>
      %div3A_362 = arith.constant 1.000000e+00 : f32
      %div3A_363 = vector.broadcast %div3A_362 : f32 to vector<16xf32>
      %div3A_364 = arith.divf %div3A_363, %add3A_361 : vector<16xf32>
      %mul3A_365 = arith.mulf %exp3A_352, %div3A_364 : vector<16xf32>
      %mul3A_366 = arith.mulf %exp3A_354, %div3A_364 : vector<16xf32>
      %mul3A_367 = arith.mulf %exp3A_356, %div3A_364 : vector<16xf32>
      %mul3A_368 = arith.mulf %exp3A_358, %div3A_364 : vector<16xf32>
      %ge3A_369 = arith.cmpf oge, %scan3A_91#12, %scan3A_91#13 : vector<16xf32>
      %ge3A_370 = arith.cmpf oge, %scan3A_91#12, %scan3A_91#14 : vector<16xf32>
      %and3A_371 = arith.andi %ge3A_369, %ge3A_370 : vector<16xi1>
      %ge3A_372 = arith.cmpf oge, %scan3A_91#12, %scan3A_91#15 : vector<16xf32>
      %and3A_373 = arith.andi %and3A_371, %ge3A_372 : vector<16xi1>
      %ge3A_374 = arith.cmpf oge, %scan3A_91#13, %scan3A_91#14 : vector<16xf32>
      %ge3A_375 = arith.cmpf oge, %scan3A_91#13, %scan3A_91#15 : vector<16xf32>
      %and3A_376 = arith.andi %ge3A_374, %ge3A_375 : vector<16xi1>
      %ge3A_377 = arith.cmpf oge, %scan3A_91#14, %scan3A_91#15 : vector<16xf32>
      %broadcast_in_dim3A_378 = arith.constant 2 : i32
      %broadcast_in_dim3A_379 = vector.broadcast %broadcast_in_dim3A_378 : i32 to vector<16xi32>
      %broadcast_in_dim3A_380 = arith.constant 3 : i32
      %broadcast_in_dim3A_381 = vector.broadcast %broadcast_in_dim3A_380 : i32 to vector<16xi32>
      %broadcast_in_dim3A_382 = arith.constant 1 : i32
      %broadcast_in_dim3A_383 = vector.broadcast %broadcast_in_dim3A_382 : i32 to vector<16xi32>
      %broadcast_in_dim3A_384 = arith.constant 0 : i32
      %broadcast_in_dim3A_385 = vector.broadcast %broadcast_in_dim3A_384 : i32 to vector<16xi32>
      %select_n3A_386 = arith.select %ge3A_377, %broadcast_in_dim3A_379, %broadcast_in_dim3A_381 : vector<16xi1>, vector<16xi32>
      %select_n3A_387 = arith.select %and3A_376, %broadcast_in_dim3A_383, %select_n3A_386 : vector<16xi1>, vector<16xi32>
      %select_n3A_388 = arith.select %and3A_373, %broadcast_in_dim3A_385, %select_n3A_387 : vector<16xi1>, vector<16xi32>
      %mul3A_389 = arith.constant 4 : i32
      %mul3A_390 = vector.broadcast %mul3A_389 : i32 to vector<16xi32>
      %mul3A_391 = arith.muli %select_n3A_388, %mul3A_390 : vector<16xi32>
      %broadcast_in_dim3A_392 = arith.constant 0 : i32
      %broadcast_in_dim3A_393 = vector.broadcast %broadcast_in_dim3A_392 : i32 to vector<16xi32>
      %add3A_394 = arith.addi %mul3A_391, %broadcast_in_dim3A_393 : vector<16xi32>
      %gather3A_395 = tpu.vector_load_idx %arg10[%add3A_394] : memref<16xf32, #tpu.memory_space<vmem>>[vector<16xi32>], vector<16xf32>,
      %mul3A_396 = arith.mulf %gather3A_395, %mul3A_365 : vector<16xf32>
      %add3A_397 = arith.addf %broadcast_in_dim3A_9, %mul3A_396 : vector<16xf32>
      %broadcast_in_dim3A_398 = arith.constant 1 : i32
      %broadcast_in_dim3A_399 = vector.broadcast %broadcast_in_dim3A_398 : i32 to vector<16xi32>
      %add3A_400 = arith.addi %mul3A_391, %broadcast_in_dim3A_399 : vector<16xi32>
      %gather3A_401 = tpu.vector_load_idx %arg10[%add3A_400] : memref<16xf32, #tpu.memory_space<vmem>>[vector<16xi32>], vector<16xf32>,
      %mul3A_402 = arith.mulf %gather3A_401, %mul3A_366 : vector<16xf32>
      %add3A_403 = arith.addf %add3A_397, %mul3A_402 : vector<16xf32>
      %broadcast_in_dim3A_404 = arith.constant 2 : i32
      %broadcast_in_dim3A_405 = vector.broadcast %broadcast_in_dim3A_404 : i32 to vector<16xi32>
      %add3A_406 = arith.addi %mul3A_391, %broadcast_in_dim3A_405 : vector<16xi32>
      %gather3A_407 = tpu.vector_load_idx %arg10[%add3A_406] : memref<16xf32, #tpu.memory_space<vmem>>[vector<16xi32>], vector<16xf32>,
      %mul3A_408 = arith.mulf %gather3A_407, %mul3A_367 : vector<16xf32>
      %add3A_409 = arith.addf %add3A_403, %mul3A_408 : vector<16xf32>
      %broadcast_in_dim3A_410 = arith.constant 3 : i32
      %broadcast_in_dim3A_411 = vector.broadcast %broadcast_in_dim3A_410 : i32 to vector<16xi32>
      %add3A_412 = arith.addi %mul3A_391, %broadcast_in_dim3A_411 : vector<16xi32>
      %gather3A_413 = tpu.vector_load_idx %arg10[%add3A_412] : memref<16xf32, #tpu.memory_space<vmem>>[vector<16xi32>], vector<16xf32>,
      %mul3A_414 = arith.mulf %gather3A_413, %mul3A_368 : vector<16xf32>
      %add3A_415 = arith.addf %add3A_409, %mul3A_414 : vector<16xf32>
      %add3A_416 = arith.constant 48 : i32
      %add3A_417 = arith.addi %mul3A_54, %add3A_416 : i32
      %add3A_418 = arith.constant 0 : i32
      %add3A_419 = arith.addi %add3A_418, %add3A_417 : i32
      %swap3A_420 = arith.index_cast %add3A_419 : i32 to index
      %swap3A_421 = tpu.vector_load %arg11[%swap3A_420] {strides = array<i32>} : memref<2048xf32, #tpu.memory_space<vmem>>, vector<16xf32>,
      tpu.vector_store %arg11[%swap3A_420], %mul3A_365 {strides = array<i32>} : memref<2048xf32, #tpu.memory_space<vmem>>, vector<16xf32>,
      %add3A_422 = arith.constant 512 : i32
      %add3A_423 = arith.addi %add3A_422, %add3A_417 : i32
      %swap3A_424 = arith.index_cast %add3A_423 : i32 to index
      %swap3A_425 = tpu.vector_load %arg11[%swap3A_424] {strides = array<i32>} : memref<2048xf32, #tpu.memory_space<vmem>>, vector<16xf32>,
      tpu.vector_store %arg11[%swap3A_424], %mul3A_366 {strides = array<i32>} : memref<2048xf32, #tpu.memory_space<vmem>>, vector<16xf32>,
      %add3A_426 = arith.constant 1024 : i32
      %add3A_427 = arith.addi %add3A_426, %add3A_417 : i32
      %swap3A_428 = arith.index_cast %add3A_427 : i32 to index
      %swap3A_429 = tpu.vector_load %arg11[%swap3A_428] {strides = array<i32>} : memref<2048xf32, #tpu.memory_space<vmem>>, vector<16xf32>,
      tpu.vector_store %arg11[%swap3A_428], %mul3A_367 {strides = array<i32>} : memref<2048xf32, #tpu.memory_space<vmem>>, vector<16xf32>,
      %add3A_430 = arith.constant 1536 : i32
      %add3A_431 = arith.addi %add3A_430, %add3A_417 : i32
      %swap3A_432 = arith.index_cast %add3A_431 : i32 to index
      %swap3A_433 = tpu.vector_load %arg11[%swap3A_432] {strides = array<i32>} : memref<2048xf32, #tpu.memory_space<vmem>>, vector<16xf32>,
      tpu.vector_store %arg11[%swap3A_432], %mul3A_368 {strides = array<i32>} : memref<2048xf32, #tpu.memory_space<vmem>>, vector<16xf32>,
      %swap3A_434 = arith.index_cast %add3A_417 : i32 to index
      %swap3A_435 = tpu.vector_load %arg12[%swap3A_434] {strides = array<i32>} : memref<512xf32, #tpu.memory_space<vmem>>, vector<16xf32>,
      tpu.vector_store %arg12[%swap3A_434], %add3A_415 {strides = array<i32>} : memref<512xf32, #tpu.memory_space<vmem>>, vector<16xf32>,
      %max3A_436 = arith.maximumf %scan3A_91#16, %scan3A_91#17 : vector<16xf32>
      %max3A_437 = arith.maximumf %scan3A_91#18, %scan3A_91#19 : vector<16xf32>
      %max3A_438 = arith.maximumf %max3A_436, %max3A_437 : vector<16xf32>
      %sub3A_439 = arith.subf %scan3A_91#16, %max3A_438 : vector<16xf32>
      %exp3A_440 = math.exp %sub3A_439 : vector<16xf32>
      %sub3A_441 = arith.subf %scan3A_91#17, %max3A_438 : vector<16xf32>
      %exp3A_442 = math.exp %sub3A_441 : vector<16xf32>
      %sub3A_443 = arith.subf %scan3A_91#18, %max3A_438 : vector<16xf32>
      %exp3A_444 = math.exp %sub3A_443 : vector<16xf32>
      %sub3A_445 = arith.subf %scan3A_91#19, %max3A_438 : vector<16xf32>
      %exp3A_446 = math.exp %sub3A_445 : vector<16xf32>
      %add3A_447 = arith.addf %exp3A_440, %exp3A_442 : vector<16xf32>
      %add3A_448 = arith.addf %add3A_447, %exp3A_444 : vector<16xf32>
      %add3A_449 = arith.addf %add3A_448, %exp3A_446 : vector<16xf32>
      %div3A_450 = arith.constant 1.000000e+00 : f32
      %div3A_451 = vector.broadcast %div3A_450 : f32 to vector<16xf32>
      %div3A_452 = arith.divf %div3A_451, %add3A_449 : vector<16xf32>
      %mul3A_453 = arith.mulf %exp3A_440, %div3A_452 : vector<16xf32>
      %mul3A_454 = arith.mulf %exp3A_442, %div3A_452 : vector<16xf32>
      %mul3A_455 = arith.mulf %exp3A_444, %div3A_452 : vector<16xf32>
      %mul3A_456 = arith.mulf %exp3A_446, %div3A_452 : vector<16xf32>
      %ge3A_457 = arith.cmpf oge, %scan3A_91#16, %scan3A_91#17 : vector<16xf32>
      %ge3A_458 = arith.cmpf oge, %scan3A_91#16, %scan3A_91#18 : vector<16xf32>
      %and3A_459 = arith.andi %ge3A_457, %ge3A_458 : vector<16xi1>
      %ge3A_460 = arith.cmpf oge, %scan3A_91#16, %scan3A_91#19 : vector<16xf32>
      %and3A_461 = arith.andi %and3A_459, %ge3A_460 : vector<16xi1>
      %ge3A_462 = arith.cmpf oge, %scan3A_91#17, %scan3A_91#18 : vector<16xf32>
      %ge3A_463 = arith.cmpf oge, %scan3A_91#17, %scan3A_91#19 : vector<16xf32>
      %and3A_464 = arith.andi %ge3A_462, %ge3A_463 : vector<16xi1>
      %ge3A_465 = arith.cmpf oge, %scan3A_91#18, %scan3A_91#19 : vector<16xf32>
      %broadcast_in_dim3A_466 = arith.constant 2 : i32
      %broadcast_in_dim3A_467 = vector.broadcast %broadcast_in_dim3A_466 : i32 to vector<16xi32>
      %broadcast_in_dim3A_468 = arith.constant 3 : i32
      %broadcast_in_dim3A_469 = vector.broadcast %broadcast_in_dim3A_468 : i32 to vector<16xi32>
      %broadcast_in_dim3A_470 = arith.constant 1 : i32
      %broadcast_in_dim3A_471 = vector.broadcast %broadcast_in_dim3A_470 : i32 to vector<16xi32>
      %broadcast_in_dim3A_472 = arith.constant 0 : i32
      %broadcast_in_dim3A_473 = vector.broadcast %broadcast_in_dim3A_472 : i32 to vector<16xi32>
      %select_n3A_474 = arith.select %ge3A_465, %broadcast_in_dim3A_467, %broadcast_in_dim3A_469 : vector<16xi1>, vector<16xi32>
      %select_n3A_475 = arith.select %and3A_464, %broadcast_in_dim3A_471, %select_n3A_474 : vector<16xi1>, vector<16xi32>
      %select_n3A_476 = arith.select %and3A_461, %broadcast_in_dim3A_473, %select_n3A_475 : vector<16xi1>, vector<16xi32>
      %mul3A_477 = arith.constant 4 : i32
      %mul3A_478 = vector.broadcast %mul3A_477 : i32 to vector<16xi32>
      %mul3A_479 = arith.muli %select_n3A_476, %mul3A_478 : vector<16xi32>
      %broadcast_in_dim3A_480 = arith.constant 0 : i32
      %broadcast_in_dim3A_481 = vector.broadcast %broadcast_in_dim3A_480 : i32 to vector<16xi32>
      %add3A_482 = arith.addi %mul3A_479, %broadcast_in_dim3A_481 : vector<16xi32>
      %gather3A_483 = tpu.vector_load_idx %arg10[%add3A_482] : memref<16xf32, #tpu.memory_space<vmem>>[vector<16xi32>], vector<16xf32>,
      %mul3A_484 = arith.mulf %gather3A_483, %mul3A_453 : vector<16xf32>
      %add3A_485 = arith.addf %broadcast_in_dim3A_9, %mul3A_484 : vector<16xf32>
      %broadcast_in_dim3A_486 = arith.constant 1 : i32
      %broadcast_in_dim3A_487 = vector.broadcast %broadcast_in_dim3A_486 : i32 to vector<16xi32>
      %add3A_488 = arith.addi %mul3A_479, %broadcast_in_dim3A_487 : vector<16xi32>
      %gather3A_489 = tpu.vector_load_idx %arg10[%add3A_488] : memref<16xf32, #tpu.memory_space<vmem>>[vector<16xi32>], vector<16xf32>,
      %mul3A_490 = arith.mulf %gather3A_489, %mul3A_454 : vector<16xf32>
      %add3A_491 = arith.addf %add3A_485, %mul3A_490 : vector<16xf32>
      %broadcast_in_dim3A_492 = arith.constant 2 : i32
      %broadcast_in_dim3A_493 = vector.broadcast %broadcast_in_dim3A_492 : i32 to vector<16xi32>
      %add3A_494 = arith.addi %mul3A_479, %broadcast_in_dim3A_493 : vector<16xi32>
      %gather3A_495 = tpu.vector_load_idx %arg10[%add3A_494] : memref<16xf32, #tpu.memory_space<vmem>>[vector<16xi32>], vector<16xf32>,
      %mul3A_496 = arith.mulf %gather3A_495, %mul3A_455 : vector<16xf32>
      %add3A_497 = arith.addf %add3A_491, %mul3A_496 : vector<16xf32>
      %broadcast_in_dim3A_498 = arith.constant 3 : i32
      %broadcast_in_dim3A_499 = vector.broadcast %broadcast_in_dim3A_498 : i32 to vector<16xi32>
      %add3A_500 = arith.addi %mul3A_479, %broadcast_in_dim3A_499 : vector<16xi32>
      %gather3A_501 = tpu.vector_load_idx %arg10[%add3A_500] : memref<16xf32, #tpu.memory_space<vmem>>[vector<16xi32>], vector<16xf32>,
      %mul3A_502 = arith.mulf %gather3A_501, %mul3A_456 : vector<16xf32>
      %add3A_503 = arith.addf %add3A_497, %mul3A_502 : vector<16xf32>
      %add3A_504 = arith.constant 64 : i32
      %add3A_505 = arith.addi %mul3A_54, %add3A_504 : i32
      %add3A_506 = arith.constant 0 : i32
      %add3A_507 = arith.addi %add3A_506, %add3A_505 : i32
      %swap3A_508 = arith.index_cast %add3A_507 : i32 to index
      %swap3A_509 = tpu.vector_load %arg11[%swap3A_508] {strides = array<i32>} : memref<2048xf32, #tpu.memory_space<vmem>>, vector<16xf32>,
      tpu.vector_store %arg11[%swap3A_508], %mul3A_453 {strides = array<i32>} : memref<2048xf32, #tpu.memory_space<vmem>>, vector<16xf32>,
      %add3A_510 = arith.constant 512 : i32
      %add3A_511 = arith.addi %add3A_510, %add3A_505 : i32
      %swap3A_512 = arith.index_cast %add3A_511 : i32 to index
      %swap3A_513 = tpu.vector_load %arg11[%swap3A_512] {strides = array<i32>} : memref<2048xf32, #tpu.memory_space<vmem>>, vector<16xf32>,
      tpu.vector_store %arg11[%swap3A_512], %mul3A_454 {strides = array<i32>} : memref<2048xf32, #tpu.memory_space<vmem>>, vector<16xf32>,
      %add3A_514 = arith.constant 1024 : i32
      %add3A_515 = arith.addi %add3A_514, %add3A_505 : i32
      %swap3A_516 = arith.index_cast %add3A_515 : i32 to index
      %swap3A_517 = tpu.vector_load %arg11[%swap3A_516] {strides = array<i32>} : memref<2048xf32, #tpu.memory_space<vmem>>, vector<16xf32>,
      tpu.vector_store %arg11[%swap3A_516], %mul3A_455 {strides = array<i32>} : memref<2048xf32, #tpu.memory_space<vmem>>, vector<16xf32>,
      %add3A_518 = arith.constant 1536 : i32
      %add3A_519 = arith.addi %add3A_518, %add3A_505 : i32
      %swap3A_520 = arith.index_cast %add3A_519 : i32 to index
      %swap3A_521 = tpu.vector_load %arg11[%swap3A_520] {strides = array<i32>} : memref<2048xf32, #tpu.memory_space<vmem>>, vector<16xf32>,
      tpu.vector_store %arg11[%swap3A_520], %mul3A_456 {strides = array<i32>} : memref<2048xf32, #tpu.memory_space<vmem>>, vector<16xf32>,
      %swap3A_522 = arith.index_cast %add3A_505 : i32 to index
      %swap3A_523 = tpu.vector_load %arg12[%swap3A_522] {strides = array<i32>} : memref<512xf32, #tpu.memory_space<vmem>>, vector<16xf32>,
      tpu.vector_store %arg12[%swap3A_522], %add3A_503 {strides = array<i32>} : memref<512xf32, #tpu.memory_space<vmem>>, vector<16xf32>,
      %max3A_524 = arith.maximumf %scan3A_91#20, %scan3A_91#21 : vector<16xf32>
      %max3A_525 = arith.maximumf %scan3A_91#22, %scan3A_91#23 : vector<16xf32>
      %max3A_526 = arith.maximumf %max3A_524, %max3A_525 : vector<16xf32>
      %sub3A_527 = arith.subf %scan3A_91#20, %max3A_526 : vector<16xf32>
      %exp3A_528 = math.exp %sub3A_527 : vector<16xf32>
      %sub3A_529 = arith.subf %scan3A_91#21, %max3A_526 : vector<16xf32>
      %exp3A_530 = math.exp %sub3A_529 : vector<16xf32>
      %sub3A_531 = arith.subf %scan3A_91#22, %max3A_526 : vector<16xf32>
      %exp3A_532 = math.exp %sub3A_531 : vector<16xf32>
      %sub3A_533 = arith.subf %scan3A_91#23, %max3A_526 : vector<16xf32>
      %exp3A_534 = math.exp %sub3A_533 : vector<16xf32>
      %add3A_535 = arith.addf %exp3A_528, %exp3A_530 : vector<16xf32>
      %add3A_536 = arith.addf %add3A_535, %exp3A_532 : vector<16xf32>
      %add3A_537 = arith.addf %add3A_536, %exp3A_534 : vector<16xf32>
      %div3A_538 = arith.constant 1.000000e+00 : f32
      %div3A_539 = vector.broadcast %div3A_538 : f32 to vector<16xf32>
      %div3A_540 = arith.divf %div3A_539, %add3A_537 : vector<16xf32>
      %mul3A_541 = arith.mulf %exp3A_528, %div3A_540 : vector<16xf32>
      %mul3A_542 = arith.mulf %exp3A_530, %div3A_540 : vector<16xf32>
      %mul3A_543 = arith.mulf %exp3A_532, %div3A_540 : vector<16xf32>
      %mul3A_544 = arith.mulf %exp3A_534, %div3A_540 : vector<16xf32>
      %ge3A_545 = arith.cmpf oge, %scan3A_91#20, %scan3A_91#21 : vector<16xf32>
      %ge3A_546 = arith.cmpf oge, %scan3A_91#20, %scan3A_91#22 : vector<16xf32>
      %and3A_547 = arith.andi %ge3A_545, %ge3A_546 : vector<16xi1>
      %ge3A_548 = arith.cmpf oge, %scan3A_91#20, %scan3A_91#23 : vector<16xf32>
      %and3A_549 = arith.andi %and3A_547, %ge3A_548 : vector<16xi1>
      %ge3A_550 = arith.cmpf oge, %scan3A_91#21, %scan3A_91#22 : vector<16xf32>
      %ge3A_551 = arith.cmpf oge, %scan3A_91#21, %scan3A_91#23 : vector<16xf32>
      %and3A_552 = arith.andi %ge3A_550, %ge3A_551 : vector<16xi1>
      %ge3A_553 = arith.cmpf oge, %scan3A_91#22, %scan3A_91#23 : vector<16xf32>
      %broadcast_in_dim3A_554 = arith.constant 2 : i32
      %broadcast_in_dim3A_555 = vector.broadcast %broadcast_in_dim3A_554 : i32 to vector<16xi32>
      %broadcast_in_dim3A_556 = arith.constant 3 : i32
      %broadcast_in_dim3A_557 = vector.broadcast %broadcast_in_dim3A_556 : i32 to vector<16xi32>
      %broadcast_in_dim3A_558 = arith.constant 1 : i32
      %broadcast_in_dim3A_559 = vector.broadcast %broadcast_in_dim3A_558 : i32 to vector<16xi32>
      %broadcast_in_dim3A_560 = arith.constant 0 : i32
      %broadcast_in_dim3A_561 = vector.broadcast %broadcast_in_dim3A_560 : i32 to vector<16xi32>
      %select_n3A_562 = arith.select %ge3A_553, %broadcast_in_dim3A_555, %broadcast_in_dim3A_557 : vector<16xi1>, vector<16xi32>
      %select_n3A_563 = arith.select %and3A_552, %broadcast_in_dim3A_559, %select_n3A_562 : vector<16xi1>, vector<16xi32>
      %select_n3A_564 = arith.select %and3A_549, %broadcast_in_dim3A_561, %select_n3A_563 : vector<16xi1>, vector<16xi32>
      %mul3A_565 = arith.constant 4 : i32
      %mul3A_566 = vector.broadcast %mul3A_565 : i32 to vector<16xi32>
      %mul3A_567 = arith.muli %select_n3A_564, %mul3A_566 : vector<16xi32>
      %broadcast_in_dim3A_568 = arith.constant 0 : i32
      %broadcast_in_dim3A_569 = vector.broadcast %broadcast_in_dim3A_568 : i32 to vector<16xi32>
      %add3A_570 = arith.addi %mul3A_567, %broadcast_in_dim3A_569 : vector<16xi32>
      %gather3A_571 = tpu.vector_load_idx %arg10[%add3A_570] : memref<16xf32, #tpu.memory_space<vmem>>[vector<16xi32>], vector<16xf32>,
      %mul3A_572 = arith.mulf %gather3A_571, %mul3A_541 : vector<16xf32>
      %add3A_573 = arith.addf %broadcast_in_dim3A_9, %mul3A_572 : vector<16xf32>
      %broadcast_in_dim3A_574 = arith.constant 1 : i32
      %broadcast_in_dim3A_575 = vector.broadcast %broadcast_in_dim3A_574 : i32 to vector<16xi32>
      %add3A_576 = arith.addi %mul3A_567, %broadcast_in_dim3A_575 : vector<16xi32>
      %gather3A_577 = tpu.vector_load_idx %arg10[%add3A_576] : memref<16xf32, #tpu.memory_space<vmem>>[vector<16xi32>], vector<16xf32>,
      %mul3A_578 = arith.mulf %gather3A_577, %mul3A_542 : vector<16xf32>
      %add3A_579 = arith.addf %add3A_573, %mul3A_578 : vector<16xf32>
      %broadcast_in_dim3A_580 = arith.constant 2 : i32
      %broadcast_in_dim3A_581 = vector.broadcast %broadcast_in_dim3A_580 : i32 to vector<16xi32>
      %add3A_582 = arith.addi %mul3A_567, %broadcast_in_dim3A_581 : vector<16xi32>
      %gather3A_583 = tpu.vector_load_idx %arg10[%add3A_582] : memref<16xf32, #tpu.memory_space<vmem>>[vector<16xi32>], vector<16xf32>,
      %mul3A_584 = arith.mulf %gather3A_583, %mul3A_543 : vector<16xf32>
      %add3A_585 = arith.addf %add3A_579, %mul3A_584 : vector<16xf32>
      %broadcast_in_dim3A_586 = arith.constant 3 : i32
      %broadcast_in_dim3A_587 = vector.broadcast %broadcast_in_dim3A_586 : i32 to vector<16xi32>
      %add3A_588 = arith.addi %mul3A_567, %broadcast_in_dim3A_587 : vector<16xi32>
      %gather3A_589 = tpu.vector_load_idx %arg10[%add3A_588] : memref<16xf32, #tpu.memory_space<vmem>>[vector<16xi32>], vector<16xf32>,
      %mul3A_590 = arith.mulf %gather3A_589, %mul3A_544 : vector<16xf32>
      %add3A_591 = arith.addf %add3A_585, %mul3A_590 : vector<16xf32>
      %add3A_592 = arith.constant 80 : i32
      %add3A_593 = arith.addi %mul3A_54, %add3A_592 : i32
      %add3A_594 = arith.constant 0 : i32
      %add3A_595 = arith.addi %add3A_594, %add3A_593 : i32
      %swap3A_596 = arith.index_cast %add3A_595 : i32 to index
      %swap3A_597 = tpu.vector_load %arg11[%swap3A_596] {strides = array<i32>} : memref<2048xf32, #tpu.memory_space<vmem>>, vector<16xf32>,
      tpu.vector_store %arg11[%swap3A_596], %mul3A_541 {strides = array<i32>} : memref<2048xf32, #tpu.memory_space<vmem>>, vector<16xf32>,
      %add3A_598 = arith.constant 512 : i32
      %add3A_599 = arith.addi %add3A_598, %add3A_593 : i32
      %swap3A_600 = arith.index_cast %add3A_599 : i32 to index
      %swap3A_601 = tpu.vector_load %arg11[%swap3A_600] {strides = array<i32>} : memref<2048xf32, #tpu.memory_space<vmem>>, vector<16xf32>,
      tpu.vector_store %arg11[%swap3A_600], %mul3A_542 {strides = array<i32>} : memref<2048xf32, #tpu.memory_space<vmem>>, vector<16xf32>,
      %add3A_602 = arith.constant 1024 : i32
      %add3A_603 = arith.addi %add3A_602, %add3A_593 : i32
      %swap3A_604 = arith.index_cast %add3A_603 : i32 to index
      %swap3A_605 = tpu.vector_load %arg11[%swap3A_604] {strides = array<i32>} : memref<2048xf32, #tpu.memory_space<vmem>>, vector<16xf32>,
      tpu.vector_store %arg11[%swap3A_604], %mul3A_543 {strides = array<i32>} : memref<2048xf32, #tpu.memory_space<vmem>>, vector<16xf32>,
      %add3A_606 = arith.constant 1536 : i32
      %add3A_607 = arith.addi %add3A_606, %add3A_593 : i32
      %swap3A_608 = arith.index_cast %add3A_607 : i32 to index
      %swap3A_609 = tpu.vector_load %arg11[%swap3A_608] {strides = array<i32>} : memref<2048xf32, #tpu.memory_space<vmem>>, vector<16xf32>,
      tpu.vector_store %arg11[%swap3A_608], %mul3A_544 {strides = array<i32>} : memref<2048xf32, #tpu.memory_space<vmem>>, vector<16xf32>,
      %swap3A_610 = arith.index_cast %add3A_593 : i32 to index
      %swap3A_611 = tpu.vector_load %arg12[%swap3A_610] {strides = array<i32>} : memref<512xf32, #tpu.memory_space<vmem>>, vector<16xf32>,
      tpu.vector_store %arg12[%swap3A_610], %add3A_591 {strides = array<i32>} : memref<512xf32, #tpu.memory_space<vmem>>, vector<16xf32>,
      %max3A_612 = arith.maximumf %scan3A_91#24, %scan3A_91#25 : vector<16xf32>
      %max3A_613 = arith.maximumf %scan3A_91#26, %scan3A_91#27 : vector<16xf32>
      %max3A_614 = arith.maximumf %max3A_612, %max3A_613 : vector<16xf32>
      %sub3A_615 = arith.subf %scan3A_91#24, %max3A_614 : vector<16xf32>
      %exp3A_616 = math.exp %sub3A_615 : vector<16xf32>
      %sub3A_617 = arith.subf %scan3A_91#25, %max3A_614 : vector<16xf32>
      %exp3A_618 = math.exp %sub3A_617 : vector<16xf32>
      %sub3A_619 = arith.subf %scan3A_91#26, %max3A_614 : vector<16xf32>
      %exp3A_620 = math.exp %sub3A_619 : vector<16xf32>
      %sub3A_621 = arith.subf %scan3A_91#27, %max3A_614 : vector<16xf32>
      %exp3A_622 = math.exp %sub3A_621 : vector<16xf32>
      %add3A_623 = arith.addf %exp3A_616, %exp3A_618 : vector<16xf32>
      %add3A_624 = arith.addf %add3A_623, %exp3A_620 : vector<16xf32>
      %add3A_625 = arith.addf %add3A_624, %exp3A_622 : vector<16xf32>
      %div3A_626 = arith.constant 1.000000e+00 : f32
      %div3A_627 = vector.broadcast %div3A_626 : f32 to vector<16xf32>
      %div3A_628 = arith.divf %div3A_627, %add3A_625 : vector<16xf32>
      %mul3A_629 = arith.mulf %exp3A_616, %div3A_628 : vector<16xf32>
      %mul3A_630 = arith.mulf %exp3A_618, %div3A_628 : vector<16xf32>
      %mul3A_631 = arith.mulf %exp3A_620, %div3A_628 : vector<16xf32>
      %mul3A_632 = arith.mulf %exp3A_622, %div3A_628 : vector<16xf32>
      %ge3A_633 = arith.cmpf oge, %scan3A_91#24, %scan3A_91#25 : vector<16xf32>
      %ge3A_634 = arith.cmpf oge, %scan3A_91#24, %scan3A_91#26 : vector<16xf32>
      %and3A_635 = arith.andi %ge3A_633, %ge3A_634 : vector<16xi1>
      %ge3A_636 = arith.cmpf oge, %scan3A_91#24, %scan3A_91#27 : vector<16xf32>
      %and3A_637 = arith.andi %and3A_635, %ge3A_636 : vector<16xi1>
      %ge3A_638 = arith.cmpf oge, %scan3A_91#25, %scan3A_91#26 : vector<16xf32>
      %ge3A_639 = arith.cmpf oge, %scan3A_91#25, %scan3A_91#27 : vector<16xf32>
      %and3A_640 = arith.andi %ge3A_638, %ge3A_639 : vector<16xi1>
      %ge3A_641 = arith.cmpf oge, %scan3A_91#26, %scan3A_91#27 : vector<16xf32>
      %broadcast_in_dim3A_642 = arith.constant 2 : i32
      %broadcast_in_dim3A_643 = vector.broadcast %broadcast_in_dim3A_642 : i32 to vector<16xi32>
      %broadcast_in_dim3A_644 = arith.constant 3 : i32
      %broadcast_in_dim3A_645 = vector.broadcast %broadcast_in_dim3A_644 : i32 to vector<16xi32>
      %broadcast_in_dim3A_646 = arith.constant 1 : i32
      %broadcast_in_dim3A_647 = vector.broadcast %broadcast_in_dim3A_646 : i32 to vector<16xi32>
      %broadcast_in_dim3A_648 = arith.constant 0 : i32
      %broadcast_in_dim3A_649 = vector.broadcast %broadcast_in_dim3A_648 : i32 to vector<16xi32>
      %select_n3A_650 = arith.select %ge3A_641, %broadcast_in_dim3A_643, %broadcast_in_dim3A_645 : vector<16xi1>, vector<16xi32>
      %select_n3A_651 = arith.select %and3A_640, %broadcast_in_dim3A_647, %select_n3A_650 : vector<16xi1>, vector<16xi32>
      %select_n3A_652 = arith.select %and3A_637, %broadcast_in_dim3A_649, %select_n3A_651 : vector<16xi1>, vector<16xi32>
      %mul3A_653 = arith.constant 4 : i32
      %mul3A_654 = vector.broadcast %mul3A_653 : i32 to vector<16xi32>
      %mul3A_655 = arith.muli %select_n3A_652, %mul3A_654 : vector<16xi32>
      %broadcast_in_dim3A_656 = arith.constant 0 : i32
      %broadcast_in_dim3A_657 = vector.broadcast %broadcast_in_dim3A_656 : i32 to vector<16xi32>
      %add3A_658 = arith.addi %mul3A_655, %broadcast_in_dim3A_657 : vector<16xi32>
      %gather3A_659 = tpu.vector_load_idx %arg10[%add3A_658] : memref<16xf32, #tpu.memory_space<vmem>>[vector<16xi32>], vector<16xf32>,
      %mul3A_660 = arith.mulf %gather3A_659, %mul3A_629 : vector<16xf32>
      %add3A_661 = arith.addf %broadcast_in_dim3A_9, %mul3A_660 : vector<16xf32>
      %broadcast_in_dim3A_662 = arith.constant 1 : i32
      %broadcast_in_dim3A_663 = vector.broadcast %broadcast_in_dim3A_662 : i32 to vector<16xi32>
      %add3A_664 = arith.addi %mul3A_655, %broadcast_in_dim3A_663 : vector<16xi32>
      %gather3A_665 = tpu.vector_load_idx %arg10[%add3A_664] : memref<16xf32, #tpu.memory_space<vmem>>[vector<16xi32>], vector<16xf32>,
      %mul3A_666 = arith.mulf %gather3A_665, %mul3A_630 : vector<16xf32>
      %add3A_667 = arith.addf %add3A_661, %mul3A_666 : vector<16xf32>
      %broadcast_in_dim3A_668 = arith.constant 2 : i32
      %broadcast_in_dim3A_669 = vector.broadcast %broadcast_in_dim3A_668 : i32 to vector<16xi32>
      %add3A_670 = arith.addi %mul3A_655, %broadcast_in_dim3A_669 : vector<16xi32>
      %gather3A_671 = tpu.vector_load_idx %arg10[%add3A_670] : memref<16xf32, #tpu.memory_space<vmem>>[vector<16xi32>], vector<16xf32>,
      %mul3A_672 = arith.mulf %gather3A_671, %mul3A_631 : vector<16xf32>
      %add3A_673 = arith.addf %add3A_667, %mul3A_672 : vector<16xf32>
      %broadcast_in_dim3A_674 = arith.constant 3 : i32
      %broadcast_in_dim3A_675 = vector.broadcast %broadcast_in_dim3A_674 : i32 to vector<16xi32>
      %add3A_676 = arith.addi %mul3A_655, %broadcast_in_dim3A_675 : vector<16xi32>
      %gather3A_677 = tpu.vector_load_idx %arg10[%add3A_676] : memref<16xf32, #tpu.memory_space<vmem>>[vector<16xi32>], vector<16xf32>,
      %mul3A_678 = arith.mulf %gather3A_677, %mul3A_632 : vector<16xf32>
      %add3A_679 = arith.addf %add3A_673, %mul3A_678 : vector<16xf32>
      %add3A_680 = arith.constant 96 : i32
      %add3A_681 = arith.addi %mul3A_54, %add3A_680 : i32
      %add3A_682 = arith.constant 0 : i32
      %add3A_683 = arith.addi %add3A_682, %add3A_681 : i32
      %swap3A_684 = arith.index_cast %add3A_683 : i32 to index
      %swap3A_685 = tpu.vector_load %arg11[%swap3A_684] {strides = array<i32>} : memref<2048xf32, #tpu.memory_space<vmem>>, vector<16xf32>,
      tpu.vector_store %arg11[%swap3A_684], %mul3A_629 {strides = array<i32>} : memref<2048xf32, #tpu.memory_space<vmem>>, vector<16xf32>,
      %add3A_686 = arith.constant 512 : i32
      %add3A_687 = arith.addi %add3A_686, %add3A_681 : i32
      %swap3A_688 = arith.index_cast %add3A_687 : i32 to index
      %swap3A_689 = tpu.vector_load %arg11[%swap3A_688] {strides = array<i32>} : memref<2048xf32, #tpu.memory_space<vmem>>, vector<16xf32>,
      tpu.vector_store %arg11[%swap3A_688], %mul3A_630 {strides = array<i32>} : memref<2048xf32, #tpu.memory_space<vmem>>, vector<16xf32>,
      %add3A_690 = arith.constant 1024 : i32
      %add3A_691 = arith.addi %add3A_690, %add3A_681 : i32
      %swap3A_692 = arith.index_cast %add3A_691 : i32 to index
      %swap3A_693 = tpu.vector_load %arg11[%swap3A_692] {strides = array<i32>} : memref<2048xf32, #tpu.memory_space<vmem>>, vector<16xf32>,
      tpu.vector_store %arg11[%swap3A_692], %mul3A_631 {strides = array<i32>} : memref<2048xf32, #tpu.memory_space<vmem>>, vector<16xf32>,
      %add3A_694 = arith.constant 1536 : i32
      %add3A_695 = arith.addi %add3A_694, %add3A_681 : i32
      %swap3A_696 = arith.index_cast %add3A_695 : i32 to index
      %swap3A_697 = tpu.vector_load %arg11[%swap3A_696] {strides = array<i32>} : memref<2048xf32, #tpu.memory_space<vmem>>, vector<16xf32>,
      tpu.vector_store %arg11[%swap3A_696], %mul3A_632 {strides = array<i32>} : memref<2048xf32, #tpu.memory_space<vmem>>, vector<16xf32>,
      %swap3A_698 = arith.index_cast %add3A_681 : i32 to index
      %swap3A_699 = tpu.vector_load %arg12[%swap3A_698] {strides = array<i32>} : memref<512xf32, #tpu.memory_space<vmem>>, vector<16xf32>,
      tpu.vector_store %arg12[%swap3A_698], %add3A_679 {strides = array<i32>} : memref<512xf32, #tpu.memory_space<vmem>>, vector<16xf32>,
      %max3A_700 = arith.maximumf %scan3A_91#28, %scan3A_91#29 : vector<16xf32>
      %max3A_701 = arith.maximumf %scan3A_91#30, %scan3A_91#31 : vector<16xf32>
      %max3A_702 = arith.maximumf %max3A_700, %max3A_701 : vector<16xf32>
      %sub3A_703 = arith.subf %scan3A_91#28, %max3A_702 : vector<16xf32>
      %exp3A_704 = math.exp %sub3A_703 : vector<16xf32>
      %sub3A_705 = arith.subf %scan3A_91#29, %max3A_702 : vector<16xf32>
      %exp3A_706 = math.exp %sub3A_705 : vector<16xf32>
      %sub3A_707 = arith.subf %scan3A_91#30, %max3A_702 : vector<16xf32>
      %exp3A_708 = math.exp %sub3A_707 : vector<16xf32>
      %sub3A_709 = arith.subf %scan3A_91#31, %max3A_702 : vector<16xf32>
      %exp3A_710 = math.exp %sub3A_709 : vector<16xf32>
      %add3A_711 = arith.addf %exp3A_704, %exp3A_706 : vector<16xf32>
      %add3A_712 = arith.addf %add3A_711, %exp3A_708 : vector<16xf32>
      %add3A_713 = arith.addf %add3A_712, %exp3A_710 : vector<16xf32>
      %div3A_714 = arith.constant 1.000000e+00 : f32
      %div3A_715 = vector.broadcast %div3A_714 : f32 to vector<16xf32>
      %div3A_716 = arith.divf %div3A_715, %add3A_713 : vector<16xf32>
      %mul3A_717 = arith.mulf %exp3A_704, %div3A_716 : vector<16xf32>
      %mul3A_718 = arith.mulf %exp3A_706, %div3A_716 : vector<16xf32>
      %mul3A_719 = arith.mulf %exp3A_708, %div3A_716 : vector<16xf32>
      %mul3A_720 = arith.mulf %exp3A_710, %div3A_716 : vector<16xf32>
      %ge3A_721 = arith.cmpf oge, %scan3A_91#28, %scan3A_91#29 : vector<16xf32>
      %ge3A_722 = arith.cmpf oge, %scan3A_91#28, %scan3A_91#30 : vector<16xf32>
      %and3A_723 = arith.andi %ge3A_721, %ge3A_722 : vector<16xi1>
      %ge3A_724 = arith.cmpf oge, %scan3A_91#28, %scan3A_91#31 : vector<16xf32>
      %and3A_725 = arith.andi %and3A_723, %ge3A_724 : vector<16xi1>
      %ge3A_726 = arith.cmpf oge, %scan3A_91#29, %scan3A_91#30 : vector<16xf32>
      %ge3A_727 = arith.cmpf oge, %scan3A_91#29, %scan3A_91#31 : vector<16xf32>
      %and3A_728 = arith.andi %ge3A_726, %ge3A_727 : vector<16xi1>
      %ge3A_729 = arith.cmpf oge, %scan3A_91#30, %scan3A_91#31 : vector<16xf32>
      %broadcast_in_dim3A_730 = arith.constant 2 : i32
      %broadcast_in_dim3A_731 = vector.broadcast %broadcast_in_dim3A_730 : i32 to vector<16xi32>
      %broadcast_in_dim3A_732 = arith.constant 3 : i32
      %broadcast_in_dim3A_733 = vector.broadcast %broadcast_in_dim3A_732 : i32 to vector<16xi32>
      %broadcast_in_dim3A_734 = arith.constant 1 : i32
      %broadcast_in_dim3A_735 = vector.broadcast %broadcast_in_dim3A_734 : i32 to vector<16xi32>
      %broadcast_in_dim3A_736 = arith.constant 0 : i32
      %broadcast_in_dim3A_737 = vector.broadcast %broadcast_in_dim3A_736 : i32 to vector<16xi32>
      %select_n3A_738 = arith.select %ge3A_729, %broadcast_in_dim3A_731, %broadcast_in_dim3A_733 : vector<16xi1>, vector<16xi32>
      %select_n3A_739 = arith.select %and3A_728, %broadcast_in_dim3A_735, %select_n3A_738 : vector<16xi1>, vector<16xi32>
      %select_n3A_740 = arith.select %and3A_725, %broadcast_in_dim3A_737, %select_n3A_739 : vector<16xi1>, vector<16xi32>
      %mul3A_741 = arith.constant 4 : i32
      %mul3A_742 = vector.broadcast %mul3A_741 : i32 to vector<16xi32>
      %mul3A_743 = arith.muli %select_n3A_740, %mul3A_742 : vector<16xi32>
      %broadcast_in_dim3A_744 = arith.constant 0 : i32
      %broadcast_in_dim3A_745 = vector.broadcast %broadcast_in_dim3A_744 : i32 to vector<16xi32>
      %add3A_746 = arith.addi %mul3A_743, %broadcast_in_dim3A_745 : vector<16xi32>
      %gather3A_747 = tpu.vector_load_idx %arg10[%add3A_746] : memref<16xf32, #tpu.memory_space<vmem>>[vector<16xi32>], vector<16xf32>,
      %mul3A_748 = arith.mulf %gather3A_747, %mul3A_717 : vector<16xf32>
      %add3A_749 = arith.addf %broadcast_in_dim3A_9, %mul3A_748 : vector<16xf32>
      %broadcast_in_dim3A_750 = arith.constant 1 : i32
      %broadcast_in_dim3A_751 = vector.broadcast %broadcast_in_dim3A_750 : i32 to vector<16xi32>
      %add3A_752 = arith.addi %mul3A_743, %broadcast_in_dim3A_751 : vector<16xi32>
      %gather3A_753 = tpu.vector_load_idx %arg10[%add3A_752] : memref<16xf32, #tpu.memory_space<vmem>>[vector<16xi32>], vector<16xf32>,
      %mul3A_754 = arith.mulf %gather3A_753, %mul3A_718 : vector<16xf32>
      %add3A_755 = arith.addf %add3A_749, %mul3A_754 : vector<16xf32>
      %broadcast_in_dim3A_756 = arith.constant 2 : i32
      %broadcast_in_dim3A_757 = vector.broadcast %broadcast_in_dim3A_756 : i32 to vector<16xi32>
      %add3A_758 = arith.addi %mul3A_743, %broadcast_in_dim3A_757 : vector<16xi32>
      %gather3A_759 = tpu.vector_load_idx %arg10[%add3A_758] : memref<16xf32, #tpu.memory_space<vmem>>[vector<16xi32>], vector<16xf32>,
      %mul3A_760 = arith.mulf %gather3A_759, %mul3A_719 : vector<16xf32>
      %add3A_761 = arith.addf %add3A_755, %mul3A_760 : vector<16xf32>
      %broadcast_in_dim3A_762 = arith.constant 3 : i32
      %broadcast_in_dim3A_763 = vector.broadcast %broadcast_in_dim3A_762 : i32 to vector<16xi32>
      %add3A_764 = arith.addi %mul3A_743, %broadcast_in_dim3A_763 : vector<16xi32>
      %gather3A_765 = tpu.vector_load_idx %arg10[%add3A_764] : memref<16xf32, #tpu.memory_space<vmem>>[vector<16xi32>], vector<16xf32>,
      %mul3A_766 = arith.mulf %gather3A_765, %mul3A_720 : vector<16xf32>
      %add3A_767 = arith.addf %add3A_761, %mul3A_766 : vector<16xf32>
      %add3A_768 = arith.constant 112 : i32
      %add3A_769 = arith.addi %mul3A_54, %add3A_768 : i32
      %add3A_770 = arith.constant 0 : i32
      %add3A_771 = arith.addi %add3A_770, %add3A_769 : i32
      %swap3A_772 = arith.index_cast %add3A_771 : i32 to index
      %swap3A_773 = tpu.vector_load %arg11[%swap3A_772] {strides = array<i32>} : memref<2048xf32, #tpu.memory_space<vmem>>, vector<16xf32>,
      tpu.vector_store %arg11[%swap3A_772], %mul3A_717 {strides = array<i32>} : memref<2048xf32, #tpu.memory_space<vmem>>, vector<16xf32>,
      %add3A_774 = arith.constant 512 : i32
      %add3A_775 = arith.addi %add3A_774, %add3A_769 : i32
      %swap3A_776 = arith.index_cast %add3A_775 : i32 to index
      %swap3A_777 = tpu.vector_load %arg11[%swap3A_776] {strides = array<i32>} : memref<2048xf32, #tpu.memory_space<vmem>>, vector<16xf32>,
      tpu.vector_store %arg11[%swap3A_776], %mul3A_718 {strides = array<i32>} : memref<2048xf32, #tpu.memory_space<vmem>>, vector<16xf32>,
      %add3A_778 = arith.constant 1024 : i32
      %add3A_779 = arith.addi %add3A_778, %add3A_769 : i32
      %swap3A_780 = arith.index_cast %add3A_779 : i32 to index
      %swap3A_781 = tpu.vector_load %arg11[%swap3A_780] {strides = array<i32>} : memref<2048xf32, #tpu.memory_space<vmem>>, vector<16xf32>,
      tpu.vector_store %arg11[%swap3A_780], %mul3A_719 {strides = array<i32>} : memref<2048xf32, #tpu.memory_space<vmem>>, vector<16xf32>,
      %add3A_782 = arith.constant 1536 : i32
      %add3A_783 = arith.addi %add3A_782, %add3A_769 : i32
      %swap3A_784 = arith.index_cast %add3A_783 : i32 to index
      %swap3A_785 = tpu.vector_load %arg11[%swap3A_784] {strides = array<i32>} : memref<2048xf32, #tpu.memory_space<vmem>>, vector<16xf32>,
      tpu.vector_store %arg11[%swap3A_784], %mul3A_720 {strides = array<i32>} : memref<2048xf32, #tpu.memory_space<vmem>>, vector<16xf32>,
      %swap3A_786 = arith.index_cast %add3A_769 : i32 to index
      %swap3A_787 = tpu.vector_load %arg12[%swap3A_786] {strides = array<i32>} : memref<512xf32, #tpu.memory_space<vmem>>, vector<16xf32>,
      tpu.vector_store %arg12[%swap3A_786], %add3A_767 {strides = array<i32>} : memref<512xf32, #tpu.memory_space<vmem>>, vector<16xf32>,
    }
    %scan3A_15 = arith.constant 4 : i32
    %add3A_16 = arith.constant 0 : i32
    %add3A_17 = arith.addi %add3A_16, %mul3A_2 : i32
    "tpu.region"() ({
      %run_scoped3A = tpu.sem_alloc : memref<!tpu.dma_semaphore, #tpu.memory_space<semaphore_mem>>
      %dma_start3A = arith.constant 0 : i32
      %dma_start3A_26 = tpu.memref_slice %arg11[%dma_start3A] : memref<2048xf32, #tpu.memory_space<vmem>> -> memref<512xf32, #tpu.memory_space<vmem>>
      %dma_start3A_27 = tpu.memref_slice %arg6[%add3A_17] : memref<81920xf32, #tpu.memory_space<hbm>> -> memref<512xf32, #tpu.memory_space<hbm>>
      %dma_start3A_28 = tpu.memref_slice %arg6[%add3A_17] : memref<81920xf32, #tpu.memory_space<hbm>> -> memref<512xf32, #tpu.memory_space<hbm>>
      %dma_start3A_29 = arith.constant 0 : i32
      %dma_start3A_30 = tpu.memref_slice %arg11[%dma_start3A_29] : memref<2048xf32, #tpu.memory_space<vmem>> -> memref<512xf32, #tpu.memory_space<vmem>>
      tpu.enqueue_dma source(%dma_start3A_30 : memref<512xf32, #tpu.memory_space<vmem>>) target(%dma_start3A_28 : memref<512xf32, #tpu.memory_space<hbm>>) target_semaphore(%run_scoped3A : memref<!tpu.dma_semaphore, #tpu.memory_space<semaphore_mem>>)
      %dma_wait3A = arith.constant 0 : i32
      %dma_wait3A_31 = tpu.memref_slice %arg11[%dma_wait3A] : memref<2048xf32, #tpu.memory_space<vmem>> -> memref<512xf32, #tpu.memory_space<vmem>>
      %dma_wait3A_32 = tpu.memref_slice %arg6[%add3A_17] : memref<81920xf32, #tpu.memory_space<hbm>> -> memref<512xf32, #tpu.memory_space<hbm>>
      %dma_wait3A_33 = tpu.memref_slice %arg6[%add3A_17] : memref<81920xf32, #tpu.memory_space<hbm>> -> memref<512xf32, #tpu.memory_space<hbm>>
      %dma_wait3A_34 = arith.constant 0 : i32
      %dma_wait3A_35 = tpu.memref_slice %arg11[%dma_wait3A_34] : memref<2048xf32, #tpu.memory_space<vmem>> -> memref<512xf32, #tpu.memory_space<vmem>>
      tpu.wait_dma2 semaphore(%run_scoped3A : memref<!tpu.dma_semaphore, #tpu.memory_space<semaphore_mem>>) src(%dma_wait3A_35 : memref<512xf32, #tpu.memory_space<vmem>>) dst(%dma_wait3A_33 : memref<512xf32, #tpu.memory_space<hbm>>)
      tpu.yield
    }) : () -> ()
    %add3A_18 = arith.constant 16384 : i32
    %add3A_19 = arith.addi %add3A_18, %mul3A_2 : i32
    "tpu.region"() ({
      %run_scoped3A = tpu.sem_alloc : memref<!tpu.dma_semaphore, #tpu.memory_space<semaphore_mem>>
      %dma_start3A = arith.constant 512 : i32
      %dma_start3A_26 = tpu.memref_slice %arg11[%dma_start3A] : memref<2048xf32, #tpu.memory_space<vmem>> -> memref<512xf32, #tpu.memory_space<vmem>>
      %dma_start3A_27 = tpu.memref_slice %arg6[%add3A_19] : memref<81920xf32, #tpu.memory_space<hbm>> -> memref<512xf32, #tpu.memory_space<hbm>>
      %dma_start3A_28 = tpu.memref_slice %arg6[%add3A_19] : memref<81920xf32, #tpu.memory_space<hbm>> -> memref<512xf32, #tpu.memory_space<hbm>>
      %dma_start3A_29 = arith.constant 512 : i32
      %dma_start3A_30 = tpu.memref_slice %arg11[%dma_start3A_29] : memref<2048xf32, #tpu.memory_space<vmem>> -> memref<512xf32, #tpu.memory_space<vmem>>
      tpu.enqueue_dma source(%dma_start3A_30 : memref<512xf32, #tpu.memory_space<vmem>>) target(%dma_start3A_28 : memref<512xf32, #tpu.memory_space<hbm>>) target_semaphore(%run_scoped3A : memref<!tpu.dma_semaphore, #tpu.memory_space<semaphore_mem>>)
      %dma_wait3A = arith.constant 512 : i32
      %dma_wait3A_31 = tpu.memref_slice %arg11[%dma_wait3A] : memref<2048xf32, #tpu.memory_space<vmem>> -> memref<512xf32, #tpu.memory_space<vmem>>
      %dma_wait3A_32 = tpu.memref_slice %arg6[%add3A_19] : memref<81920xf32, #tpu.memory_space<hbm>> -> memref<512xf32, #tpu.memory_space<hbm>>
      %dma_wait3A_33 = tpu.memref_slice %arg6[%add3A_19] : memref<81920xf32, #tpu.memory_space<hbm>> -> memref<512xf32, #tpu.memory_space<hbm>>
      %dma_wait3A_34 = arith.constant 512 : i32
      %dma_wait3A_35 = tpu.memref_slice %arg11[%dma_wait3A_34] : memref<2048xf32, #tpu.memory_space<vmem>> -> memref<512xf32, #tpu.memory_space<vmem>>
      tpu.wait_dma2 semaphore(%run_scoped3A : memref<!tpu.dma_semaphore, #tpu.memory_space<semaphore_mem>>) src(%dma_wait3A_35 : memref<512xf32, #tpu.memory_space<vmem>>) dst(%dma_wait3A_33 : memref<512xf32, #tpu.memory_space<hbm>>)
      tpu.yield
    }) : () -> ()
    %add3A_20 = arith.constant 32768 : i32
    %add3A_21 = arith.addi %add3A_20, %mul3A_2 : i32
    "tpu.region"() ({
      %run_scoped3A = tpu.sem_alloc : memref<!tpu.dma_semaphore, #tpu.memory_space<semaphore_mem>>
      %dma_start3A = arith.constant 1024 : i32
      %dma_start3A_26 = tpu.memref_slice %arg11[%dma_start3A] : memref<2048xf32, #tpu.memory_space<vmem>> -> memref<512xf32, #tpu.memory_space<vmem>>
      %dma_start3A_27 = tpu.memref_slice %arg6[%add3A_21] : memref<81920xf32, #tpu.memory_space<hbm>> -> memref<512xf32, #tpu.memory_space<hbm>>
      %dma_start3A_28 = tpu.memref_slice %arg6[%add3A_21] : memref<81920xf32, #tpu.memory_space<hbm>> -> memref<512xf32, #tpu.memory_space<hbm>>
      %dma_start3A_29 = arith.constant 1024 : i32
      %dma_start3A_30 = tpu.memref_slice %arg11[%dma_start3A_29] : memref<2048xf32, #tpu.memory_space<vmem>> -> memref<512xf32, #tpu.memory_space<vmem>>
      tpu.enqueue_dma source(%dma_start3A_30 : memref<512xf32, #tpu.memory_space<vmem>>) target(%dma_start3A_28 : memref<512xf32, #tpu.memory_space<hbm>>) target_semaphore(%run_scoped3A : memref<!tpu.dma_semaphore, #tpu.memory_space<semaphore_mem>>)
      %dma_wait3A = arith.constant 1024 : i32
      %dma_wait3A_31 = tpu.memref_slice %arg11[%dma_wait3A] : memref<2048xf32, #tpu.memory_space<vmem>> -> memref<512xf32, #tpu.memory_space<vmem>>
      %dma_wait3A_32 = tpu.memref_slice %arg6[%add3A_21] : memref<81920xf32, #tpu.memory_space<hbm>> -> memref<512xf32, #tpu.memory_space<hbm>>
      %dma_wait3A_33 = tpu.memref_slice %arg6[%add3A_21] : memref<81920xf32, #tpu.memory_space<hbm>> -> memref<512xf32, #tpu.memory_space<hbm>>
      %dma_wait3A_34 = arith.constant 1024 : i32
      %dma_wait3A_35 = tpu.memref_slice %arg11[%dma_wait3A_34] : memref<2048xf32, #tpu.memory_space<vmem>> -> memref<512xf32, #tpu.memory_space<vmem>>
      tpu.wait_dma2 semaphore(%run_scoped3A : memref<!tpu.dma_semaphore, #tpu.memory_space<semaphore_mem>>) src(%dma_wait3A_35 : memref<512xf32, #tpu.memory_space<vmem>>) dst(%dma_wait3A_33 : memref<512xf32, #tpu.memory_space<hbm>>)
      tpu.yield
    }) : () -> ()
    %add3A_22 = arith.constant 49152 : i32
    %add3A_23 = arith.addi %add3A_22, %mul3A_2 : i32
    "tpu.region"() ({
      %run_scoped3A = tpu.sem_alloc : memref<!tpu.dma_semaphore, #tpu.memory_space<semaphore_mem>>
      %dma_start3A = arith.constant 1536 : i32
      %dma_start3A_26 = tpu.memref_slice %arg11[%dma_start3A] : memref<2048xf32, #tpu.memory_space<vmem>> -> memref<512xf32, #tpu.memory_space<vmem>>
      %dma_start3A_27 = tpu.memref_slice %arg6[%add3A_23] : memref<81920xf32, #tpu.memory_space<hbm>> -> memref<512xf32, #tpu.memory_space<hbm>>
      %dma_start3A_28 = tpu.memref_slice %arg6[%add3A_23] : memref<81920xf32, #tpu.memory_space<hbm>> -> memref<512xf32, #tpu.memory_space<hbm>>
      %dma_start3A_29 = arith.constant 1536 : i32
      %dma_start3A_30 = tpu.memref_slice %arg11[%dma_start3A_29] : memref<2048xf32, #tpu.memory_space<vmem>> -> memref<512xf32, #tpu.memory_space<vmem>>
      tpu.enqueue_dma source(%dma_start3A_30 : memref<512xf32, #tpu.memory_space<vmem>>) target(%dma_start3A_28 : memref<512xf32, #tpu.memory_space<hbm>>) target_semaphore(%run_scoped3A : memref<!tpu.dma_semaphore, #tpu.memory_space<semaphore_mem>>)
      %dma_wait3A = arith.constant 1536 : i32
      %dma_wait3A_31 = tpu.memref_slice %arg11[%dma_wait3A] : memref<2048xf32, #tpu.memory_space<vmem>> -> memref<512xf32, #tpu.memory_space<vmem>>
      %dma_wait3A_32 = tpu.memref_slice %arg6[%add3A_23] : memref<81920xf32, #tpu.memory_space<hbm>> -> memref<512xf32, #tpu.memory_space<hbm>>
      %dma_wait3A_33 = tpu.memref_slice %arg6[%add3A_23] : memref<81920xf32, #tpu.memory_space<hbm>> -> memref<512xf32, #tpu.memory_space<hbm>>
      %dma_wait3A_34 = arith.constant 1536 : i32
      %dma_wait3A_35 = tpu.memref_slice %arg11[%dma_wait3A_34] : memref<2048xf32, #tpu.memory_space<vmem>> -> memref<512xf32, #tpu.memory_space<vmem>>
      tpu.wait_dma2 semaphore(%run_scoped3A : memref<!tpu.dma_semaphore, #tpu.memory_space<semaphore_mem>>) src(%dma_wait3A_35 : memref<512xf32, #tpu.memory_space<vmem>>) dst(%dma_wait3A_33 : memref<512xf32, #tpu.memory_space<hbm>>)
      tpu.yield
    }) : () -> ()
    %add3A_24 = arith.constant 65536 : i32
    %add3A_25 = arith.addi %add3A_24, %mul3A_2 : i32
    "tpu.region"() ({
      %run_scoped3A = tpu.sem_alloc : memref<!tpu.dma_semaphore, #tpu.memory_space<semaphore_mem>>
      %dma_start3A = tpu.memref_slice %arg6[%add3A_25] : memref<81920xf32, #tpu.memory_space<hbm>> -> memref<512xf32, #tpu.memory_space<hbm>>
      %dma_start3A_26 = tpu.memref_slice %arg6[%add3A_25] : memref<81920xf32, #tpu.memory_space<hbm>> -> memref<512xf32, #tpu.memory_space<hbm>>
      tpu.enqueue_dma source(%arg12 : memref<512xf32, #tpu.memory_space<vmem>>) target(%dma_start3A_26 : memref<512xf32, #tpu.memory_space<hbm>>) target_semaphore(%run_scoped3A : memref<!tpu.dma_semaphore, #tpu.memory_space<semaphore_mem>>)
      %dma_wait3A = tpu.memref_slice %arg6[%add3A_25] : memref<81920xf32, #tpu.memory_space<hbm>> -> memref<512xf32, #tpu.memory_space<hbm>>
      %dma_wait3A_27 = tpu.memref_slice %arg6[%add3A_25] : memref<81920xf32, #tpu.memory_space<hbm>> -> memref<512xf32, #tpu.memory_space<hbm>>
      tpu.wait_dma2 semaphore(%run_scoped3A : memref<!tpu.dma_semaphore, #tpu.memory_space<semaphore_mem>>) src(%arg12 : memref<512xf32, #tpu.memory_space<vmem>>) dst(%dma_wait3A_27 : memref<512xf32, #tpu.memory_space<hbm>>)
      tpu.yield
    }) : () -> ()
    return
  }
}

</mosaic_0001>

<sc_bundles>
// kernel: kernel.3.cloned.1.call-start
scs
__scs_entry_jumppad:
0x0: {  	(pc) =	sbr.rel $0x88, $3  }
0x1: {  	(tag) =	ssettag $0x0;
	lr =	simm.s32 $0x1  }
0x2: {  	[smem:$0x3F9D] =	sst lr;
	_ =	strace $0xD0000000  }
0x3: {  	_ = 	snop  }
0x4: {  	_ = 	snop  }
0x5: {  	_ = 	snop  }
0x6: {  	_ = 	snop  }
0x7: {  	_ = 	snop  }
__scs_overlays_trampoline_lowered:
0x8: {  	[smem:$0x3FAC] =	sst s0  }
0x9: {  	[smem:$0x3FAD] =	sst s1  }
0xa: {  	[smem:$0x3FAE] =	sst s2  }
0xb: {  	[smem:$0x3FAF] =	sst s3  }
0xc: {  	[smem:$0x3FB0] =	sst s4  }
0xd: {  	[smem:$0x3FB1] =	sst s5  }
0xe: {  	[smem:$0x3FB2] =	sst s6  }
0xf: {  	[smem:$0x3FB3] =	sst s7  }
0x10: {  	[smem:$0x3FB4] =	sst s8  }
0x11: {  	[smem:$0x3FB5] =	sst s9;
	s0 =	simm.s32 @!p0 $0x0  }
0x12: {  	s1 =	sld [smem:$0x3F9B];
	s0 =	simm.s32 @p0 $0x1  }
0x13: {  	[smem:$0x3FB6] =	sst s0;
	s0 =	simm.s32 @!p1 $0x0  }
0x14: {  	s2 =	sld [smem:$0x3F9A];
	s0 =	simm.s32 @p1 $0x1  }
0x15: {  	[smem:$0x3FB7] =	sst s0;
	s0 =	simm.s32 @!p2 $0x0  }
0x16: {  	s3 =	sld [smem:$0x3FDB];
	s0 =	simm.s32 @p2 $0x1  }
0x17: {  	s4 =	simm.s32 $0x1BF5;
	[smem:$0x3FB9] =	sst s0  }
0x18: {  	s0 =	sld [smem:$0x3F9C];
	_ =	swait.ge [sflag:s4], $0x0  }
0x19: {  	s7 =	sld [smem:$0x3F9D]  }
0x1a: {  	s8 =	sadd.s32 $0xFFFFE003, lr  }
0x1b: {  	s9 =	sadd.s32 $0xFFFFFEF7, lr;
	s5 =	simm.s32 $0xFFFFFFFF;
	p2 =	slt.u32 s8, $0xFFFFF086  }
0x1c: {  	p1 =	slt.u32 s9, $0xF7A;
	s5 =	simm.s32 @!p2 $0x0  }
0x1d: {  	s5 =	simm.s32 @p1 $0x1;
	p0 =	seq.s32 s7, s2  }
0x1e: {  	s7 =	smul.u32 @!p0 $0xF7A, s2;
	p2 =	seq.s32 @!p0 s5, $0x0  }
0x1f: {  	s9 =	smul.u32 $0xF7A, s1;
	s8 =	simm.s32 @!p0 $0x1BF5;
	p2 =	por !p2, p0  }
0x20: {  	[sflag:s8] =	ssyncset.s32 @!p0 $0xFFFFF086;
	s6 =	sadd.s32 @!p0 s3, s7;
	s7 =	simm.s32 @!p0 $0x108  }
0x21: {  	s3 =	sadd.s32 s3, s9;
	s6 =	sadd.s32 @!p0 $0x88, s6;
	s7 =	simm.s32 @p2 $0x1082  }
0x22: {  	[simem:s7], [sflag:s8] =	dma.local @!p0 [hbm:s6], $0xF7A  }
0x23: {  	s9 =	sor.u32 $0xD0000000, s2;
	s6 =	simm.s32 $0x108;
	_ =	swait.ge @!p0 [sflag:s8], $0x0  }
0x24: {  	s3 =	sadd.s32 $0x88, s3;
	s6 =	simm.s32 @!p1 $0x1082;
	[sflag:s4] =	ssyncset.s32 $0xFFFFF086  }
0x25: {  	[simem:s6], [sflag:s4] =	dma.local [hbm:s3], $0xF7A  }
0x26: {  	[smem:$0x3F9D] =	sst s1;
	(tag) =	ssettag s2;
	_ =	strace s9  }
0x27: {  	s1 =	sld [smem:$0x3FAD]  }
0x28: {  	s2 =	sld [smem:$0x3FAE]  }
0x29: {  	s4 =	sld [smem:$0x3FB0]  }
0x2a: {  	p0 =	seq.s32 s5, $0x0;
	s5 =	sld [smem:$0x3FB1]  }
0x2b: {  	s6 =	sld [smem:$0x3FB2]  }
0x2c: {  	s7 =	sld [smem:$0x3FB3]  }
0x2d: {  	s3 =	simm.s32 $0x108;
	s8 =	sld [smem:$0x3FB4]  }
0x2e: {  	s3 =	simm.s32 @!p0 $0x1082;
	s9 =	sld [smem:$0x3FB5]  }
0x2f: {  	lr =	sadd.s32 s0, s3;
	s0 =	sld [smem:$0x3FAC]  }
0x30: {  	s3 =	sld [smem:$0x3FAF]  }
0x31: {  	[smem:$0x3FB8] =	sst s10  }
0x32: {  	s10 =	sld [smem:$0x3FB6];
	_ =	sdelay $0x3  }
0x33: {  	p0 =	seq.s32 s10, $0x1;
	s10 =	sld [smem:$0x3FB8];
	_ =	sdelay $0x3  }
0x34: {  	[smem:$0x3FB8] =	sst s10  }
0x35: {  	s10 =	sld [smem:$0x3FB7];
	_ =	sdelay $0x3  }
0x36: {  	p1 =	seq.s32 s10, $0x1;
	s10 =	sld [smem:$0x3FB8];
	_ =	sdelay $0x3  }
0x37: {  	[smem:$0x3FB8] =	sst s10  }
0x38: {  	s10 =	sld [smem:$0x3FB9]  }
0x39: {  	_ = 	snop;
	(pc) =	sbr.ind lr, $3  }
0x3a: {  	_ = 	snop  }
0x3b: {  	_ = 	snop  }
0x3c: {  	p2 =	seq.s32 s10, $0x1;
	s10 =	sld [smem:$0x3FB8]  }
0x3d: {  	_ =	shalt  }
0x3e: {  	_ =	shalt  }
0x3f: {  	_ =	shalt  }
0x40: {  	_ =	shalt  }
0x41: {  	_ =	shalt  }
0x42: {  	_ =	shalt  }
0x43: {  	_ =	shalt  }
0x44: {  	_ =	shalt  }
0x45: {  	_ =	shalt  }
0x46: {  	_ =	shalt  }
0x47: {  	_ =	shalt  }
0x48: {  	_ =	shalt  }
0x49: {  	_ =	shalt  }
0x4a: {  	_ =	shalt  }
0x4b: {  	_ =	shalt  }
0x4c: {  	_ =	shalt  }
0x4d: {  	_ =	shalt  }
0x4e: {  	_ =	shalt  }
0x4f: {  	_ =	shalt  }
0x50: {  	_ =	shalt  }
0x51: {  	_ =	shalt  }
0x52: {  	_ =	shalt  }
0x53: {  	_ =	shalt  }
0x54: {  	_ =	shalt  }
0x55: {  	_ =	shalt  }
0x56: {  	_ =	shalt  }
0x57: {  	_ =	shalt  }
0x58: {  	_ =	shalt  }
0x59: {  	_ =	shalt  }
0x5a: {  	_ =	shalt  }
0x5b: {  	_ =	shalt  }
0x5c: {  	_ =	shalt  }
0x5d: {  	_ =	shalt  }
0x5e: {  	_ =	shalt  }
0x5f: {  	_ =	shalt  }
0x60: {  	_ =	shalt  }
0x61: {  	_ =	shalt  }
0x62: {  	_ =	shalt  }
0x63: {  	_ =	shalt  }
0x64: {  	_ =	shalt  }
0x65: {  	_ =	shalt  }
0x66: {  	_ =	shalt  }
0x67: {  	_ =	shalt  }
0x68: {  	_ =	shalt  }
0x69: {  	_ =	shalt  }
0x6a: {  	_ =	shalt  }
0x6b: {  	_ =	shalt  }
0x6c: {  	_ =	shalt  }
0x6d: {  	_ =	shalt  }
0x6e: {  	_ =	shalt  }
0x6f: {  	_ =	shalt  }
0x70: {  	_ =	shalt  }
0x71: {  	_ =	shalt  }
0x72: {  	_ =	shalt  }
0x73: {  	_ =	shalt  }
0x74: {  	_ =	shalt  }
0x75: {  	_ =	shalt  }
0x76: {  	_ =	shalt  }
0x77: {  	_ =	shalt  }
0x78: {  	_ =	shalt  }
0x79: {  	_ =	shalt  }
0x7a: {  	_ =	shalt  }
0x7b: {  	_ =	shalt  }
0x7c: {  	_ =	shalt  }
0x7d: {  	_ =	shalt  }
0x7e: {  	_ =	shalt  }
0x7f: {  	_ =	shalt  }
0x80: {  	_ =	shalt  }
0x81: {  	_ =	shalt  }
0x82: {  	_ =	shalt  }
0x83: {  	_ =	shalt  }
0x84: {  	_ =	shalt  }
0x85: {  	_ =	shalt  }
0x86: {  	_ =	shalt  }
0x87: {  	_ =	shalt  }
.Lfunc_end0:
.L_simem_size_0:
called_computation_lowered:
.L_overlay_start_0:
0x88: {  	s2 =	sld [smem:$0x3FD9]  }
0x89: {  	s3 =	sld [smem:$0x3FFE];
	_ =	sdelay $0x1  }
0x8a: {  	s1 =	srdreg.scid  }
0x8b: {  	s0 =	sand.u32 $0x1, s1  }
0x8c: {  	s17 =	sshll.u32 s0, $0xA;
	s2 =	sadd.s32 s3, s2  }
0x8d: {  	s2 =	sadd.s32 s2, s17  }
0x8e: {  	[smem:$0x3FC4] =	sst s2  }
0x8f: {  	_ = 	snop  }
0x90: {  	s2 =	sld [smem:$0x3FC9]  }
0x91: {  	s18 =	sld [smem:$0x3FD0];
	(tm) =	ssettm $0x1  }
0x92: {  	s4 =	sld [smem:$0x3FFB];
	_ =	sdelay $0x3  }
0x93: {  	_ =	strace s4  }
0x94: {  	s4 =	sld [smem:$0x3FFC];
	_ =	sdelay $0x3  }
0x95: {  	_ =	strace s4  }
0x96: {  	s4 =	sld [smem:$0x3FFD];
	_ =	sdelay $0x3  }
0x97: {  	_ =	strace s4  }
0x98: {  	_ =	strace $0x8FFFFFFF  }
0x99: {  	s19 =	sld [smem:$0x3FDB];
	_ =	sdelay $0x1  }
0x9a: {  	s5 =	simm.s32 $_scs_section_size  }
0x9b: {  	s6 =	simm.s32 $_size__tile_overlayer_lowered;
	s7 =	simm.s32 $_tile_overlayer_lowered  }
0x9c: {  	s22 =	simm.s32 $0x1BFF;
	s21 =	sshll.u32 s7, $0x1;
	s4 =	sadd.s32 s5, s19  }
0x9d: {  	s8 =	simm.s32 $0x0;
	s20 =	sshll.u32 s6, $0x1;
	s6 =	sadd.s32 s21, s4  }
0x9e: {  	[timem:s8], [sflag:s22] =	dma.local [hbm:s6], s20  }
0x9f: {  	_ =	swait.ge [sflag:s22], s20  }
0xa0: {  	s5 =	ssub.s32 $0x0, s20;
	[sflag:s22] =	ssyncset.done $0x0  }
0xa1: {  	[sflag:s22] =	ssyncadd.s32 s5;
	_ =	sdelay $0x1  }
0xa2: {  	s23 =	simm.s32 $0x1B8B  }
0xa3: {  	_ =	swait.ge [sflag:s23], $0x1  }
0xa4: {  	[sflag:s23] =	ssyncset.done $0x0  }
0xa5: {  	s25 =	simm.s32 $0x1B8E;
	s24 =	sld [smem:$0x3FFE];
	[sflag:s23] =	ssyncadd.s32 $0xFFFFFFFF  }
0xa6: {  	s26 =	simm.s32 $execute0_lowered;
	[smem:$0x3FD2] =	sst s25  }
0xa7: {  	s6 =	sshll.u32 s26, $0x1;
	_ =	strace $0x80000046;
	[dreg:$0x1] =	wrdreg $0xFFFFFFFF  }
0xa8: {  	s28 =	simm.s32 $_size_execute0_lowered;
	s4 =	sadd.s32 s4, s6;
	[dreg:$0x0] =	wrdreg $0x0  }
0xa9: {  	s6 =	sshll.u32 s28, $0x1;
	[dreg:$0x2] =	wrdreg s4  }
0xaa: {  	[dreg:$0x3] =	wrdreg s6  }
0xab: {  	[dreg:$0x4] =	wrdreg $0xC0  }
0xac: {  	_ =	task [dreg:s8], $0x5FFFF  }
0xad: {  	[dreg:$0x1] =	wrdreg $0xFFFFFFFF  }
0xae: {  	[dreg:$0x0] =	wrdreg $0x60  }
0xaf: {  	[dreg:$0x2] =	wrdreg s2  }
0xb0: {  	[dreg:$0x3] =	wrdreg s24  }
0xb1: {  	[dreg:$0x4] =	wrdreg s18  }
0xb2: {  	[dreg:$0x5] =	wrdreg $0x9  }
0xb3: {  	_ =	task.clear_ibuf [dreg:s8], $0x6FFFF;
	_ =	strace $0x90000046  }
0xb4: {  	s29 =	simm.s32 $0x9;
	_ =	strace $0x80000048  }
0xb5: {  	_ =	swait.ge [sflag:s29], $0x1  }
0xb6: {  	[sflag:s29] =	ssyncadd.s32 $0xFFFFFFFF  }
0xb7: {  	_ =	strace $0x90000048  }
0xb8: {  	_ =	sfence  }
0xb9: {  	s30 =	sld [smem:$0x0];
	_ =	sdelay $0x2  }
0xba: {  	s31 =	sshll.u32 s1, $0xD;
	s1 =	sshrl.u32 s1, $0x2  }
0xbb: {  	s3 =	sand.u32 $0x4000, s31;
	s1 =	sadd.s32 s1, s30  }
0xbc: {  	s0 =	sor.u32 s3, s0;
	s1 =	sshll.u32 s1, $0x11  }
0xbd: {  	s0 =	sor.u32 s1, s0  }
0xbe: {  	s0 =	sadd.s32 $0x8F2B, s0  }
0xbf: {  	[sflag:s0] =	ssyncadd.remote.s32 $0x1  }
0xc0: {  	_ =	sfence.sel $0xFFFF  }
0xc1: {  	[dreg:$0x0] =	wrdreg $0xFFFFFFFF;
	(pc) =	sbr.abs _section_cstart, $3  }
0xc2: {  	[dreg:$0x1] =	wrdreg $0xFFFFFFFF  }
0xc3: {  	_ =	task.clear_ibuf [dreg:s8], $0x2FFFF;
	_ =	strace $0x9FFFFFFF  }
0xc4: {  	(tm) =	ssettm $0x7FFFFFFF  }
0xc5: {  	_ =	shalt  }
tec
execute0_lowered:
.L_overlay_start_1:
0x0: {  	(tag) =	ssettag $0x1  }
0x1: {  	s0 =	rddreg [dreg:$0x0]  }
0x2: {  	s1 =	rddreg [dreg:$0x1]  }
0x3: {  	s4 =	rddreg [dreg:$0x2];
	s2 =	simm.s32 $0x0;
	s3 =	srdreg.scid  }
0x4: {  	s6 =	stileid.u32;
	[smem:$0x7FF] =	sst s2  }
0x5: {  	s5 =	sand.u32 $0x1, s3;
	s3 =	sadd.s32 $0x800, s1;
	s6 =	sshll.u32 s6, $0x7  }
0x6: {  	s8 =	sadd.s32 $0x600, s1;
	s1 =	sadd.s32 $0x400, s1;
	s7 =	sshll.u32 s5, $0x6  }
0x7: {  	_ =	strace $0x80000047;
	[dreg:$0x4] =	wrdreg s8;
	s7 =	sor.u32 s7, s6  }
0x8: {  	[dreg:$0x5] =	wrdreg s1;
	s0 =	sadd.s32 s0, s7  }
0x9: {  	s13 =	simm.s32 $0x2;
	s4 =	sadd.s32 s4, s7;
	[dreg:$0x7] =	wrdreg s0  }
0xa: {  	s15 =	simm.s32 $0x11200;
	s26 =	sadd.s32 $0x800, s4;
	[dreg:$0x6] =	wrdreg s4  }
0xb: {  	s24 =	ssub.s32 $0x2, s5;
	s28 =	sadd.s32 $0x1000, s4;
	[dreg:$0x8] =	wrdreg s26  }
0xc: {  	v0 =	vlaneseq.u32;
	s25 =	sshrl.u32 s24, $0x1;
	s29 =	sadd.s32 $0x1800, s4;
	[dreg:$0x9] =	wrdreg s28  }
0xd: {  	v0 =	vmul.u32 $0x80, v0;
	s1 =	ssub.s32 s24, s25;
	s30 =	sadd.s32 $0x2000, s4;
	[dreg:$0xa] =	wrdreg s29  }
0xe: {  	s16 =	simm.s32 $0x1;
	s31 =	smax.u32 s1, $0x1;
	[dreg:$0xb] =	wrdreg s30  }
0xf: {  	s17 =	simm.s32 $0x200;
	[tilespmem:$0x1FFF0] =	vst v0;
	s1 =	simm.s32 $0x0;
	[dreg:$0xc] =	wrdreg s31  }
.LBB2_1:
0x10: {  	[dreg:$0xd] =	wrdreg s1  }
0x11: {  	s0 =	rddreg [dreg:$0x7]  }
0x12: {  	[tilespmem:s2], [sflag:$0x2] =	stream.linear.gather [hbm4b:s0+s2], $0x200, $0x38;
	[tilespmem:$0x11C80] =	vst v63  }
0x13: {  	_ =	swait.ge [sflag:s13], $0x200  }
0x14: {  	[sflag:s13] =	ssyncset.done $0x0  }
0x15: {  	s30 =	simm.s32 $0x10200;
	s29 =	rddreg [dreg:$0x4];
	[sflag:s13] =	ssyncadd.s32 $0xFFFFFE00  }
0x16: {  	[tilespmem:s30], [sflag:$0x2] =	stream.linear.gather [hbm4b:s29+s2], $0x1000, $0x38;
	[tilespmem:$0x11C80] =	vst v63  }
0x17: {  	_ =	swait.ge [sflag:s13], $0x1000  }
0x18: {  	[sflag:s13] =	ssyncset.done $0x0  }
0x19: {  	s31 =	rddreg [dreg:$0x5];
	[sflag:s13] =	ssyncadd.s32 $0xFFFFF000  }
0x1a: {  	[tilespmem:s15], [sflag:$0x2] =	stream.linear.gather [hbm4b:s31+s2], $0x80, $0x38;
	[tilespmem:$0x11C80] =	vst v63  }
0x1b: {  	_ =	swait.ge [sflag:s13], $0x80  }
0x1c: {  	s1 =	simm.s32 $0x200;
	[sflag:s13] =	ssyncset.done $0x0  }
0x1d: {  	s14 =	simm.s32 $0x0;
	s0 =	simm.s32 $0x0;
	[sflag:s13] =	ssyncadd.s32 $0xFFFFFF80  }
.LBB2_2:
0x1e: {  	v1 =	vld [tilespmem:s0+$0x0];
	_ =	sdelay $0x4  }
0x1f: {  	v1 =	vshll.u32 v1, $0x4  }
0x20: {  	(v2sf) =	vpush v1, $0x4;
	_ =	sdelay $0x1  }
0x21: {  	(v2sf) =	vpush v1, $0x1  }
0x22: {  	(v2sf) =	vpush v1, $0x0  }
0x23: {  	(v2sf) =	vpush v1, $0x3  }
0x24: {  	(v2sf) =	vpush v1, $0x2;
	_ =	sdelay $0x3  }
0x25: {  	(v2sf) =	vpush v1, $0x5;
	_ =	sdelay $0x1  }
0x26: {  	(v2sf) =	vpush v1, $0x6;
	_ =	sdelay $0x1  }
0x27: {  	(v2sf) =	vpush v1, $0x7  }
0x28: {  	s24 =	sadd.s32 $0x0, s1  }
0x29: {  	s18 =	simm.s32 $0x2000;
	s19 =	sadd.s32 $0x10, s0;
	s21 =	spop (v2sf);
	(v2sf) =	vpush v1, $0x8  }
0x2a: {  	s4 =	sadd.s32 $0x80, s24;
	s20 =	sadd.s32 $0x100, s24;
	s26 =	sadd.s32 $0x600, s24  }
0x2b: {  	s25 =	sadd.s32 $0x680, s24;
	s28 =	sadd.s32 $0x400, s24;
	s22 =	spop (v2sf);
	(v2sf) =	vpush v1, $0x9  }
0x2c: {  	s30 =	sadd.s32 $0x380, s24;
	s11 =	sadd.s32 $0x180, s24;
	s29 =	spop (v2sf)  }
0x2d: {  	s6 =	sadd.s32 $0x300, s24;
	s29 =	sand.u32 $0x1FFFFFF0, s29;
	s31 =	spop (v2sf)  }
0x2e: {  	s22 =	sand.u32 $0x1FFFFFF0, s22;
	(v2sf) =	vpush v1, $0xA;
	s29 =	sadd.s32 s3, s29;
	s5 =	spop (v2sf)  }
0x2f: {  	[tilespmem:s24], [sflag:$0x1] =	stream.linear.gather [hbm4b:s29+s2], $0x80, $0x38;
	[tilespmem:$0x11C80] =	vst v63  }
0x30: {  	s21 =	sand.u32 $0x1FFFFFF0, s21;
	s22 =	sadd.s32 s3, s22;
	(v2sf) =	vpush v1, $0xB;
	s5 =	sand.u32 $0x1FFFFFF0, s5  }
0x31: {  	[tilespmem:s4], [sflag:$0x1] =	stream.linear.gather [hbm4b:s22+s2], $0x80, $0x38;
	[tilespmem:$0x11C80] =	vst v63  }
0x32: {  	s31 =	sand.u32 $0x1FFFFFF0, s31;
	s7 =	spop (v2sf);
	s8 =	sadd.s32 s3, s5  }
0x33: {  	[tilespmem:s20], [sflag:$0x1] =	stream.linear.gather [hbm4b:s8+s2], $0x80, $0x38;
	[tilespmem:$0x11C80] =	vst v63  }
0x34: {  	s21 =	sadd.s32 s3, s21;
	(v2sf) =	vpush v1, $0xC;
	s12 =	sadd.s32 s3, s31;
	s10 =	spop (v2sf)  }
0x35: {  	[tilespmem:s11], [sflag:$0x1] =	stream.linear.gather [hbm4b:s12+s2], $0x80, $0x38;
	[tilespmem:$0x11C80] =	vst v63  }
0x36: {  	(v2sf) =	vpush v1, $0xD;
	s9 =	sand.u32 $0x1FFFFFF0, s7;
	s23 =	spop (v2sf);
	s20 =	sadd.s32 $0x200, s24  }
0x37: {  	[tilespmem:s20], [sflag:$0x1] =	stream.linear.gather [hbm4b:s21+s2], $0x80, $0x38;
	[tilespmem:$0x11C80] =	vst v63  }
0x38: {  	s29 =	sadd.s32 $0x280, s24;
	s5 =	sadd.s32 s3, s9;
	s8 =	spop (v2sf);
	(v2sf) =	vpush v1, $0xE  }
0x39: {  	[tilespmem:s29], [sflag:$0x1] =	stream.linear.gather [hbm4b:s5+s2], $0x80, $0x38;
	[tilespmem:$0x11C80] =	vst v63  }
0x3a: {  	s22 =	sand.u32 $0x1FFFFFF0, s10;
	s31 =	sand.u32 $0x1FFFFFF0, s23;
	s11 =	spop (v2sf);
	(v2sf) =	vpush v1, $0xF  }
0x3b: {  	s7 =	sadd.s32 s3, s22;
	s23 =	sadd.s32 $0x480, s24;
	s10 =	sand.u32 $0x1FFFFFF0, s8  }
0x3c: {  	[tilespmem:s6], [sflag:$0x1] =	stream.linear.gather [hbm4b:s7+s2], $0x80, $0x38;
	[tilespmem:$0x11C80] =	vst v63  }
0x3d: {  	s9 =	sadd.s32 s3, s31;
	s12 =	sadd.s32 s3, s10;
	s22 =	spop (v2sf)  }
0x3e: {  	[tilespmem:s30], [sflag:$0x1] =	stream.linear.gather [hbm4b:s9+s2], $0x80, $0x38;
	[tilespmem:$0x11C80] =	vst v63  }
0x3f: {  	s21 =	sand.u32 $0x1FFFFFF0, s11;
	s20 =	sand.u32 $0x1FFFFFF0, s22;
	s29 =	spop (v2sf)  }
0x40: {  	[tilespmem:s28], [sflag:$0x1] =	stream.linear.gather [hbm4b:s12+s2], $0x80, $0x38;
	[tilespmem:$0x11C80] =	vst v63  }
0x41: {  	s5 =	sadd.s32 s3, s21;
	s20 =	sadd.s32 s3, s20;
	s30 =	sand.u32 $0x1FFFFFF0, s29  }
0x42: {  	[tilespmem:s23], [sflag:$0x1] =	stream.linear.gather [hbm4b:s5+s2], $0x80, $0x38;
	[tilespmem:$0x11C80] =	vst v63  }
0x43: {  	s31 =	spop (v2sf);
	s22 =	sadd.s32 s3, s30;
	s28 =	sadd.s32 $0x500, s24  }
0x44: {  	[tilespmem:s28], [sflag:$0x1] =	stream.linear.gather [hbm4b:s20+s2], $0x80, $0x38;
	[tilespmem:$0x11C80] =	vst v63  }
0x45: {  	s4 =	sand.u32 $0x1FFFFFF0, s31;
	s21 =	spop (v2sf);
	s20 =	sadd.s32 $0x580, s24  }
.LBB2_3:
0x46: {  	[tilespmem:s20], [sflag:$0x1] =	stream.linear.gather [hbm4b:s22+s2], $0x80, $0x38;
	[tilespmem:$0x11C80] =	vst v63  }
0x47: {  	s4 =	sadd.s32 s3, s4;
	s5 =	sand.u32 $0x1FFFFFF0, s21;
	s20 =	spop (v2sf)  }
0x48: {  	[tilespmem:s26], [sflag:$0x1] =	stream.linear.gather [hbm4b:s4+s2], $0x80, $0x38;
	[tilespmem:$0x11C80] =	vst v63  }
0x49: {  	s4 =	sadd.s32 s3, s5;
	s5 =	sand.u32 $0x1FFFFFF0, s20;
	s20 =	spop (v2sf)  }
0x4a: {  	[tilespmem:s25], [sflag:$0x1] =	stream.linear.gather [hbm4b:s4+s2], $0x80, $0x38;
	[tilespmem:$0x11C80] =	vst v63  }
0x4b: {  	s5 =	sadd.s32 s3, s5;
	s4 =	sadd.s32 $0x700, s24;
	s20 =	sand.u32 $0x1FFFFFF0, s20  }
0x4c: {  	[tilespmem:s4], [sflag:$0x1] =	stream.linear.gather [hbm4b:s5+s2], $0x80, $0x38;
	[tilespmem:$0x11C80] =	vst v63  }
0x4d: {  	p0 =	sne.s32 s18, $0x6000;
	s4 =	sadd.s32 $0x780, s24;
	s5 =	sadd.s32 s3, s20  }
0x4e: {  	[tilespmem:s4], [sflag:$0x1] =	stream.linear.gather [hbm4b:s5+s2], $0x80, $0x38;
	[tilespmem:$0x11C80] =	vst v63  }
0x4f: {  	s4 =	smov.u32 s18;
	s18 =	sadd.s32 $0x2000, s18;
	v1 =	vld [tilespmem:s19+$0x0];
	_ =	sdelay $0x4  }
0x50: {  	v1 =	vshll.u32 v1, $0x4  }
0x51: {  	(v2sf) =	vpush v1, $0x4  }
0x52: {  	(v2sf) =	vpush v1, $0x1  }
0x53: {  	(v2sf) =	vpush v1, $0x0  }
0x54: {  	(v2sf) =	vpush v1, $0x3  }
0x55: {  	(v2sf) =	vpush v1, $0x2;
	_ =	sdelay $0x1  }
0x56: {  	(v2sf) =	vpush v1, $0x5;
	_ =	sdelay $0x1  }
0x57: {  	(v2sf) =	vpush v1, $0x6;
	_ =	sdelay $0x1  }
0x58: {  	s4 =	sshra.s32 s4, $0x2;
	_ =	sdelay $0x1  }
0x59: {  	s24 =	sadd.s32 s4, s1;
	(v2sf) =	vpush v1, $0x7  }
0x5a: {  	s19 =	sadd.s32 $0x10, s19;
	s4 =	sadd.s32 $0x80, s24  }
0x5b: {  	s5 =	sadd.s32 $0x100, s24;
	s26 =	sadd.s32 $0x600, s24;
	s25 =	sadd.s32 $0x680, s24  }
0x5c: {  	s21 =	sadd.s32 $0x500, s24;
	s20 =	sadd.s32 $0x580, s24;
	s22 =	spop (v2sf)  }
0x5d: {  	s29 =	sand.u32 $0x1FFFFFF0, s22;
	s22 =	sadd.s32 $0x480, s24;
	s28 =	spop (v2sf);
	(v2sf) =	vpush v1, $0x8  }
0x5e: {  	s30 =	sand.u32 $0x1FFFFFF0, s28;
	s28 =	sadd.s32 $0x400, s24;
	s31 =	spop (v2sf)  }
0x5f: {  	s7 =	sadd.s32 $0x380, s24;
	s31 =	sand.u32 $0x1FFFFFF0, s31;
	s8 =	spop (v2sf);
	(v2sf) =	vpush v1, $0x9  }
0x60: {  	s31 =	sadd.s32 s3, s31;
	s8 =	sand.u32 $0x1FFFFFF0, s8;
	s9 =	spop (v2sf)  }
0x61: {  	[tilespmem:s24], [sflag:$0x1] =	stream.linear.gather [hbm4b:s31+s2], $0x80, $0x38;
	(v2sf) =	vpush v1, $0xA;
	[tilespmem:$0x11C80] =	vst v63  }
0x62: {  	s30 =	sadd.s32 s3, s30;
	s9 =	sand.u32 $0x1FFFFFF0, s9;
	s31 =	spop (v2sf)  }
0x63: {  	[tilespmem:s4], [sflag:$0x1] =	stream.linear.gather [hbm4b:s30+s2], $0x80, $0x38;
	(v2sf) =	vpush v1, $0xB;
	[tilespmem:$0x11C80] =	vst v63  }
0x64: {  	s4 =	sadd.s32 s3, s9;
	s9 =	sand.u32 $0x1FFFFFF0, s31;
	s30 =	spop (v2sf)  }
0x65: {  	[tilespmem:s5], [sflag:$0x1] =	stream.linear.gather [hbm4b:s4+s2], $0x80, $0x38;
	(v2sf) =	vpush v1, $0xC;
	[tilespmem:$0x11C80] =	vst v63  }
0x66: {  	s4 =	sadd.s32 $0x180, s24;
	s5 =	sadd.s32 s3, s8;
	s8 =	sand.u32 $0x1FFFFFF0, s30  }
0x67: {  	[tilespmem:s4], [sflag:$0x1] =	stream.linear.gather [hbm4b:s5+s2], $0x80, $0x38;
	(v2sf) =	vpush v1, $0xD;
	[tilespmem:$0x11C80] =	vst v63  }
0x68: {  	s4 =	sadd.s32 $0x200, s24;
	s5 =	sadd.s32 s3, s29;
	s29 =	spop (v2sf)  }
0x69: {  	[tilespmem:s4], [sflag:$0x1] =	stream.linear.gather [hbm4b:s5+s2], $0x80, $0x38;
	(v2sf) =	vpush v1, $0xE;
	[tilespmem:$0x11C80] =	vst v63  }
0x6a: {  	s4 =	sadd.s32 $0x280, s24;
	s5 =	sadd.s32 s3, s9;
	s9 =	sand.u32 $0x1FFFFFF0, s29  }
0x6b: {  	[tilespmem:s4], [sflag:$0x1] =	stream.linear.gather [hbm4b:s5+s2], $0x80, $0x38;
	(v2sf) =	vpush v1, $0xF;
	[tilespmem:$0x11C80] =	vst v63  }
0x6c: {  	s4 =	sadd.s32 $0x300, s24;
	s5 =	sadd.s32 s3, s8;
	s8 =	spop (v2sf)  }
0x6d: {  	[tilespmem:s4], [sflag:$0x1] =	stream.linear.gather [hbm4b:s5+s2], $0x80, $0x38;
	[tilespmem:$0x11C80] =	vst v63  }
0x6e: {  	s4 =	sadd.s32 s3, s9;
	s5 =	sand.u32 $0x1FFFFFF0, s8;
	s8 =	spop (v2sf)  }
0x6f: {  	[tilespmem:s7], [sflag:$0x1] =	stream.linear.gather [hbm4b:s4+s2], $0x80, $0x38;
	[tilespmem:$0x11C80] =	vst v63  }
0x70: {  	s4 =	sadd.s32 s3, s5;
	s5 =	sand.u32 $0x1FFFFFF0, s8;
	s7 =	spop (v2sf)  }
0x71: {  	[tilespmem:s28], [sflag:$0x1] =	stream.linear.gather [hbm4b:s4+s2], $0x80, $0x38;
	[tilespmem:$0x11C80] =	vst v63  }
0x72: {  	s4 =	sadd.s32 s3, s5  }
.Ltmp0:
0x73: {  	s5 =	sand.u32 $0x1FFFFFF0, s7;
	s7 =	spop (v2sf);
	(pc) =	sbr.rel @p0 .LBB2_3-.Ltmp0, $4  }
0x74: {  	[tilespmem:s22], [sflag:$0x1] =	stream.linear.gather [hbm4b:s4+s2], $0x80, $0x38;
	[tilespmem:$0x11C80] =	vst v63  }
0x75: {  	s4 =	sadd.s32 s3, s5;
	s5 =	sand.u32 $0x1FFFFFF0, s7;
	s7 =	spop (v2sf)  }
0x76: {  	[tilespmem:s21], [sflag:$0x1] =	stream.linear.gather [hbm4b:s4+s2], $0x80, $0x38;
	[tilespmem:$0x11C80] =	vst v63  }
0x77: {  	s22 =	sadd.s32 s3, s5;
	s4 =	sand.u32 $0x1FFFFFF0, s7;
	s21 =	spop (v2sf)  }
0x78: {  	[tilespmem:s20], [sflag:$0x1] =	stream.linear.gather [hbm4b:s22+s2], $0x80, $0x38;
	[tilespmem:$0x11C80] =	vst v63  }
0x79: {  	s4 =	sadd.s32 s3, s4  }
0x7a: {  	s5 =	sand.u32 $0x1FFFFFF0, s21;
	s7 =	spop (v2sf);
	s14 =	sadd.s32 $0x1, s14  }
0x7b: {  	[tilespmem:s26], [sflag:$0x1] =	stream.linear.gather [hbm4b:s4+s2], $0x80, $0x38;
	[tilespmem:$0x11C80] =	vst v63  }
0x7c: {  	s29 =	sadd.s32 $0x700, s24;
	s23 =	sadd.s32 s3, s5;
	p0 =	sne.s32 s14, $0x4  }
0x7d: {  	[tilespmem:s25], [sflag:$0x1] =	stream.linear.gather [hbm4b:s23+s2], $0x80, $0x38;
	[tilespmem:$0x11C80] =	vst v63  }
.Ltmp1:
0x7e: {  	s26 =	sand.u32 $0x1FFFFFF0, s7;
	s28 =	spop (v2sf);
	(pc) =	sbr.rel @p0 .LBB2_2-.Ltmp1, $4  }
0x7f: {  	s30 =	sadd.s32 $0x780, s24;
	s5 =	sadd.s32 s3, s26;
	s7 =	sand.u32 $0x1FFFFFF0, s28  }
0x80: {  	[tilespmem:s29], [sflag:$0x1] =	stream.linear.gather [hbm4b:s5+s2], $0x80, $0x38;
	[tilespmem:$0x11C80] =	vst v63  }
0x81: {  	s1 =	sadd.s32 $0x2000, s1;
	s0 =	sadd.s32 $0x40, s0;
	s31 =	sadd.s32 s3, s7  }
0x82: {  	[tilespmem:s30], [sflag:$0x1] =	stream.linear.gather [hbm4b:s31+s2], $0x80, $0x38;
	[tilespmem:$0x11C80] =	vst v63  }
0x83: {  	s24 =	simm.s32 $0x0  }
0x84: {  	s25 =	simm.s32 $0x200;
	s26 =	simm.s32 $0x100;
	s28 =	simm.s32 $0x140  }
.LBB2_6:
0x85: {  	_ =	swait.ge [sflag:s16], $0x80  }
0x86: {  	s0 =	simm.s32 $0x3F;
	[sflag:s16] =	ssyncset.done $0x0  }
.LBB2_7:
0x87: {  	p0 =	sne.s32 s0, $0x1;
	s0 =	sadd.s32 $0xFFFFFFFF, s0;
	[sflag:s16] =	ssyncadd.s32 $0xFFFFFF80  }
.Ltmp2:
0x88: {  	(pc) =	sbr.rel @p0 .LBB2_7-.Ltmp2, $3  }
0x89: {  	_ =	sdelay $0x1  }
0x8a: {  	_ =	swait.ge [sflag:s16], $0x80  }
0x8b: {  	[sflag:s16] =	ssyncset.done $0x0  }
0x8c: {  	[sflag:s16] =	ssyncadd.s32 $0xFFFFFF80  }
0x8d: {  	_ =	swait.ge [sflag:s16], $0x80  }
0x8e: {  	s0 =	simm.s32 $0x3F;
	[sflag:s16] =	ssyncset.done $0x0  }
.LBB2_9:
0x8f: {  	p0 =	sne.s32 s0, $0x1;
	s0 =	sadd.s32 $0xFFFFFFFF, s0;
	[sflag:s16] =	ssyncadd.s32 $0xFFFFFF80  }
.Ltmp3:
0x90: {  	(pc) =	sbr.rel @p0 .LBB2_9-.Ltmp3, $3  }
0x91: {  	_ =	sdelay $0x1  }
0x92: {  	_ =	swait.ge [sflag:s16], $0x80  }
0x93: {  	[sflag:s16] =	ssyncset.done $0x0  }
0x94: {  	p0 =	sgt.u32 s24, $0x1  }
.Ltmp4:
0x95: {  	_ = 	snop;
	(pc) =	sbr.rel @p0 .LBB2_16-.Ltmp4, $2  }
0x96: {  	_ =	sdelay $0x2  }
0x97: {  	[sflag:s16] =	ssyncadd.s32 $0xFFFFFF80;
	s30 =	simm.s32 $0x0  }
0x98: {  	v1 =	vld [tilespmem:s26+$0x0];
	_ =	sdelay $0x4  }
0x99: {  	v2 =	vshll.u32 v1, $0x4  }
0x9a: {  	(v2sf) =	vpush v2, $0x0  }
0x9b: {  	(v2sf) =	vpush v2, $0x2  }
0x9c: {  	(v2sf) =	vpush v2, $0x1;
	_ =	sdelay $0x1  }
0x9d: {  	(v2sf) =	vpush v2, $0x3  }
0x9e: {  	s0 =	simm.s32 $0x2000;
	s14 =	simm.s32 $0x0;
	s1 =	smov.u32 s26;
	(v2sf) =	vpush v2, $0x4  }
.LBB2_12:
0x9f: {  	_ =	sdelay $0x2  }
0xa0: {  	p0 =	sne.s32 s0, $0x6000;
	s4 =	sshra.s32 s14, $0x2;
	s1 =	sadd.s32 $0x10, s1;
	(v2sf) =	vpush v2, $0x5  }
0xa1: {  	s14 =	smov.u32 s0;
	s0 =	sadd.s32 $0x2000, s0;
	s18 =	sadd.s32 s4, s25  }
0xa2: {  	s5 =	sadd.s32 $0x8080, s18;
	(v2sf) =	vpush v2, $0x6  }
0xa3: {  	s7 =	sadd.s32 $0x8000, s18  }
0xa4: {  	s21 =	sadd.s32 $0x8580, s18;
	s20 =	sadd.s32 $0x8600, s18;
	s19 =	sadd.s32 $0x8680, s18;
	(v2sf) =	vpush v2, $0x7  }
0xa5: {  	s31 =	sadd.s32 $0x8400, s18;
	s29 =	sadd.s32 $0x8480, s18;
	s22 =	sadd.s32 $0x8500, s18  }
0xa6: {  	s8 =	sadd.s32 $0x8300, s18;
	s4 =	sadd.s32 $0x8380, s18;
	s9 =	spop (v2sf);
	(v2sf) =	vpush v2, $0x8  }
0xa7: {  	s10 =	sadd.s32 $0x8100, s18;
	s9 =	sand.u32 $0x1FFFFFF0, s9;
	s11 =	spop (v2sf)  }
0xa8: {  	s12 =	sadd.s32 $0x8280, s18;
	s9 =	sadd.s32 s3, s9;
	s6 =	spop (v2sf);
	(v2sf) =	vpush v2, $0x9  }
0xa9: {  	[tilespmem:s7], [sflag:$0x1] =	stream.linear.gather [hbm4b:s9+s30], $0x80, $0x38;
	[tilespmem:$0x11C80] =	vst v63  }
0xaa: {  	s6 =	sand.u32 $0x1FFFFFF0, s6;
	s7 =	sand.u32 $0x1FFFFFF0, s11;
	s9 =	spop (v2sf);
	(v2sf) =	vpush v2, $0xA  }
0xab: {  	s11 =	sadd.s32 $0x8200, s18;
	s6 =	sadd.s32 s3, s6;
	s23 =	spop (v2sf)  }
0xac: {  	[tilespmem:s5], [sflag:$0x1] =	stream.linear.gather [hbm4b:s6+s30], $0x80, $0x38;
	(v2sf) =	vpush v2, $0xB;
	[tilespmem:$0x11C80] =	vst v63  }
0xad: {  	s5 =	sadd.s32 s3, s7;
	s6 =	sand.u32 $0x1FFFFFF0, s9;
	s7 =	sand.u32 $0x1FFFFFF0, s23  }
0xae: {  	[tilespmem:s10], [sflag:$0x1] =	stream.linear.gather [hbm4b:s5+s30], $0x80, $0x38;
	(v2sf) =	vpush v2, $0xC;
	[tilespmem:$0x11C80] =	vst v63  }
0xaf: {  	s6 =	sadd.s32 s3, s6;
	s5 =	sadd.s32 $0x8180, s18;
	s9 =	spop (v2sf)  }
0xb0: {  	[tilespmem:s5], [sflag:$0x1] =	stream.linear.gather [hbm4b:s6+s30], $0x80, $0x38;
	(v2sf) =	vpush v2, $0xD;
	[tilespmem:$0x11C80] =	vst v63  }
0xb1: {  	s5 =	sadd.s32 s3, s7;
	s6 =	sand.u32 $0x1FFFFFF0, s9;
	s7 =	spop (v2sf)  }
0xb2: {  	[tilespmem:s11], [sflag:$0x1] =	stream.linear.gather [hbm4b:s5+s30], $0x80, $0x38;
	(v2sf) =	vpush v2, $0xE;
	[tilespmem:$0x11C80] =	vst v63  }
0xb3: {  	s5 =	sadd.s32 s3, s6;
	s6 =	sand.u32 $0x1FFFFFF0, s7;
	s7 =	spop (v2sf)  }
0xb4: {  	[tilespmem:s12], [sflag:$0x1] =	stream.linear.gather [hbm4b:s5+s30], $0x80, $0x38;
	(v2sf) =	vpush v2, $0xF;
	[tilespmem:$0x11C80] =	vst v63  }
0xb5: {  	s5 =	sadd.s32 s3, s6;
	s6 =	sand.u32 $0x1FFFFFF0, s7;
	s7 =	spop (v2sf)  }
0xb6: {  	[tilespmem:s8], [sflag:$0x1] =	stream.linear.gather [hbm4b:s5+s30], $0x80, $0x38;
	[tilespmem:$0x11C80] =	vst v63  }
0xb7: {  	s5 =	sadd.s32 s3, s6;
	s6 =	sand.u32 $0x1FFFFFF0, s7;
	s7 =	spop (v2sf)  }
0xb8: {  	[tilespmem:s4], [sflag:$0x1] =	stream.linear.gather [hbm4b:s5+s30], $0x80, $0x38;
	[tilespmem:$0x11C80] =	vst v63  }
0xb9: {  	s4 =	sadd.s32 s3, s6;
	s5 =	sand.u32 $0x1FFFFFF0, s7;
	s6 =	spop (v2sf)  }
0xba: {  	[tilespmem:s31], [sflag:$0x1] =	stream.linear.gather [hbm4b:s4+s30], $0x80, $0x38;
	[tilespmem:$0x11C80] =	vst v63  }
0xbb: {  	s4 =	sadd.s32 s3, s5;
	s5 =	sand.u32 $0x1FFFFFF0, s6;
	s6 =	spop (v2sf)  }
0xbc: {  	[tilespmem:s29], [sflag:$0x1] =	stream.linear.gather [hbm4b:s4+s30], $0x80, $0x38;
	[tilespmem:$0x11C80] =	vst v63  }
0xbd: {  	s4 =	sadd.s32 s3, s5;
	s5 =	sand.u32 $0x1FFFFFF0, s6;
	s6 =	spop (v2sf)  }
0xbe: {  	[tilespmem:s22], [sflag:$0x1] =	stream.linear.gather [hbm4b:s4+s30], $0x80, $0x38;
	[tilespmem:$0x11C80] =	vst v63  }
0xbf: {  	s4 =	sadd.s32 s3, s5;
	s5 =	sand.u32 $0x1FFFFFF0, s6;
	s6 =	spop (v2sf)  }
0xc0: {  	[tilespmem:s21], [sflag:$0x1] =	stream.linear.gather [hbm4b:s4+s30], $0x80, $0x38;
	[tilespmem:$0x11C80] =	vst v63  }
0xc1: {  	s4 =	sadd.s32 s3, s5;
	s5 =	sand.u32 $0x1FFFFFF0, s6;
	s6 =	spop (v2sf)  }
0xc2: {  	[tilespmem:s20], [sflag:$0x1] =	stream.linear.gather [hbm4b:s4+s30], $0x80, $0x38;
	[tilespmem:$0x11C80] =	vst v63  }
0xc3: {  	s4 =	sadd.s32 s3, s5;
	s5 =	sand.u32 $0x1FFFFFF0, s6;
	s6 =	spop (v2sf)  }
0xc4: {  	[tilespmem:s19], [sflag:$0x1] =	stream.linear.gather [hbm4b:s4+s30], $0x80, $0x38;
	[tilespmem:$0x11C80] =	vst v63  }
0xc5: {  	s5 =	sadd.s32 s3, s5;
	s4 =	sadd.s32 $0x8700, s18;
	s6 =	sand.u32 $0x1FFFFFF0, s6  }
0xc6: {  	[tilespmem:s4], [sflag:$0x1] =	stream.linear.gather [hbm4b:s5+s30], $0x80, $0x38;
	[tilespmem:$0x11C80] =	vst v63  }
0xc7: {  	s4 =	sadd.s32 $0x8780, s18;
	s5 =	sadd.s32 s3, s6  }
0xc8: {  	[tilespmem:s4], [sflag:$0x1] =	stream.linear.gather [hbm4b:s5+s30], $0x80, $0x38;
	[tilespmem:$0x11C80] =	vst v63  }
0xc9: {  	v1 =	vld [tilespmem:s1+$0x0];
	_ =	sdelay $0x4  }
0xca: {  	v2 =	vshll.u32 v1, $0x4  }
0xcb: {  	(v2sf) =	vpush v2, $0x0  }
.Ltmp5:
0xcc: {  	(v2sf) =	vpush v2, $0x2;
	(pc) =	sbr.rel @p0 .LBB2_12-.Ltmp5, $3  }
0xcd: {  	(v2sf) =	vpush v2, $0x1;
	_ =	sdelay $0x1  }
0xce: {  	(v2sf) =	vpush v2, $0x3  }
0xcf: {  	(v2sf) =	vpush v2, $0x4  }
0xd0: {  	_ =	sdelay $0x2  }
0xd1: {  	(v2sf) =	vpush v2, $0x5  }
0xd2: {  	s0 =	sshra.s32 s14, $0x2  }
0xd3: {  	s0 =	sadd.s32 s0, s25;
	(v2sf) =	vpush v2, $0x6  }
0xd4: {  	s4 =	sadd.s32 $0x8080, s0;
	s5 =	sadd.s32 $0x8000, s0  }
0xd5: {  	s18 =	sadd.s32 $0x8580, s0;
	s14 =	sadd.s32 $0x8600, s0;
	s1 =	sadd.s32 $0x8680, s0;
	(v2sf) =	vpush v2, $0x7  }
0xd6: {  	s6 =	sadd.s32 $0x8400, s0;
	s7 =	sadd.s32 $0x8480, s0;
	s8 =	sadd.s32 $0x8500, s0  }
0xd7: {  	s9 =	sadd.s32 $0x8300, s0;
	s10 =	sadd.s32 $0x8380, s0;
	s11 =	spop (v2sf);
	(v2sf) =	vpush v2, $0x8  }
0xd8: {  	s12 =	sadd.s32 $0x8100, s0;
	s11 =	sand.u32 $0x1FFFFFF0, s11;
	s19 =	spop (v2sf)  }
0xd9: {  	s20 =	sadd.s32 $0x8280, s0;
	s11 =	sadd.s32 s3, s11;
	s21 =	spop (v2sf);
	(v2sf) =	vpush v2, $0x9  }
0xda: {  	[tilespmem:s5], [sflag:$0x1] =	stream.linear.gather [hbm4b:s11+s30], $0x80, $0x38;
	[tilespmem:$0x11C80] =	vst v63  }
0xdb: {  	s29 =	sand.u32 $0x1FFFFFF0, s19;
	s23 =	sand.u32 $0x1FFFFFF0, s21;
	s31 =	spop (v2sf);
	(v2sf) =	vpush v2, $0xA  }
0xdc: {  	s21 =	sadd.s32 $0x8200, s0;
	s5 =	sadd.s32 s3, s23;
	s22 =	spop (v2sf)  }
0xdd: {  	[tilespmem:s4], [sflag:$0x1] =	stream.linear.gather [hbm4b:s5+s30], $0x80, $0x38;
	(v2sf) =	vpush v2, $0xB;
	[tilespmem:$0x11C80] =	vst v63  }
0xde: {  	s11 =	sadd.s32 s3, s29;
	s29 =	sadd.s32 $0x8180, s0;
	s19 =	sand.u32 $0x1FFFFFF0, s31  }
0xdf: {  	(v2sf) =	vpush v2, $0xC;
	[tilespmem:s12], [sflag:$0x1] =	stream.linear.gather [hbm4b:s11+s30], $0x80, $0x38;
	[tilespmem:$0x11C80] =	vst v63  }
0xe0: {  	s23 =	sand.u32 $0x1FFFFFF0, s22;
	s5 =	sadd.s32 s3, s19;
	s31 =	spop (v2sf)  }
0xe1: {  	(v2sf) =	vpush v2, $0xD;
	[tilespmem:s29], [sflag:$0x1] =	stream.linear.gather [hbm4b:s5+s30], $0x80, $0x38;
	[tilespmem:$0x11C80] =	vst v63  }
0xe2: {  	s11 =	sand.u32 $0x1FFFFFF0, s31;
	s12 =	spop (v2sf);
	s5 =	sadd.s32 s3, s23  }
0xe3: {  	(v2sf) =	vpush v2, $0xE;
	[tilespmem:s21], [sflag:$0x1] =	stream.linear.gather [hbm4b:s5+s30], $0x80, $0x38;
	[tilespmem:$0x11C80] =	vst v63  }
0xe4: {  	s19 =	sadd.s32 s3, s11;
	s22 =	spop (v2sf);
	s21 =	sand.u32 $0x1FFFFFF0, s12  }
0xe5: {  	(v2sf) =	vpush v2, $0xF;
	[tilespmem:s20], [sflag:$0x1] =	stream.linear.gather [hbm4b:s19+s30], $0x80, $0x38;
	[tilespmem:$0x11C80] =	vst v63  }
0xe6: {  	s29 =	sand.u32 $0x1FFFFFF0, s22;
	s23 =	sadd.s32 s3, s21;
	s31 =	spop (v2sf)  }
0xe7: {  	[tilespmem:s9], [sflag:$0x1] =	stream.linear.gather [hbm4b:s23+s30], $0x80, $0x38;
	[tilespmem:$0x11C80] =	vst v63  }
0xe8: {  	s9 =	sadd.s32 s3, s29;
	s12 =	sand.u32 $0x1FFFFFF0, s31;
	s19 =	spop (v2sf)  }
0xe9: {  	[tilespmem:s10], [sflag:$0x1] =	stream.linear.gather [hbm4b:s9+s30], $0x80, $0x38;
	[tilespmem:$0x11C80] =	vst v63  }
0xea: {  	s20 =	sadd.s32 s3, s12;
	s21 =	sand.u32 $0x1FFFFFF0, s19;
	s22 =	spop (v2sf)  }
0xeb: {  	[tilespmem:s6], [sflag:$0x1] =	stream.linear.gather [hbm4b:s20+s30], $0x80, $0x38;
	[tilespmem:$0x11C80] =	vst v63  }
0xec: {  	s23 =	sadd.s32 s3, s21;
	s29 =	sand.u32 $0x1FFFFFF0, s22;
	s31 =	spop (v2sf)  }
0xed: {  	[tilespmem:s7], [sflag:$0x1] =	stream.linear.gather [hbm4b:s23+s30], $0x80, $0x38;
	[tilespmem:$0x11C80] =	vst v63  }
0xee: {  	s5 =	sadd.s32 s3, s29;
	s6 =	sand.u32 $0x1FFFFFF0, s31;
	s7 =	spop (v2sf)  }
0xef: {  	[tilespmem:s8], [sflag:$0x1] =	stream.linear.gather [hbm4b:s5+s30], $0x80, $0x38;
	[tilespmem:$0x11C80] =	vst v63  }
0xf0: {  	s9 =	sand.u32 $0x1FFFFFF0, s7;
	s10 =	spop (v2sf);
	s8 =	sadd.s32 s3, s6  }
0xf1: {  	[tilespmem:s18], [sflag:$0x1] =	stream.linear.gather [hbm4b:s8+s30], $0x80, $0x38;
	[tilespmem:$0x11C80] =	vst v63  }
0xf2: {  	s11 =	sadd.s32 s3, s9;
	s12 =	sand.u32 $0x1FFFFFF0, s10;
	s18 =	spop (v2sf)  }
0xf3: {  	[tilespmem:s14], [sflag:$0x1] =	stream.linear.gather [hbm4b:s11+s30], $0x80, $0x38;
	[tilespmem:$0x11C80] =	vst v63  }
0xf4: {  	s19 =	sadd.s32 s3, s12;
	s20 =	sand.u32 $0x1FFFFFF0, s18;
	s21 =	spop (v2sf)  }
0xf5: {  	[tilespmem:s1], [sflag:$0x1] =	stream.linear.gather [hbm4b:s19+s30], $0x80, $0x38;
	[tilespmem:$0x11C80] =	vst v63  }
0xf6: {  	s22 =	sadd.s32 $0x8700, s0;
	s23 =	sadd.s32 s3, s20;
	s29 =	sand.u32 $0x1FFFFFF0, s21  }
0xf7: {  	[tilespmem:s22], [sflag:$0x1] =	stream.linear.gather [hbm4b:s23+s30], $0x80, $0x38;
	[tilespmem:$0x11C80] =	vst v63  }
0xf8: {  	s0 =	sadd.s32 $0x8780, s0;
	s31 =	sadd.s32 s3, s29  }
0xf9: {  	[tilespmem:s0], [sflag:$0x1] =	stream.linear.gather [hbm4b:s31+s30], $0x80, $0x38;
	[tilespmem:$0x11C80] =	vst v63  }
0xfa: {  	v1 =	vld [tilespmem:s28+$0x0];
	_ =	sdelay $0x4  }
0xfb: {  	v2 =	vshll.u32 v1, $0x4  }
0xfc: {  	(v2sf) =	vpush v2, $0x0  }
0xfd: {  	(v2sf) =	vpush v2, $0x2  }
0xfe: {  	(v2sf) =	vpush v2, $0x1;
	_ =	sdelay $0x1  }
0xff: {  	(v2sf) =	vpush v2, $0x3  }
0x100: {  	s14 =	simm.s32 $0x0;
	s1 =	smov.u32 s28;
	s0 =	simm.s32 $0x2000;
	(v2sf) =	vpush v2, $0x4  }
.LBB2_14:
0x101: {  	_ =	sdelay $0x2  }
0x102: {  	p0 =	sne.s32 s0, $0x6000;
	s4 =	sshra.s32 s14, $0x2;
	s1 =	sadd.s32 $0x10, s1;
	(v2sf) =	vpush v2, $0x5  }
0x103: {  	s14 =	smov.u32 s0;
	s0 =	sadd.s32 $0x2000, s0;
	s18 =	sadd.s32 s4, s25  }
0x104: {  	s5 =	sadd.s32 $0xA080, s18;
	(v2sf) =	vpush v2, $0x6  }
0x105: {  	s6 =	sadd.s32 $0xA000, s18  }
0x106: {  	s21 =	sadd.s32 $0xA580, s18;
	s20 =	sadd.s32 $0xA600, s18;
	s19 =	sadd.s32 $0xA680, s18;
	(v2sf) =	vpush v2, $0x7  }
0x107: {  	s31 =	sadd.s32 $0xA400, s18;
	s29 =	sadd.s32 $0xA480, s18;
	s22 =	sadd.s32 $0xA500, s18  }
0x108: {  	s7 =	sadd.s32 $0xA300, s18;
	s4 =	sadd.s32 $0xA380, s18;
	s8 =	spop (v2sf);
	(v2sf) =	vpush v2, $0x8  }
0x109: {  	s9 =	sadd.s32 $0xA100, s18;
	s8 =	sand.u32 $0x1FFFFFF0, s8;
	s10 =	spop (v2sf)  }
0x10a: {  	s11 =	sadd.s32 $0xA280, s18;
	s8 =	sadd.s32 s3, s8;
	s12 =	spop (v2sf);
	(v2sf) =	vpush v2, $0x9  }
0x10b: {  	[tilespmem:s6], [sflag:$0x1] =	stream.linear.gather [hbm4b:s8+s2], $0x80, $0x38;
	[tilespmem:$0x11C80] =	vst v63  }
0x10c: {  	s6 =	sand.u32 $0x1FFFFFF0, s12;
	s8 =	sand.u32 $0x1FFFFFF0, s10;
	s10 =	spop (v2sf);
	(v2sf) =	vpush v2, $0xA  }
0x10d: {  	s12 =	sadd.s32 $0xA200, s18;
	s6 =	sadd.s32 s3, s6;
	s23 =	spop (v2sf)  }
0x10e: {  	[tilespmem:s5], [sflag:$0x1] =	stream.linear.gather [hbm4b:s6+s2], $0x80, $0x38;
	(v2sf) =	vpush v2, $0xB;
	[tilespmem:$0x11C80] =	vst v63  }
0x10f: {  	s5 =	sadd.s32 s3, s8;
	s6 =	sand.u32 $0x1FFFFFF0, s10;
	s8 =	sand.u32 $0x1FFFFFF0, s23  }
0x110: {  	[tilespmem:s9], [sflag:$0x1] =	stream.linear.gather [hbm4b:s5+s2], $0x80, $0x38;
	(v2sf) =	vpush v2, $0xC;
	[tilespmem:$0x11C80] =	vst v63  }
0x111: {  	s6 =	sadd.s32 s3, s6;
	s5 =	sadd.s32 $0xA180, s18;
	s9 =	spop (v2sf)  }
0x112: {  	[tilespmem:s5], [sflag:$0x1] =	stream.linear.gather [hbm4b:s6+s2], $0x80, $0x38;
	(v2sf) =	vpush v2, $0xD;
	[tilespmem:$0x11C80] =	vst v63  }
0x113: {  	s5 =	sadd.s32 s3, s8;
	s6 =	sand.u32 $0x1FFFFFF0, s9;
	s8 =	spop (v2sf)  }
0x114: {  	[tilespmem:s12], [sflag:$0x1] =	stream.linear.gather [hbm4b:s5+s2], $0x80, $0x38;
	(v2sf) =	vpush v2, $0xE;
	[tilespmem:$0x11C80] =	vst v63  }
0x115: {  	s5 =	sadd.s32 s3, s6;
	s6 =	sand.u32 $0x1FFFFFF0, s8;
	s8 =	spop (v2sf)  }
0x116: {  	[tilespmem:s11], [sflag:$0x1] =	stream.linear.gather [hbm4b:s5+s2], $0x80, $0x38;
	(v2sf) =	vpush v2, $0xF;
	[tilespmem:$0x11C80] =	vst v63  }
0x117: {  	s5 =	sadd.s32 s3, s6;
	s6 =	sand.u32 $0x1FFFFFF0, s8;
	s8 =	spop (v2sf)  }
0x118: {  	[tilespmem:s7], [sflag:$0x1] =	stream.linear.gather [hbm4b:s5+s2], $0x80, $0x38;
	[tilespmem:$0x11C80] =	vst v63  }
0x119: {  	s5 =	sadd.s32 s3, s6;
	s6 =	sand.u32 $0x1FFFFFF0, s8;
	s7 =	spop (v2sf)  }
0x11a: {  	[tilespmem:s4], [sflag:$0x1] =	stream.linear.gather [hbm4b:s5+s2], $0x80, $0x38;
	[tilespmem:$0x11C80] =	vst v63  }
0x11b: {  	s4 =	sadd.s32 s3, s6;
	s5 =	sand.u32 $0x1FFFFFF0, s7;
	s6 =	spop (v2sf)  }
0x11c: {  	[tilespmem:s31], [sflag:$0x1] =	stream.linear.gather [hbm4b:s4+s2], $0x80, $0x38;
	[tilespmem:$0x11C80] =	vst v63  }
0x11d: {  	s4 =	sadd.s32 s3, s5;
	s5 =	sand.u32 $0x1FFFFFF0, s6;
	s6 =	spop (v2sf)  }
0x11e: {  	[tilespmem:s29], [sflag:$0x1] =	stream.linear.gather [hbm4b:s4+s2], $0x80, $0x38;
	[tilespmem:$0x11C80] =	vst v63  }
0x11f: {  	s4 =	sadd.s32 s3, s5;
	s5 =	sand.u32 $0x1FFFFFF0, s6;
	s6 =	spop (v2sf)  }
0x120: {  	[tilespmem:s22], [sflag:$0x1] =	stream.linear.gather [hbm4b:s4+s2], $0x80, $0x38;
	[tilespmem:$0x11C80] =	vst v63  }
0x121: {  	s4 =	sadd.s32 s3, s5;
	s5 =	sand.u32 $0x1FFFFFF0, s6;
	s6 =	spop (v2sf)  }
0x122: {  	[tilespmem:s21], [sflag:$0x1] =	stream.linear.gather [hbm4b:s4+s2], $0x80, $0x38;
	[tilespmem:$0x11C80] =	vst v63  }
0x123: {  	s4 =	sadd.s32 s3, s5;
	s5 =	sand.u32 $0x1FFFFFF0, s6;
	s6 =	spop (v2sf)  }
0x124: {  	[tilespmem:s20], [sflag:$0x1] =	stream.linear.gather [hbm4b:s4+s2], $0x80, $0x38;
	[tilespmem:$0x11C80] =	vst v63  }
0x125: {  	s4 =	sadd.s32 s3, s5;
	s5 =	sand.u32 $0x1FFFFFF0, s6;
	s6 =	spop (v2sf)  }
0x126: {  	[tilespmem:s19], [sflag:$0x1] =	stream.linear.gather [hbm4b:s4+s2], $0x80, $0x38;
	[tilespmem:$0x11C80] =	vst v63  }
0x127: {  	s5 =	sadd.s32 s3, s5;
	s4 =	sadd.s32 $0xA700, s18;
	s6 =	sand.u32 $0x1FFFFFF0, s6  }
0x128: {  	[tilespmem:s4], [sflag:$0x1] =	stream.linear.gather [hbm4b:s5+s2], $0x80, $0x38;
	[tilespmem:$0x11C80] =	vst v63  }
0x129: {  	s4 =	sadd.s32 $0xA780, s18;
	s5 =	sadd.s32 s3, s6  }
0x12a: {  	[tilespmem:s4], [sflag:$0x1] =	stream.linear.gather [hbm4b:s5+s2], $0x80, $0x38;
	[tilespmem:$0x11C80] =	vst v63  }
0x12b: {  	v1 =	vld [tilespmem:s1+$0x0];
	_ =	sdelay $0x4  }
0x12c: {  	v2 =	vshll.u32 v1, $0x4  }
0x12d: {  	(v2sf) =	vpush v2, $0x0  }
.Ltmp6:
0x12e: {  	(v2sf) =	vpush v2, $0x2;
	(pc) =	sbr.rel @p0 .LBB2_14-.Ltmp6, $3  }
0x12f: {  	(v2sf) =	vpush v2, $0x1;
	_ =	sdelay $0x1  }
0x130: {  	(v2sf) =	vpush v2, $0x3  }
0x131: {  	(v2sf) =	vpush v2, $0x4  }
0x132: {  	_ =	sdelay $0x2  }
0x133: {  	(v2sf) =	vpush v2, $0x5  }
0x134: {  	s0 =	sshra.s32 s14, $0x2  }
0x135: {  	s0 =	sadd.s32 s0, s25;
	(v2sf) =	vpush v2, $0x6  }
0x136: {  	s4 =	sadd.s32 $0xA080, s0;
	s5 =	sadd.s32 $0xA000, s0  }
0x137: {  	s18 =	sadd.s32 $0xA580, s0;
	s14 =	sadd.s32 $0xA600, s0;
	s1 =	sadd.s32 $0xA680, s0;
	(v2sf) =	vpush v2, $0x7  }
0x138: {  	s6 =	sadd.s32 $0xA400, s0;
	s7 =	sadd.s32 $0xA480, s0;
	s8 =	sadd.s32 $0xA500, s0  }
0x139: {  	s9 =	sadd.s32 $0xA300, s0;
	s10 =	sadd.s32 $0xA380, s0;
	s11 =	spop (v2sf);
	(v2sf) =	vpush v2, $0x8  }
0x13a: {  	s12 =	sadd.s32 $0xA100, s0;
	s11 =	sand.u32 $0x1FFFFFF0, s11;
	s19 =	spop (v2sf)  }
0x13b: {  	s20 =	sadd.s32 $0xA280, s0;
	s11 =	sadd.s32 s3, s11;
	s21 =	spop (v2sf);
	(v2sf) =	vpush v2, $0x9  }
0x13c: {  	[tilespmem:s5], [sflag:$0x1] =	stream.linear.gather [hbm4b:s11+s2], $0x80, $0x38;
	[tilespmem:$0x11C80] =	vst v63  }
0x13d: {  	s29 =	sand.u32 $0x1FFFFFF0, s19;
	s23 =	sand.u32 $0x1FFFFFF0, s21;
	s31 =	spop (v2sf);
	(v2sf) =	vpush v2, $0xA  }
0x13e: {  	s21 =	sadd.s32 $0xA200, s0;
	s5 =	sadd.s32 s3, s23;
	s22 =	spop (v2sf)  }
0x13f: {  	[tilespmem:s4], [sflag:$0x1] =	stream.linear.gather [hbm4b:s5+s2], $0x80, $0x38;
	(v2sf) =	vpush v2, $0xB;
	[tilespmem:$0x11C80] =	vst v63  }
0x140: {  	s11 =	sadd.s32 s3, s29;
	s29 =	sadd.s32 $0xA180, s0;
	s19 =	sand.u32 $0x1FFFFFF0, s31  }
0x141: {  	(v2sf) =	vpush v2, $0xC;
	[tilespmem:s12], [sflag:$0x1] =	stream.linear.gather [hbm4b:s11+s2], $0x80, $0x38;
	[tilespmem:$0x11C80] =	vst v63  }
0x142: {  	s23 =	sand.u32 $0x1FFFFFF0, s22;
	s5 =	sadd.s32 s3, s19;
	s31 =	spop (v2sf)  }
0x143: {  	(v2sf) =	vpush v2, $0xD;
	[tilespmem:s29], [sflag:$0x1] =	stream.linear.gather [hbm4b:s5+s2], $0x80, $0x38;
	[tilespmem:$0x11C80] =	vst v63  }
0x144: {  	s11 =	sand.u32 $0x1FFFFFF0, s31;
	s12 =	spop (v2sf);
	s5 =	sadd.s32 s3, s23  }
0x145: {  	(v2sf) =	vpush v2, $0xE;
	[tilespmem:s21], [sflag:$0x1] =	stream.linear.gather [hbm4b:s5+s2], $0x80, $0x38;
	[tilespmem:$0x11C80] =	vst v63  }
0x146: {  	s19 =	sadd.s32 s3, s11;
	s22 =	spop (v2sf);
	s21 =	sand.u32 $0x1FFFFFF0, s12  }
0x147: {  	(v2sf) =	vpush v2, $0xF;
	[tilespmem:s20], [sflag:$0x1] =	stream.linear.gather [hbm4b:s19+s2], $0x80, $0x38;
	[tilespmem:$0x11C80] =	vst v63  }
0x148: {  	s29 =	sand.u32 $0x1FFFFFF0, s22;
	s23 =	sadd.s32 s3, s21;
	s31 =	spop (v2sf)  }
0x149: {  	[tilespmem:s9], [sflag:$0x1] =	stream.linear.gather [hbm4b:s23+s2], $0x80, $0x38;
	[tilespmem:$0x11C80] =	vst v63  }
0x14a: {  	s9 =	sadd.s32 s3, s29;
	s12 =	sand.u32 $0x1FFFFFF0, s31;
	s19 =	spop (v2sf)  }
0x14b: {  	[tilespmem:s10], [sflag:$0x1] =	stream.linear.gather [hbm4b:s9+s2], $0x80, $0x38;
	[tilespmem:$0x11C80] =	vst v63  }
0x14c: {  	s20 =	sadd.s32 s3, s12;
	s21 =	sand.u32 $0x1FFFFFF0, s19;
	s22 =	spop (v2sf)  }
0x14d: {  	[tilespmem:s6], [sflag:$0x1] =	stream.linear.gather [hbm4b:s20+s2], $0x80, $0x38;
	[tilespmem:$0x11C80] =	vst v63  }
0x14e: {  	s23 =	sadd.s32 s3, s21;
	s29 =	sand.u32 $0x1FFFFFF0, s22;
	s31 =	spop (v2sf)  }
0x14f: {  	[tilespmem:s7], [sflag:$0x1] =	stream.linear.gather [hbm4b:s23+s2], $0x80, $0x38;
	[tilespmem:$0x11C80] =	vst v63  }
0x150: {  	s5 =	sadd.s32 s3, s29;
	s6 =	sand.u32 $0x1FFFFFF0, s31;
	s7 =	spop (v2sf)  }
0x151: {  	[tilespmem:s8], [sflag:$0x1] =	stream.linear.gather [hbm4b:s5+s2], $0x80, $0x38;
	[tilespmem:$0x11C80] =	vst v63  }
0x152: {  	s9 =	sand.u32 $0x1FFFFFF0, s7;
	s10 =	spop (v2sf);
	s8 =	sadd.s32 s3, s6  }
0x153: {  	[tilespmem:s18], [sflag:$0x1] =	stream.linear.gather [hbm4b:s8+s2], $0x80, $0x38;
	[tilespmem:$0x11C80] =	vst v63  }
0x154: {  	s11 =	sadd.s32 s3, s9;
	s12 =	sand.u32 $0x1FFFFFF0, s10;
	s18 =	spop (v2sf)  }
0x155: {  	[tilespmem:s14], [sflag:$0x1] =	stream.linear.gather [hbm4b:s11+s2], $0x80, $0x38;
	[tilespmem:$0x11C80] =	vst v63  }
0x156: {  	s19 =	sadd.s32 s3, s12;
	s20 =	sand.u32 $0x1FFFFFF0, s18;
	s21 =	spop (v2sf)  }
0x157: {  	[tilespmem:s1], [sflag:$0x1] =	stream.linear.gather [hbm4b:s19+s2], $0x80, $0x38;
	[tilespmem:$0x11C80] =	vst v63  }
0x158: {  	s22 =	sadd.s32 $0xA700, s0;
	s23 =	sadd.s32 s3, s20;
	s29 =	sand.u32 $0x1FFFFFF0, s21  }
0x159: {  	[tilespmem:s22], [sflag:$0x1] =	stream.linear.gather [hbm4b:s23+s2], $0x80, $0x38;
	[tilespmem:$0x11C80] =	vst v63  }
0x15a: {  	s0 =	sadd.s32 $0xA780, s0;
	s31 =	sadd.s32 s3, s29  }
0x15b: {  	[tilespmem:s0], [sflag:$0x1] =	stream.linear.gather [hbm4b:s31+s2], $0x80, $0x38;
	[tilespmem:$0x11C80] =	vst v63  }
.LBB2_16:
0x15c: {  	s29 =	sshll.u32 s24, $0x7;
	v1 =	vmov s30;
	v0 =	vld [tilespmem:$0x1FFF0]  }
0x15d: {  	v2 =	vmov s29;
	v1 =	vand.u32 $0x7F, v1  }
0x15e: {  	s19 =	sor.u32 $0x10, s29;
	s1 =	sor.u32 $0x40, s29;
	s0 =	sor.u32 $0x50, s29;
	v2 =	vshll.u32 v2, $0x7;
	v1 =	vbroadcast v1, $0x0  }
0x15f: {  	v4 =	vmov s19;
	v5 =	vmov s1;
	v7 =	vmov s0  }
0x160: {  	s18 =	sor.u32 $0x20, s29;
	v4 =	vshll.u32 v4, $0x7;
	v5 =	vshll.u32 v5, $0x7;
	v7 =	vshll.u32 v7, $0x7  }
0x161: {  	v24 =	vor.u32 v0, v2;
	v2 =	vmov s18;
	v31 =	vor.u32 v0, v5  }
0x162: {  	s21 =	sand.u32 $0x3F0, s30;
	s14 =	sor.u32 $0x30, s29;
	v35 =	vor.u32 v0, v4;
	v3 =	vor.u32 v24, v1;
	v2 =	vshll.u32 v2, $0x7  }
0x163: {  	v13 =	vld [tilespmem:s21+$0x10E00];
	v8 =	vor.u32 v31, v1;
	v29 =	vor.u32 v0, v2;
	v2 =	vmov s14  }
0x164: {  	s4 =	simm.s32 $0x10200;
	s31 =	sor.u32 $0x60, s29;
	v15 =	vld [tilespmem:s21+$0x10A00];
	v36 =	vor.u32 v0, v7;
	v7 =	vor.u32 v35, v1;
	v2 =	vshll.u32 v2, $0x7  }
0x165: {  	v5 =	vld [tilespmem:s4+$0x0];
	v34 =	vor.u32 v0, v2;
	v2 =	vmov s31  }
0x166: {  	v4 =	vshll.u32 v2, $0x7;
	v2 =	vld [tilespmem:s21+$0x10600]  }
0x167: {  	v14 =	vld.idx.msk [tilespmem:v3+s17+$0x0], $0xffff  }
0x168: {  	v6 =	vor.u32 v29, v1;
	v8 =	vld.idx.msk [tilespmem:v8+s17+$0x0], $0xffff  }
0x169: {  	v19 =	vld.idx.msk [tilespmem:v7+s17+$0x0], $0xffff  }
0x16a: {  	v3 =	vor.u32 v34, v1  }
0x16b: {  	v37 =	vor.u32 v0, v4;
	v4 =	vor.u32 v36, v1  }
0x16c: {  	v20 =	vimm.f32 $0.0e+00;
	v9 =	vor.u32 v37, v1;
	v7 =	vmul.f32 v14, v2  }
0x16d: {  	s22 =	simm.s32 $0x1;
	v59 =	vimm.f32 $0.0e+00;
	v6 =	vld.idx.msk [tilespmem:v6+s17+$0x0], $0xffff;
	v16 =	vmul.f32 v8, v5;
	v17 =	vmul.f32 v14, v13  }
0x16e: {  	s30 =	sor.u32 $0x70, s29;
	v18 =	vmov s22;
	v21 =	vmul.f32 v8, v15;
	v30 =	vmul.f32 v19, v2  }
0x16f: {  	v10 =	vmov s30;
	v11 =	vld.idx.msk [tilespmem:v3+s17+$0x0], $0xffff;
	v22 =	vmul.f32 v19, v5;
	v27 =	vmul.f32 v8, v13  }
0x170: {  	v3 =	vshll.u32 v10, $0x7;
	v4 =	vld.idx.msk [tilespmem:v4+s17+$0x0], $0xffff;
	v8 =	vmul.f32 v8, v2;
	v60 =	vmul.f32 v19, v13  }
0x171: {  	v57 =	vmul.f32 v19, v15;
	v0 =	vor.u32 v0, v3;
	v3 =	vmul.f32 v14, v5;
	v12 =	vld.idx.msk [tilespmem:v9+s17+$0x0], $0xffff  }
0x172: {  	v10 =	vmul.f32 v6, v5;
	v1 =	vor.u32 v0, v1;
	v48 =	vadd.f32 v7, v20  }
0x173: {  	v9 =	vmul.f32 v6, v2;
	v23 =	vadd.f32 v16, v20;
	v52 =	vadd.f32 v17, v20  }
0x174: {  	v58 =	vmul.f32 v6, v13;
	v47 =	vadd.f32 v3, v20;
	v7 =	vmul.f32 v11, v5  }
0x175: {  	v33 =	vadd.f32 v9, v20;
	v3 =	vmul.f32 v11, v13;
	v9 =	vmul.f32 v4, v2  }
0x176: {  	v25 =	vmul.f32 v12, v15;
	v26 =	vadd.f32 v7, v20;
	v7 =	vand.u32 $0x7F, v18  }
0x177: {  	v28 =	vadd.f32 v3, v20;
	v3 =	vld.idx.msk [tilespmem:v1+s17+$0x0], $0xffff;
	v1 =	vmul.f32 v4, v5;
	v7 =	vbroadcast v7, $0x0  }
0x178: {  	v16 =	vadd.f32 v9, v20;
	v18 =	vmul.f32 v11, v15;
	v11 =	vmul.f32 v11, v2  }
0x179: {  	[tilespmem:$0x1FF70] =	vst v35;
	v17 =	vadd.f32 v1, v20;
	v1 =	vmul.f32 v4, v13;
	v9 =	vor.u32 v24, v7  }
0x17a: {  	[tilespmem:$0x1FFA0] =	vst v31;
	v35 =	vor.u32 v35, v7;
	v49 =	vor.u32 v29, v7;
	v50 =	vor.u32 v34, v7  }
0x17b: {  	[tilespmem:$0x1FF80] =	vst v29;
	v56 =	vor.u32 v31, v7;
	v45 =	vor.u32 v36, v7;
	v29 =	vadd.f32 v18, v20  }
0x17c: {  	[tilespmem:$0x1FFD0] =	vst v37;
	v46 =	vor.u32 v37, v7;
	v37 =	vadd.f32 v10, v20;
	v31 =	vadd.f32 v11, v20  }
0x17d: {  	s20 =	simm.s32 $0x10210;
	s21 =	simm.s32 $0x10;
	v18 =	vadd.f32 v1, v20;
	v1 =	vmul.f32 v3, v5;
	v5 =	vmul.f32 v12, v5  }
0x17e: {  	s23 =	sand.u32 $0x3F0, s21;
	v39 =	vor.u32 v0, v7;
	v7 =	vld [tilespmem:s20+$0x0];
	v10 =	vadd.f32 v25, v20;
	v25 =	vadd.f32 v21, v20  }
0x17f: {  	v21 =	vmul.f32 v12, v13;
	v11 =	vadd.f32 v5, v20;
	v5 =	vmul.f32 v3, v13;
	v13 =	vld [tilespmem:s23+$0x10A00]  }
0x180: {  	v62 =	vmul.f32 v14, v15;
	v14 =	vimm.f32 $0.0e+00;
	v32 =	vmul.f32 v6, v15;
	v61 =	vld.idx.msk [tilespmem:v9+s17+$0x0], $0xffff  }
0x181: {  	[tilespmem:$0x1FF60] =	vst v24;
	v51 =	vadd.f32 v22, v20;
	v24 =	vadd.f32 v8, v20;
	v8 =	vmul.f32 v4, v15;
	v9 =	vld [tilespmem:s23+$0x10600]  }
0x182: {  	v54 =	vadd.f32 v30, v20;
	v22 =	vmul.f32 v12, v2;
	v55 =	vmul.f32 v3, v15;
	v53 =	vld.idx.msk [tilespmem:v49+s17+$0x0], $0xffff  }
0x183: {  	[tilespmem:$0x1FFC0] =	vst v0;
	v19 =	vadd.f32 v8, v20;
	v15 =	vimm.f32 $0.0e+00;
	v0 =	vadd.f32 v1, v20;
	v30 =	vld.idx.msk [tilespmem:v56+s17+$0x0], $0xffff  }
0x184: {  	[tilespmem:$0x1FFB0] =	vst v36;
	v8 =	vimm.f32 $0.0e+00;
	v6 =	vadd.f32 v55, v20;
	v55 =	vadd.f32 v57, v20;
	v57 =	vld.idx.msk [tilespmem:v35+s17+$0x0], $0xffff  }
0x185: {  	[tilespmem:$0x1FF90] =	vst v34;
	v56 =	vimm.f32 $0.0e+00;
	v35 =	vld.idx.msk [tilespmem:v50+s17+$0x0], $0xffff;
	v49 =	vimm.f32 $0.0e+00;
	v50 =	vimm.f32 $0.0e+00  }
0x186: {  	s22 =	simm.s32 $0x2;
	v12 =	vld [tilespmem:s23+$0x10E00];
	[tilespmem:$0x1FFE0] =	vst v0;
	v5 =	vadd.f32 v5, v20;
	v1 =	vmul.f32 v61, v7;
	v63 =	vmul.f32 v61, v9  }
.LBB2_17:
0x187: {  	_ = 	snop  }
0x188: {  	v34 =	vld.idx.msk [tilespmem:v46+s17+$0x0], $0xffff;
	_ =	sdelay $0x1  }
0x189: {  	v20 =	vadd.f32 v27, v20;
	v27 =	vmul.f32 v53, v13  }
0x18a: {  	s4 =	smov.u32 s22;
	v50 =	vadd.f32 v32, v50;
	v4 =	vld [tilespmem:$0x1FF60];
	v48 =	vadd.f32 v63, v48  }
0x18b: {  	v36 =	vmovc v61;
	v14 =	vadd.f32 v21, v14;
	v59 =	vadd.f32 v62, v59;
	v32 =	vmovc v27;
	v27 =	vmov s4  }
0x18c: {  	v63 =	vmovc v12;
	v21 =	vmul.f32 v30, v13;
	v40 =	vmovc v13;
	v62 =	vmul.f32 v34, v13;
	v13 =	vand.u32 $0x7F, v27  }
0x18d: {  	v12 =	vmul.f32 v36, v63;
	v13 =	vbroadcast v13, $0x0;
	_ =	sdelay $0x1  }
0x18e: {  	v52 =	vadd.f32 v12, v52;
	v12 =	vor.u32 v4, v13;
	v4 =	vld [tilespmem:$0x1FF70];
	_ =	sdelay $0x3  }
0x18f: {  	v47 =	vadd.f32 v1, v47;
	v1 =	vld.idx.msk [tilespmem:v45+s17+$0x0], $0xffff  }
0x190: {  	v41 =	vor.u32 v4, v13;
	v4 =	vld [tilespmem:$0x1FF80]  }
0x191: {  	v15 =	vadd.f32 v22, v15;
	v22 =	vmul.f32 v53, v9  }
0x192: {  	v2 =	vmul.f32 v3, v2  }
0x193: {  	v33 =	vadd.f32 v22, v33;
	v22 =	vmul.f32 v35, v7  }
0x194: {  	v49 =	vadd.f32 v58, v49  }
0x195: {  	v26 =	vadd.f32 v22, v26;
	v22 =	vmul.f32 v1, v7;
	v42 =	vor.u32 v4, v13;
	v4 =	vld [tilespmem:$0x1FF90]  }
0x196: {  	v8 =	vadd.f32 v2, v8;
	v45 =	vmul.f32 v30, v7;
	v58 =	vmul.f32 v57, v9;
	v2 =	vmovc v9  }
0x197: {  	v3 =	vld.idx.msk [tilespmem:v39+s17+$0x0], $0xffff;
	v9 =	vmul.f32 v1, v2;
	v17 =	vadd.f32 v22, v17;
	v22 =	vmul.f32 v35, v40  }
0x198: {  	v61 =	vld [tilespmem:$0x1FFB0];
	v56 =	vadd.f32 v60, v56;
	v0 =	vmul.f32 v53, v7;
	v60 =	vmul.f32 v57, v7  }
0x199: {  	v16 =	vadd.f32 v9, v16;
	v9 =	vmul.f32 v1, v63;
	v29 =	vadd.f32 v22, v29;
	v22 =	vld [tilespmem:$0x1FFC0]  }
0x19a: {  	v23 =	vadd.f32 v45, v23;
	v46 =	vmul.f32 v35, v63;
	v43 =	vor.u32 v4, v13;
	v4 =	vld [tilespmem:$0x1FFA0]  }
0x19b: {  	v37 =	vadd.f32 v0, v37;
	v0 =	vmul.f32 v35, v2;
	v18 =	vadd.f32 v9, v18;
	v9 =	vld [tilespmem:$0x1FFD0]  }
0x19c: {  	v44 =	vmul.f32 v3, v40;
	v51 =	vadd.f32 v60, v51;
	v60 =	vmul.f32 v57, v63  }
0x19d: {  	v25 =	vadd.f32 v21, v25;
	v21 =	vmul.f32 v34, v63;
	v31 =	vadd.f32 v0, v31;
	v0 =	vld [tilespmem:$0x1FFE0]  }
0x19e: {  	s21 =	sadd.s32 $0x10, s21;
	s20 =	sadd.s32 $0x10, s20;
	v54 =	vadd.f32 v58, v54;
	v27 =	vmul.f32 v30, v63;
	v45 =	vor.u32 v61, v13;
	v61 =	vld.idx.msk [tilespmem:v12+s17+$0x0], $0xffff  }
0x19f: {  	s23 =	sand.u32 $0x3F0, s21;
	v39 =	vor.u32 v22, v13;
	v22 =	vmul.f32 v30, v2;
	v30 =	vld [tilespmem:s20+$0x0];
	v4 =	vor.u32 v4, v13  }
0x1a0: {  	v28 =	vadd.f32 v46, v28;
	v46 =	vor.u32 v9, v13;
	v12 =	vld [tilespmem:s23+$0x10E00];
	v13 =	vmul.f32 v3, v7  }
0x1a1: {  	p0 =	sne.s32 s22, $0x3F;
	v38 =	vmovc v53;
	v10 =	vadd.f32 v62, v10;
	v35 =	vmul.f32 v1, v40;
	v1 =	vmul.f32 v34, v7;
	v9 =	vld [tilespmem:s23+$0x10600]  }
.Ltmp7:
0x1a2: {  	v58 =	vmul.f32 v38, v63;
	v6 =	vadd.f32 v44, v6;
	v53 =	vld.idx.msk [tilespmem:v42+s17+$0x0], $0xffff;
	v0 =	vadd.f32 v13, v0;
	(pc) =	sbr.rel @p0 .LBB2_17-.Ltmp7, $4  }
0x1a3: {  	v62 =	vmul.f32 v36, v40;
	v11 =	vadd.f32 v1, v11;
	v19 =	vadd.f32 v35, v19;
	v35 =	vld.idx.msk [tilespmem:v43+s17+$0x0], $0xffff  }
0x1a4: {  	v7 =	vmov v30;
	[tilespmem:$0x1FFE0] =	vst v0;
	v0 =	vmul.f32 v3, v63;
	v30 =	vld.idx.msk [tilespmem:v4+s17+$0x0], $0xffff;
	v4 =	vmul.f32 v57, v40  }
0x1a5: {  	v24 =	vadd.f32 v22, v24;
	v22 =	vmul.f32 v34, v2;
	v1 =	vmul.f32 v61, v7;
	v13 =	vld [tilespmem:s23+$0x10A00]  }
0x1a6: {  	s22 =	sadd.s32 $0x1, s22;
	v63 =	vmul.f32 v61, v9;
	v57 =	vld.idx.msk [tilespmem:v41+s17+$0x0], $0xffff;
	v5 =	vadd.f32 v0, v5;
	v55 =	vadd.f32 v4, v55  }
0x1a7: {  	_ =	sdelay $0x2  }
0x1a8: {  	v0 =	vmul.f32 v61, v12;
	v4 =	vadd.f32 v62, v59;
	v34 =	vmul.f32 v61, v13  }
0x1a9: {  	v1 =	vadd.f32 v1, v47;
	v36 =	vadd.f32 v63, v48  }
0x1aa: {  	v0 =	vadd.f32 v0, v52;
	v4 =	vadd.f32 v34, v4;
	_ =	sdelay $0x1  }
0x1ab: {  	v44 =	vmax.f32 v1, v36;
	v38 =	vmax.f32 v4, v0  }
0x1ac: {  	v34 =	vmax.f32 v44, v38  }
0x1ad: {  	v38 =	vsub.f32 v1, v34  }
0x1ae: {  	v40 =	vsub.f32 v36, v34  }
0x1af: {  	v38 =	vmul.f32 $1.442695020e+00, v38  }
0x1b0: {  	v41 =	vsub.f32 v4, v34;
	v40 =	vmul.f32 $1.442695020e+00, v40  }
0x1b1: {  	(erf) = vpow2.f32 v38  }
0x1b2: {  	v34 =	vsub.f32 v0, v34;
	v47 =	vmul.f32 $1.442695020e+00, v41;
	(erf) = vpow2.f32 v40;
	_ =	sdelay $0x1  }
0x1b3: {  	v34 =	vmul.f32 $1.442695020e+00, v34;
	(erf) = vpow2.f32 v47;
	_ =	sdelay $0x1  }
0x1b4: {  	(erf) = vpow2.f32 v34;
	_ =	sdelay $0x1  }
0x1b5: {  	v59 =	vadd.f32 v60, v56;
	v60 =	vmul.f32 v57, v13  }
0x1b6: {  	v52 =	vmul.f32 v57, v7;
	v43 =	vmul.f32 v57, v12  }
0x1b7: {  	vm0 =	vge.f32 v1, v36;
	v48 =	vmul.f32 v57, v9;
	v41 =	vadd.f32 v60, v55;
	v42 =	vpop (erf)  }
0x1b8: {  	vm7 =	vge.f32 v1, v0;
	v38 =	vadd.f32 v52, v51;
	v40 =	vadd.f32 v43, v59;
	v44 =	vpop (erf)  }
0x1b9: {  	vm2 =	vge.f32 v36, v0;
	v34 =	vadd.f32 v48, v54;
	v61 =	vadd.f32 v44, v42  }
0x1ba: {  	v57 =	vimm.s32 $0xC;
	vm1 =	vge.f32 v1, v4;
	vm8 =	vge.f32 v36, v4;
	v43 =	vpop (erf)  }
0x1bb: {  	v63 =	vmax.f32 v41, v40;
	v62 =	vmax.f32 v38, v34;
	v47 =	vadd.f32 v61, v43  }
0x1bc: {  	vm9 =	vge.f32 v4, v0;
	vm0 =	vmand vm0, vm1;
	v1 =	vmax.f32 v62, v63;
	v48 =	vpop (erf)  }
0x1bd: {  	vm1 =	vmand vm8, vm2;
	v51 =	vsub.f32 v38, v1;
	v47 =	vadd.f32 v47, v48  }
0x1be: {  	vm0 =	vmand vm0, vm7;
	v4 =	vsel vm9, $0x8, v57;
	v52 =	vsub.f32 v34, v1  }
0x1bf: {  	v4 =	vsel vm1, $0x4, v4;
	v36 =	vmul.f32 $1.442695020e+00, v51;
	(erf) = vrcp.f32 v47  }
0x1c0: {  	v4 =	vsel vm0, $0x0, v4;
	v54 =	vsub.f32 v41, v1;
	v0 =	vmul.f32 $1.442695020e+00, v52  }
0x1c1: {  	v56 =	vor.u32 $0x1, v4;
	(erf) = vpow2.f32 v36  }
0x1c2: {  	v1 =	vsub.f32 v40, v1;
	v55 =	vmul.f32 $1.442695020e+00, v54;
	(erf) = vpow2.f32 v0;
	_ =	sdelay $0x1  }
0x1c3: {  	v59 =	vmul.f32 $1.442695020e+00, v1;
	(erf) = vpow2.f32 v55  }
0x1c4: {  	v61 =	vld.idx.msk [tilespmem:v4+s15+$0x0], $0xffff  }
0x1c5: {  	v49 =	vadd.f32 v58, v49;
	v36 =	vld.idx.msk [tilespmem:v56+s15+$0x0], $0xffff;
	(erf) = vpow2.f32 v59  }
0x1c6: {  	v32 =	vadd.f32 v32, v50;
	v60 =	vor.u32 $0x2, v4;
	vm11 =	vge.f32 v38, v41  }
0x1c7: {  	vm14 =	vge.f32 v41, v40;
	vm15 =	vge.f32 v38, v40;
	vm10 =	vge.f32 v38, v34;
	v0 =	vpop (erf)  }
0x1c8: {  	v4 =	vor.u32 $0x3, v4;
	v42 =	vmul.f32 v0, v42;
	v44 =	vmul.f32 v0, v44  }
0x1c9: {  	vm12 =	vge.f32 v34, v41;
	v62 =	vmul.f32 v53, v9;
	v63 =	vmul.f32 v53, v7;
	v50 =	vpop (erf)  }
0x1ca: {  	vm13 =	vge.f32 v34, v40;
	v47 =	vpop (erf);
	v59 =	vmul.f32 v61, v42;
	v36 =	vmul.f32 v36, v44  }
0x1cb: {  	v37 =	vadd.f32 v63, v37;
	v1 =	vld.idx.msk [tilespmem:v60+s15+$0x0], $0xffff;
	v60 =	vmul.f32 v53, v12;
	v61 =	vadd.f32 v47, v50  }
0x1cc: {  	v51 =	vadd.f32 v62, v33;
	v62 =	vmul.f32 v53, v13;
	v56 =	vpop (erf);
	v33 =	vadd.f32 $0.0e+00, v59  }
0x1cd: {  	vm0 =	vmand vm10, vm11;
	v49 =	vadd.f32 v60, v49;
	v4 =	vld.idx.msk [tilespmem:v4+s15+$0x0], $0xffff;
	v63 =	vadd.f32 v61, v56  }
0x1ce: {  	vm1 =	vmand vm12, vm13;
	v52 =	vadd.f32 v62, v32;
	v33 =	vadd.f32 v36, v33;
	v36 =	vpop (erf)  }
0x1cf: {  	vm0 =	vmand vm0, vm15;
	v43 =	vmul.f32 v0, v43;
	v54 =	vadd.f32 v63, v36  }
0x1d0: {  	v60 =	vsel vm14, $0x8, v57;
	v58 =	vmax.f32 v52, v49;
	v0 =	vmul.f32 v0, v48  }
0x1d1: {  	v34 =	vld.idx.msk [tilespmem:v45+s17+$0x0], $0xffff;
	v55 =	vmax.f32 v37, v51;
	v1 =	vmul.f32 v1, v43;
	(erf) = vrcp.f32 v54  }
0x1d2: {  	v32 =	vld.idx.msk [tilespmem:v39+s17+$0x0], $0xffff;
	v62 =	vsel vm1, $0x4, v60;
	v4 =	vmul.f32 v4, v0;
	v59 =	vmax.f32 v55, v58  }
0x1d3: {  	v39 =	vsel vm0, $0x0, v62;
	v61 =	vsub.f32 v37, v59;
	v1 =	vadd.f32 v1, v33;
	v33 =	vld.idx.msk [tilespmem:v46+s17+$0x0], $0xffff;
	[tilespmem:s29+$0x11280] =	vst v42  }
0x1d4: {  	v63 =	vsub.f32 v51, v59;
	[tilespmem:s29+$0x11480] =	vst v44  }
0x1d5: {  	v38 =	vmul.f32 $1.442695020e+00, v61;
	[tilespmem:s29+$0x11680] =	vst v43;
	v46 =	vor.u32 $0x1, v39;
	v1 =	vadd.f32 v4, v1  }
0x1d6: {  	v45 =	vsub.f32 v52, v59;
	[tilespmem:s29+$0x11880] =	vst v0;
	v40 =	vmul.f32 $1.442695020e+00, v63  }
0x1d7: {  	(erf) = vpow2.f32 v38;
	[tilespmem:s29+$0x11A80] =	vst v1  }
0x1d8: {  	v53 =	vsub.f32 v49, v59;
	v48 =	vmul.f32 $1.442695020e+00, v45;
	(erf) = vpow2.f32 v40;
	v55 =	vld.idx.msk [tilespmem:v39+s15+$0x0], $0xffff  }
0x1d9: {  	v54 =	vor.u32 $0x2, v39  }
0x1da: {  	v58 =	vmul.f32 $1.442695020e+00, v53;
	(erf) = vpow2.f32 v48;
	v4 =	vld.idx.msk [tilespmem:v46+s15+$0x0], $0xffff;
	v59 =	vpop (erf)  }
0x1db: {  	v0 =	vmul.f32 v59, v50  }
0x1dc: {  	(erf) = vpow2.f32 v58  }
0x1dd: {  	vm4 =	vge.f32 v37, v51;
	v42 =	vmul.f32 v59, v47;
	v40 =	vmul.f32 v55, v0  }
0x1de: {  	v60 =	vmul.f32 v35, v12;
	v62 =	vmul.f32 v35, v13;
	v39 =	vor.u32 $0x3, v39;
	v1 =	vld.idx.msk [tilespmem:v54+s15+$0x0], $0xffff  }
0x1df: {  	vm5 =	vge.f32 v37, v52;
	v4 =	vmul.f32 v4, v42;
	v40 =	vadd.f32 $0.0e+00, v40  }
0x1e0: {  	vm6 =	vge.f32 v51, v52;
	vm7 =	vge.f32 v51, v49;
	vm8 =	vge.f32 v52, v49;
	v41 =	vpop (erf)  }
0x1e1: {  	v61 =	vmul.f32 v35, v7;
	v44 =	vmul.f32 v59, v56;
	v45 =	vpop (erf);
	v4 =	vadd.f32 v4, v40  }
0x1e2: {  	v28 =	vadd.f32 v60, v28;
	v48 =	vmul.f32 v35, v9;
	v63 =	vadd.f32 v45, v41  }
0x1e3: {  	v29 =	vadd.f32 v62, v29;
	v26 =	vadd.f32 v61, v26;
	v39 =	vld.idx.msk [tilespmem:v39+s15+$0x0], $0xffff;
	v1 =	vmul.f32 v1, v44;
	v40 =	vpop (erf)  }
0x1e4: {  	vm9 =	vge.f32 v37, v49;
	v31 =	vadd.f32 v48, v31;
	v50 =	vadd.f32 v63, v40  }
0x1e5: {  	vm0 =	vmand vm4, vm5;
	v53 =	vmul.f32 v59, v36;
	v1 =	vadd.f32 v1, v4;
	v4 =	vpop (erf)  }
0x1e6: {  	v56 =	vmax.f32 v29, v28;
	v55 =	vmax.f32 v26, v31;
	v54 =	vadd.f32 v50, v4  }
0x1e7: {  	vm1 =	vmand vm6, vm7;
	v58 =	vsel vm8, $0x8, v57;
	v36 =	vmax.f32 v55, v56  }
0x1e8: {  	v38 =	vmul.f32 v39, v53;
	v39 =	vsub.f32 v26, v36;
	(erf) = vrcp.f32 v54  }
0x1e9: {  	vm0 =	vmand vm0, vm9;
	v59 =	vsel vm1, $0x4, v58;
	v61 =	vsub.f32 v31, v36  }
0x1ea: {  	v60 =	vsel vm0, $0x0, v59;
	[tilespmem:s19+$0x11280] =	vst v0;
	v62 =	vmul.f32 $1.442695020e+00, v39  }
0x1eb: {  	[tilespmem:s29+$0x11490] =	vst v42;
	v46 =	vsub.f32 v29, v36;
	v37 =	vmul.f32 $1.442695020e+00, v61  }
0x1ec: {  	[tilespmem:s29+$0x11690] =	vst v44;
	v36 =	vsub.f32 v28, v36;
	v1 =	vadd.f32 v38, v1;
	(erf) = vpow2.f32 v62  }
0x1ed: {  	[tilespmem:s29+$0x11890] =	vst v53;
	v48 =	vmul.f32 $1.442695020e+00, v46;
	v63 =	vor.u32 $0x1, v60;
	(erf) = vpow2.f32 v37  }
0x1ee: {  	v51 =	vmul.f32 v30, v7;
	[tilespmem:s19+$0x11A80] =	vst v1  }
0x1ef: {  	v47 =	vor.u32 $0x2, v60;
	v50 =	vmul.f32 $1.442695020e+00, v36;
	v49 =	vld.idx.msk [tilespmem:v60+s15+$0x0], $0xffff;
	(erf) = vpow2.f32 v48  }
0x1f0: {  	v20 =	vadd.f32 v27, v20;
	vm15 =	vge.f32 v29, v28;
	v56 =	vmul.f32 v30, v12  }
0x1f1: {  	v23 =	vadd.f32 v51, v23;
	v53 =	vmul.f32 v30, v13;
	v52 =	vpop (erf);
	(erf) = vpow2.f32 v50  }
0x1f2: {  	vm11 =	vge.f32 v26, v29;
	v54 =	vmul.f32 v30, v9;
	v39 =	vld.idx.msk [tilespmem:v63+s15+$0x0], $0xffff;
	v41 =	vmul.f32 v52, v41  }
0x1f3: {  	vm12 =	vge.f32 v26, v28;
	v0 =	vor.u32 $0x3, v60;
	v20 =	vadd.f32 v56, v20  }
0x1f4: {  	v1 =	vadd.f32 v53, v25;
	v35 =	vld.idx.msk [tilespmem:v47+s15+$0x0], $0xffff;
	v24 =	vadd.f32 v54, v24;
	v37 =	vmul.f32 v49, v41  }
0x1f5: {  	vm10 =	vge.f32 v26, v31;
	vm13 =	vge.f32 v31, v29;
	v55 =	vmul.f32 v52, v45;
	v59 =	vpop (erf)  }
0x1f6: {  	v44 =	vmax.f32 v1, v20;
	v43 =	vmax.f32 v23, v24;
	v60 =	vpop (erf);
	v37 =	vadd.f32 $0.0e+00, v37  }
0x1f7: {  	v58 =	vmul.f32 v52, v40;
	v39 =	vmul.f32 v39, v55;
	v62 =	vadd.f32 v60, v59  }
0x1f8: {  	vm14 =	vge.f32 v31, v28;
	vm0 =	vmand vm10, vm11;
	v26 =	vmax.f32 v43, v44;
	v63 =	vpop (erf)  }
0x1f9: {  	v0 =	vld.idx.msk [tilespmem:v0+s15+$0x0], $0xffff;
	v35 =	vmul.f32 v35, v58;
	v42 =	vadd.f32 v62, v63;
	v61 =	vadd.f32 v39, v37  }
0x1fa: {  	vm1 =	vmand vm13, vm14;
	vm0 =	vmand vm0, vm12;
	v45 =	vsub.f32 v23, v26;
	v37 =	vpop (erf)  }
0x1fb: {  	v29 =	vsel vm15, $0x8, v57;
	v30 =	vadd.f32 v35, v61;
	v35 =	vadd.f32 v42, v37  }
0x1fc: {  	v29 =	vsel vm1, $0x4, v29;
	v46 =	vsub.f32 v24, v26;
	v4 =	vmul.f32 v52, v4  }
0x1fd: {  	v47 =	vsub.f32 v1, v26;
	v31 =	vmul.f32 $1.442695020e+00, v45;
	(erf) = vrcp.f32 v35  }
0x1fe: {  	v29 =	vsel vm0, $0x0, v29;
	v28 =	vmul.f32 $1.442695020e+00, v46;
	v0 =	vmul.f32 v0, v4;
	[tilespmem:s18+$0x11280] =	vst v41  }
0x1ff: {  	v48 =	vmul.f32 $1.442695020e+00, v47;
	v49 =	vor.u32 $0x1, v29;
	[tilespmem:s29+$0x114A0] =	vst v55;
	(erf) = vpow2.f32 v31  }
0x200: {  	v26 =	vsub.f32 v20, v26;
	[tilespmem:s29+$0x116A0] =	vst v58;
	v0 =	vadd.f32 v0, v30;
	(erf) = vpow2.f32 v28  }
0x201: {  	[tilespmem:s29+$0x118A0] =	vst v4  }
0x202: {  	v50 =	vmul.f32 $1.442695020e+00, v26;
	[tilespmem:s18+$0x11A80] =	vst v0;
	(erf) = vpow2.f32 v48  }
0x203: {  	v52 =	vld.idx.msk [tilespmem:v29+s15+$0x0], $0xffff  }
0x204: {  	v54 =	vld.idx.msk [tilespmem:v49+s15+$0x0], $0xffff;
	(erf) = vpow2.f32 v50  }
0x205: {  	v51 =	vor.u32 $0x2, v29  }
0x206: {  	vm9 =	vge.f32 v23, v20;
	v55 =	vmul.f32 v34, v7;
	v58 =	vmul.f32 v34, v9;
	v53 =	vpop (erf)  }
0x207: {  	vm5 =	vge.f32 v23, v1;
	v56 =	vmul.f32 v53, v59;
	v25 =	vmul.f32 v53, v60  }
0x208: {  	v17 =	vadd.f32 v55, v17;
	v16 =	vadd.f32 v58, v16;
	v61 =	vmul.f32 v34, v12;
	v59 =	vpop (erf)  }
0x209: {  	v29 =	vor.u32 $0x3, v29;
	v60 =	vpop (erf);
	v26 =	vmul.f32 v52, v56;
	v27 =	vmul.f32 v54, v25  }
0x20a: {  	v38 =	vmul.f32 v53, v63;
	v63 =	vmul.f32 v34, v13;
	v62 =	vadd.f32 v60, v59  }
0x20b: {  	vm8 =	vge.f32 v1, v20;
	v18 =	vadd.f32 v61, v18;
	v40 =	vpop (erf);
	v26 =	vadd.f32 $0.0e+00, v26  }
0x20c: {  	vm4 =	vge.f32 v23, v24;
	v19 =	vadd.f32 v63, v19;
	v39 =	vadd.f32 v62, v40  }
0x20d: {  	vm6 =	vge.f32 v24, v1;
	vm7 =	vge.f32 v24, v20;
	v0 =	vld.idx.msk [tilespmem:v51+s15+$0x0], $0xffff;
	v26 =	vadd.f32 v27, v26;
	v27 =	vpop (erf)  }
0x20e: {  	v43 =	vmax.f32 v17, v16;
	v44 =	vmax.f32 v19, v18;
	v41 =	vadd.f32 v39, v27  }
0x20f: {  	vm0 =	vmand vm4, vm5;
	vm1 =	vmand vm6, vm7;
	v42 =	vld.idx.msk [tilespmem:v29+s15+$0x0], $0xffff;
	v45 =	vmax.f32 v43, v44  }
0x210: {  	vm0 =	vmand vm0, vm9;
	v47 =	vsub.f32 v17, v45;
	(erf) = vrcp.f32 v41  }
0x211: {  	v46 =	vsel vm8, $0x8, v57;
	v4 =	vmul.f32 v53, v37;
	v49 =	vsub.f32 v16, v45  }
0x212: {  	v48 =	vsel vm1, $0x4, v46;
	v0 =	vmul.f32 v0, v38;
	v20 =	vmul.f32 $1.442695020e+00, v47  }
0x213: {  	v23 =	vsel vm0, $0x0, v48;
	v50 =	vsub.f32 v19, v45;
	v24 =	vmul.f32 $1.442695020e+00, v49  }
0x214: {  	v0 =	vadd.f32 v0, v26;
	v26 =	vmul.f32 v42, v4;
	(erf) = vpow2.f32 v20  }
0x215: {  	[tilespmem:s14+$0x11280] =	vst v56;
	v1 =	vsub.f32 v18, v45;
	v52 =	vmul.f32 $1.442695020e+00, v50;
	(erf) = vpow2.f32 v24  }
0x216: {  	v51 =	vor.u32 $0x1, v23;
	[tilespmem:s29+$0x114B0] =	vst v25  }
0x217: {  	[tilespmem:s29+$0x116B0] =	vst v38;
	v1 =	vmul.f32 $1.442695020e+00, v1;
	v0 =	vadd.f32 v26, v0;
	(erf) = vpow2.f32 v52  }
0x218: {  	[tilespmem:s29+$0x118B0] =	vst v4  }
0x219: {  	[tilespmem:s14+$0x11A80] =	vst v0;
	v55 =	vpop (erf);
	(erf) = vpow2.f32 v1  }
0x21a: {  	v14 =	vadd.f32 v21, v14;
	v36 =	vmul.f32 v33, v12;
	v54 =	vld.idx.msk [tilespmem:v23+s15+$0x0], $0xffff  }
0x21b: {  	v15 =	vadd.f32 v22, v15;
	v61 =	vmul.f32 v33, v7  }
0x21c: {  	v2 =	vmul.f32 v3, v2;
	v14 =	vadd.f32 v36, v14;
	vm10 =	vge.f32 v17, v16;
	v56 =	vld.idx.msk [tilespmem:v51+s15+$0x0], $0xffff  }
0x21d: {  	v11 =	vadd.f32 v61, v11;
	vm13 =	vge.f32 v16, v18;
	v58 =	vmul.f32 v55, v59;
	v63 =	vpop (erf)  }
0x21e: {  	v53 =	vor.u32 $0x2, v23;
	v62 =	vmul.f32 v33, v9;
	v59 =	vmul.f32 v33, v13;
	v35 =	vpop (erf)  }
0x21f: {  	v60 =	vmul.f32 v55, v60;
	v20 =	vmul.f32 v54, v58;
	v37 =	vadd.f32 v35, v63  }
0x220: {  	v15 =	vadd.f32 v62, v15;
	v34 =	vmul.f32 v55, v40;
	v10 =	vadd.f32 v59, v10;
	v39 =	vpop (erf)  }
0x221: {  	v24 =	vmul.f32 v56, v60;
	v20 =	vadd.f32 $0.0e+00, v20;
	v40 =	vadd.f32 v37, v39  }
0x222: {  	vm15 =	vge.f32 v17, v18;
	v43 =	vmax.f32 v11, v15;
	v23 =	vor.u32 $0x3, v23;
	v41 =	vpop (erf)  }
0x223: {  	v44 =	vmax.f32 v10, v14;
	v20 =	vadd.f32 v24, v20;
	v24 =	vadd.f32 v40, v41  }
0x224: {  	vm11 =	vge.f32 v17, v19;
	vm12 =	vge.f32 v16, v19;
	v46 =	vmax.f32 v43, v44  }
0x225: {  	vm14 =	vge.f32 v19, v18;
	v19 =	vsub.f32 v11, v46;
	(erf) = vrcp.f32 v24  }
0x226: {  	vm6 =	vge.f32 v11, v14;
	v25 =	vmul.f32 v32, v9;
	v0 =	vld.idx.msk [tilespmem:v53+s15+$0x0], $0xffff;
	v49 =	vsub.f32 v15, v46  }
0x227: {  	vm0 =	vmand vm10, vm11;
	vm1 =	vmand vm12, vm13;
	v50 =	vmul.f32 $1.442695020e+00, v19  }
0x228: {  	v45 =	vsel vm14, $0x8, v57;
	v38 =	vld.idx.msk [tilespmem:v23+s15+$0x0], $0xffff;
	v21 =	vsub.f32 v10, v46;
	v18 =	vmul.f32 $1.442695020e+00, v49  }
0x229: {  	vm0 =	vmand vm0, vm15;
	v62 =	vadd.f32 v2, v8;
	(erf) = vpow2.f32 v50  }
0x22a: {  	v54 =	vsub.f32 v14, v46;
	v53 =	vmul.f32 $1.442695020e+00, v21;
	(erf) = vpow2.f32 v18  }
0x22b: {  	v47 =	vsel vm1, $0x4, v45;
	v4 =	vmul.f32 v55, v27;
	v0 =	vmul.f32 v0, v34  }
0x22c: {  	vm4 =	vge.f32 v11, v15;
	v56 =	vmul.f32 $1.442695020e+00, v54;
	(erf) = vpow2.f32 v53  }
0x22d: {  	v48 =	vsel vm0, $0x0, v47;
	[tilespmem:s1+$0x11280] =	vst v58;
	v42 =	vmul.f32 v38, v4;
	v0 =	vadd.f32 v0, v20;
	v19 =	vld [tilespmem:$0x1FFE0]  }
0x22e: {  	vm8 =	vge.f32 v15, v14;
	v52 =	vor.u32 $0x2, v48;
	[tilespmem:s29+$0x114C0] =	vst v60;
	v59 =	vpop (erf);
	(erf) = vpow2.f32 v56  }
0x22f: {  	v51 =	vor.u32 $0x1, v48;
	v1 =	vor.u32 $0x3, v48;
	[tilespmem:s29+$0x116C0] =	vst v34;
	v0 =	vadd.f32 v42, v0  }
0x230: {  	v58 =	vmul.f32 v32, v7;
	[tilespmem:s29+$0x118C0] =	vst v4;
	vm5 =	vge.f32 v11, v10;
	v24 =	vmul.f32 v32, v12  }
0x231: {  	vm7 =	vge.f32 v15, v10;
	[tilespmem:s1+$0x11A80] =	vst v0;
	v61 =	vmul.f32 v59, v63;
	v63 =	vmul.f32 v32, v13  }
0x232: {  	vm9 =	vge.f32 v10, v14;
	v0 =	vadd.f32 v25, v62;
	v55 =	vld.idx.msk [tilespmem:v48+s15+$0x0], $0xffff;
	v3 =	vadd.f32 v58, v19;
	v27 =	vpop (erf)  }
0x233: {  	vm0 =	vmand vm4, vm5;
	v5 =	vadd.f32 v24, v5;
	v28 =	vpop (erf);
	v2 =	vadd.f32 v63, v6  }
0x234: {  	vm1 =	vmand vm7, vm8;
	v38 =	vsel vm9, $0x8, v57;
	v60 =	vld.idx.msk [tilespmem:v51+s15+$0x0], $0xffff;
	v30 =	vadd.f32 v28, v27  }
0x235: {  	v34 =	vmax.f32 v3, v0;
	v21 =	vmul.f32 v59, v35;
	v31 =	vpop (erf);
	v35 =	vmax.f32 v2, v5  }
0x236: {  	vm0 =	vmand vm0, vm6;
	v4 =	vld.idx.msk [tilespmem:v52+s15+$0x0], $0xffff;
	v32 =	vadd.f32 v30, v31;
	v11 =	vmax.f32 v34, v35  }
0x237: {  	v26 =	vmul.f32 v59, v39;
	v22 =	vmul.f32 v55, v61;
	v36 =	vsub.f32 v3, v11;
	v33 =	vpop (erf)  }
0x238: {  	v1 =	vld.idx.msk [tilespmem:v1+s15+$0x0], $0xffff;
	v7 =	vmul.f32 v59, v41;
	v37 =	vsub.f32 v0, v11;
	v12 =	vadd.f32 v32, v33  }
0x239: {  	v16 =	vmul.f32 v60, v21;
	v13 =	vadd.f32 $0.0e+00, v22;
	v39 =	vmul.f32 $1.442695020e+00, v36  }
0x23a: {  	v40 =	vsub.f32 v2, v11;
	v10 =	vmul.f32 $1.442695020e+00, v37;
	(erf) = vrcp.f32 v12  }
0x23b: {  	v4 =	vmul.f32 v4, v26;
	v29 =	vadd.f32 v16, v13;
	(erf) = vpow2.f32 v39  }
0x23c: {  	v42 =	vsub.f32 v5, v11;
	v41 =	vmul.f32 $1.442695020e+00, v40;
	(erf) = vpow2.f32 v10  }
0x23d: {  	v1 =	vmul.f32 v1, v7;
	v4 =	vadd.f32 v4, v29;
	v12 =	vsel vm1, $0x4, v38  }
0x23e: {  	[tilespmem:s0+$0x11280] =	vst v61;
	v44 =	vmul.f32 $1.442695020e+00, v42;
	v12 =	vsel vm0, $0x0, v12;
	(erf) = vpow2.f32 v41  }
0x23f: {  	[tilespmem:s29+$0x114D0] =	vst v21  }
0x240: {  	[tilespmem:s29+$0x116D0] =	vst v26;
	v1 =	vadd.f32 v1, v4;
	v43 =	vor.u32 $0x1, v12;
	(erf) = vpow2.f32 v44  }
0x241: {  	[tilespmem:s29+$0x118D0] =	vst v7  }
0x242: {  	[tilespmem:s0+$0x11A80] =	vst v1;
	v46 =	vor.u32 $0x2, v12  }
0x243: {  	v1 =	vld.idx.msk [tilespmem:v12+s15+$0x0], $0xffff;
	v45 =	vpop (erf)  }
0x244: {  	v12 =	vor.u32 $0x3, v12;
	v48 =	vpop (erf)  }
0x245: {  	vm10 =	vge.f32 v3, v0;
	v4 =	vld.idx.msk [tilespmem:v43+s15+$0x0], $0xffff;
	v49 =	vpop (erf)  }
0x246: {  	vm13 =	vge.f32 v0, v5;
	v47 =	vmul.f32 v45, v27;
	v50 =	vadd.f32 v49, v48  }
0x247: {  	vm15 =	vge.f32 v3, v5;
	vm11 =	vge.f32 v3, v2;
	vm14 =	vge.f32 v2, v5;
	v8 =	vld.idx.msk [tilespmem:v46+s15+$0x0], $0xffff;
	v51 =	vpop (erf)  }
0x248: {  	v6 =	vmul.f32 v45, v28;
	v1 =	vmul.f32 v1, v47;
	v14 =	vadd.f32 v50, v51  }
0x249: {  	vm12 =	vge.f32 v0, v2;
	v2 =	vsel vm14, $0x8, v57;
	v16 =	vmul.f32 v45, v31;
	v12 =	vld.idx.msk [tilespmem:v12+s15+$0x0], $0xffff;
	v52 =	vpop (erf)  }
0x24a: {  	v4 =	vmul.f32 v4, v6;
	v1 =	vadd.f32 $0.0e+00, v1;
	v53 =	vadd.f32 v14, v52  }
0x24b: {  	vm1 =	vmand vm12, vm13;
	vm0 =	vmand vm10, vm11;
	v7 =	vmul.f32 v45, v33  }
0x24c: {  	v54 =	vmul.f32 v8, v16;
	v1 =	vadd.f32 v4, v1;
	(erf) = vrcp.f32 v53  }
0x24d: {  	v2 =	vsel vm1, $0x4, v2;
	vm0 =	vmand vm0, vm15  }
0x24e: {  	v2 =	vsel vm0, $0x0, v2;
	[tilespmem:s31+$0x11280] =	vst v47;
	v55 =	vmul.f32 v12, v7;
	v0 =	vadd.f32 v54, v1  }
0x24f: {  	[tilespmem:s29+$0x114E0] =	vst v6  }
0x250: {  	v56 =	vor.u32 $0x1, v2;
	[tilespmem:s29+$0x116E0] =	vst v16;
	v0 =	vadd.f32 v55, v0  }
0x251: {  	[tilespmem:s29+$0x118E0] =	vst v7  }
0x252: {  	v57 =	vor.u32 $0x2, v2;
	[tilespmem:s31+$0x11A80] =	vst v0  }
0x253: {  	v58 =	vld.idx.msk [tilespmem:v2+s15+$0x0], $0xffff  }
0x254: {  	v2 =	vor.u32 $0x3, v2  }
0x255: {  	v1 =	vld.idx.msk [tilespmem:v56+s15+$0x0], $0xffff;
	v59 =	vpop (erf)  }
0x256: {  	v60 =	vmul.f32 v59, v48  }
0x257: {  	v0 =	vld.idx.msk [tilespmem:v57+s15+$0x0], $0xffff  }
0x258: {  	v61 =	vmul.f32 v59, v49;
	v3 =	vmul.f32 v58, v60  }
0x259: {  	v2 =	vld.idx.msk [tilespmem:v2+s15+$0x0], $0xffff  }
0x25a: {  	v62 =	vmul.f32 v59, v51;
	v1 =	vmul.f32 v1, v61;
	v3 =	vadd.f32 $0.0e+00, v3;
	_ =	sdelay $0x1  }
0x25b: {  	s24 =	sadd.s32 $0x1, s24;
	v4 =	vmul.f32 v59, v52;
	v0 =	vmul.f32 v0, v62;
	v1 =	vadd.f32 v1, v3  }
0x25c: {  	p0 =	sne.s32 s24, $0x4  }
.Ltmp8:
0x25d: {  	[tilespmem:s30+$0x11280] =	vst v60;
	v63 =	vmul.f32 v2, v4;
	v0 =	vadd.f32 v0, v1;
	(pc) =	sbr.rel @p0 .LBB2_6-.Ltmp8, $4  }
0x25e: {  	[tilespmem:s29+$0x114F0] =	vst v61  }
0x25f: {  	[tilespmem:s29+$0x116F0] =	vst v62;
	v0 =	vadd.f32 v63, v0  }
0x260: {  	[tilespmem:s29+$0x118F0] =	vst v4  }
0x261: {  	s25 =	sadd.s32 $0x4000, s25;
	s26 =	sadd.s32 $0x80, s26;
	s28 =	sadd.s32 $0x80, s28;
	[tilespmem:s30+$0x11A80] =	vst v0  }
0x262: {  	s0 =	rddreg [dreg:$0x6];
	s1 =	simm.s32 $0x11280  }
0x263: {  	[hbm4b:s0+s2] =	stream.linear.scatter [tilespmem:s1], [sflag:$0x2], $0x200, $0x38;
	[tilespmem:$0x11C80] =	vst v63  }
0x264: {  	_ =	swait.ge [sflag:s13], $0x200  }
0x265: {  	[sflag:s13] =	ssyncset.done $0x0  }
0x266: {  	s22 =	simm.s32 $0x11480;
	s21 =	rddreg [dreg:$0x8];
	[sflag:s13] =	ssyncadd.s32 $0xFFFFFE00  }
0x267: {  	[hbm4b:s21+s2] =	stream.linear.scatter [tilespmem:s22], [sflag:$0x2], $0x200, $0x38;
	[tilespmem:$0x11C80] =	vst v63  }
0x268: {  	_ =	swait.ge [sflag:s13], $0x200  }
0x269: {  	[sflag:s13] =	ssyncset.done $0x0  }
0x26a: {  	s24 =	simm.s32 $0x11680;
	s23 =	rddreg [dreg:$0x9];
	[sflag:s13] =	ssyncadd.s32 $0xFFFFFE00  }
0x26b: {  	[hbm4b:s23+s2] =	stream.linear.scatter [tilespmem:s24], [sflag:$0x2], $0x200, $0x38;
	[tilespmem:$0x11C80] =	vst v63  }
0x26c: {  	_ =	swait.ge [sflag:s13], $0x200  }
0x26d: {  	[sflag:s13] =	ssyncset.done $0x0  }
0x26e: {  	s26 =	simm.s32 $0x11880;
	s25 =	rddreg [dreg:$0xa];
	[sflag:s13] =	ssyncadd.s32 $0xFFFFFE00  }
0x26f: {  	[hbm4b:s25+s2] =	stream.linear.scatter [tilespmem:s26], [sflag:$0x2], $0x200, $0x38;
	[tilespmem:$0x11C80] =	vst v63  }
0x270: {  	_ =	swait.ge [sflag:s13], $0x200  }
0x271: {  	[sflag:s13] =	ssyncset.done $0x0  }
0x272: {  	s29 =	simm.s32 $0x11A80;
	s28 =	rddreg [dreg:$0xb];
	[sflag:s13] =	ssyncadd.s32 $0xFFFFFE00  }
0x273: {  	[hbm4b:s28+s2] =	stream.linear.scatter [tilespmem:s29], [sflag:$0x2], $0x200, $0x38;
	[tilespmem:$0x11C80] =	vst v63  }
0x274: {  	_ =	swait.ge [sflag:s13], $0x200  }
0x275: {  	s30 =	rddreg [dreg:$0xd]  }
0x276: {  	s31 =	rddreg [dreg:$0xc];
	s1 =	sadd.s32 $0x1, s30  }
0x277: {  	p0 =	sne.s32 s1, s31  }
.Ltmp9:
0x278: {  	_ = 	snop;
	(pc) =	sbr.rel @p0 .LBB2_1-.Ltmp9, $3  }
0x279: {  	_ =	sdelay $0x1  }
0x27a: {  	[sflag:s13] =	ssyncset.done $0x0  }
0x27b: {  	[sflag:s13] =	ssyncadd.s32 $0xFFFFFE00  }
0x27c: {  	_ =	sfence.sel $0x180000  }
0x27d: {  	[bflag:$0x0] =	sbarrier.arrive $0xFFFF  }
0x27e: {  	_ =	strace $0x90000047  }
0x27f: {  	s0 =	stileid.u32;
	[bflag:$0x2] =	sbarrier.arrive $0xFFFF  }
0x280: {  	p0 =	sne.s32 s0, $0x0;
	s0 =	rddreg [dreg:$0x3]  }
0x281: {  	s0 =	sadd.s32 @!p0 $0x100000, s0  }
0x282: {  	[sflag:s0] =	ssyncadd.tile.s32 @!p0 $0x1;
	_ =	shalt  }
.Lfunc_end2:
_tile_overlayer_lowered:
.L_overlay_start_2:
0x283: {  	(tag) =	ssettag $0x2  }
0x284: {  	s0 =	rddreg [dreg:$0x0];
	s2 =	stileid.u32  }
0x285: {  	s1 =	rddreg [dreg:$0x1];
	p0 =	sne.s32 s2, $0x0  }
0x286: {  	s3 =	rddreg [dreg:$0x2];
	[bflag:$0x3] =	sbarrier.arrive $0xFFFF;
	s2 =	simm.s32 @!p0 $0x1C02  }
0x287: {  	[timem:s3], [sflag:s2] =	dma.local @!p0 [hbm:s0], s1  }
0x288: {  	s0 =	simm.s32 @!p0 $0x2  }
0x289: {  	_ =	swait.ge @!p0 [sflag:s0], s1  }
0x28a: {  	s1 =	ssub.s32 @!p0 $0x0, s1;
	[sflag:s0] =	ssyncset.done @!p0 $0x0  }
0x28b: {  	[sflag:s0] =	ssyncadd.s32 @!p0 s1  }
0x28c: {  	[bflag:$0x3] =	sbarrier.arrive $0xFFFF  }
0x28d: {  	_ =	shalt  }

</sc_bundles>
